<compile_context>
chip_gen: v7x
topology: tpu7x:2x2x1
jax: 0.10.2.dev20260603
libtpu: 0.0.44.dev20260713+nightly
codegen_flags: <defaults>
</compile_context>

<pallas_src>
import functools

import jax
import jax.numpy as jnp
from jax import lax
from jax.experimental import pallas as pl
from jax.experimental.pallas import tpu as pltpu
from jax.experimental.pallas import tpu_sc as plsc

_NW = 32
_CHUNK = 128


def _sc_gather(table, ids_flat, out_wd=None):
    ntok = ids_flat.shape[0]
    wd = table.shape[1]
    out_wd = wd if out_wd is None else out_wd
    dt = table.dtype
    tok_per_w = ntok // _NW
    n_chunk = tok_per_w // _CHUNK
    mesh = plsc.VectorSubcoreMesh(core_axis_name="c", subcore_axis_name="s")

    nb = 4

    @functools.partial(
        pl.kernel,
        mesh=mesh,
        out_type=jax.ShapeDtypeStruct((ntok, out_wd), dt),
        scratch_types=[
            pltpu.VMEM((n_chunk, _CHUNK), jnp.int32),
            pltpu.VMEM((nb, _CHUNK, wd), dt),
            pltpu.SemaphoreType.DMA,
            pltpu.SemaphoreType.DMA,
        ],
    )
    def k(table_hbm, idx_hbm, out_hbm, idx_v, rows_v, gsem, osem):
        wid = lax.axis_index("s") * 2 + lax.axis_index("c")
        base = wid * tok_per_w

        pltpu.sync_copy(idx_hbm.at[wid], idx_v)

        def gath(g, slot):
            pltpu.async_copy(table_hbm.at[idx_v.at[g]], rows_v.at[slot], gsem)

        def gath_wait(g, slot):
            pltpu.make_async_copy(table_hbm.at[idx_v.at[g]],
                                  rows_v.at[slot], gsem).wait()

        owd = out_hbm.shape[1]

        def wr(g, slot):
            pltpu.async_copy(rows_v.at[slot, :, pl.ds(0, owd)],
                             out_hbm.at[pl.ds(base + g * _CHUNK, _CHUNK)], osem)

        def wr_wait(g, slot):
            pltpu.make_async_copy(
                rows_v.at[slot, :, pl.ds(0, owd)],
                out_hbm.at[pl.ds(base + g * _CHUNK, _CHUNK)], osem).wait()

        for p in range(nb - 1):
            gath(p, p)

        def body(gg, _):
            for b in range(nb):
                g = gg * nb + b
                gath_wait(g, b)
                wr(g, b)
                @pl.when(g > 0)
                def _():
                    wr_wait(g - 1, (b + nb - 1) % nb)

                @pl.when(g + nb - 1 < n_chunk)
                def _():
                    gath(g + nb - 1, (b + nb - 1) % nb)
            return 0

        lax.fori_loop(0, n_chunk // nb, body, 0)
        wr_wait(n_chunk - 1, nb - 1)

    return k(table, ids_flat.reshape(_NW, n_chunk, _CHUNK))


_BT = 4096


def _dense_body(g_ref, s_ref, w_ref, pt_ref, gm_ref, bt_ref, o_ref):
    _, dim, bt = o_ref.shape
    g = g_ref[...]
    xt = lax.dot_general(w_ref[...], g, (((0,), (1,)), ((), ())),
                         preferred_element_type=jnp.float32)
    l = pl.program_id(0)
    s = s_ref[...].reshape(1, bt)
    ptid = lax.broadcast_in_dim(l * 3 + s, (64, bt), (0, 1))
    cls = lax.broadcasted_iota(jnp.int32, (64, bt), 0)
    oht = jnp.where(ptid == cls, 1.0, 0.0)
    xt = xt + lax.dot_general(pt_ref[...], oht, (((0,), (0,)), ((), ())),
                              preferred_element_type=jnp.float32)
    mean = jnp.sum(xt, axis=0, keepdims=True) * (1.0 / dim)
    xc = xt - mean
    var = jnp.sum(xc * xc, axis=0, keepdims=True) * (1.0 / dim)
    y = xc * lax.rsqrt(var + 1e-12)
    y = y * gm_ref[...] + bt_ref[...]
    o_ref[...] = y.reshape(1, dim, bt)


def _dense_body_acc(prev_ref, g_ref, s_ref, w_ref, pt_ref, gm_ref, bt_ref, o_ref):
    del prev_ref
    _dense_body(g_ref, s_ref, w_ref, pt_ref, gm_ref, bt_ref, o_ref)


def _tc_dense(g2, seg3, W2, PTa, gammaT, betaT, batch, L, b_off=0, prev=None):
    wd = W2.shape[0]
    dim = W2.shape[1]
    hb = g2.shape[0] // L
    nbb = hb // _BT
    grid = (L, nbb)
    in_specs = [
        pl.BlockSpec((_BT, wd), lambda l, j: (l * nbb + j, 0)),
        pl.BlockSpec((1, 1, _BT), lambda l, j: (l, 0, j + b_off)),
        pl.BlockSpec((wd, dim), lambda l, j: (0, 0)),
        pl.BlockSpec((64, dim), lambda l, j: (0, 0)),
        pl.BlockSpec((dim, 1), lambda l, j: (0, 0)),
        pl.BlockSpec((dim, 1), lambda l, j: (0, 0)),
    ]
    args = (g2, seg3, W2, PTa, gammaT, betaT)
    body = _dense_body
    kwargs = {}
    if prev is not None:
        in_specs = [pl.BlockSpec(memory_space=pl.ANY)] + in_specs
        args = (prev,) + args
        body = _dense_body_acc
        kwargs["input_output_aliases"] = {0: 0}
    return pl.pallas_call(
        body,
        grid=grid,
        in_specs=in_specs,
        out_specs=pl.BlockSpec((1, dim, _BT), lambda l, j: (l, 0, j + b_off)),
        out_shape=jax.ShapeDtypeStruct((L, dim, batch), jnp.float32),
        **kwargs,
    )(*args)


def kernel(input_ids, segment_ids, word_emb, W2, pos_emb, type_emb, gamma, beta):
    batch, L = input_ids.shape
    dim = W2.shape[1]
    idsT = input_ids.astype(jnp.int32).T
    segT = segment_ids.astype(jnp.int32).T
    gammaT = gamma.reshape(-1, 1)
    betaT = beta.reshape(-1, 1)

    PTa = jnp.zeros((64, dim), jnp.float32)
    PTa = PTa.at[: 3 * L].set(
        (pos_emb[:, None, :] + type_emb[None, :, :]).reshape(3 * L, dim))

    nsplit = 4
    hb = batch // nsplit
    seg3 = segT.reshape(L, 1, batch)
    out = None
    for q in range(nsplit):
        ids_q = idsT[:, q * hb:(q + 1) * hb].reshape(-1)
        g_q = _sc_gather(word_emb, ids_q)
        out = _tc_dense(g_q, seg3, W2, PTa, gammaT, betaT, batch, L,
                        b_off=q * (hb // _BT), prev=out)
    return jnp.transpose(out, (2, 0, 1))

# --- scband reference (transcript-rebuilt; emitter-appended) ---
"""Pipeline reference for scband-embeddings-61890478736106 (READ-ONLY COPY).

The authoritative reference and input builder live on the scoring server;
editing this copy changes nothing except your own understanding.
"""

import jax, jax.numpy as jnp
import numpy as np

VOCAB = 30000
WORD_DIM = 128
DIM = 312
MAX_LEN = 20
BATCH = 16384

def setup_inputs(seed: int = 0) -> dict:
    key = jax.random.key(seed)
    k1, k2, k3, k4, k5, k6 = jax.random.split(key, 6)
    input_ids = jax.random.randint(k1, (BATCH, MAX_LEN), 0, VOCAB, dtype=jnp.int64 if jax.config.jax_enable_x64 else jnp.int32)
    segment_ids = jax.random.randint(k2, (BATCH, MAX_LEN), 0, 3, dtype=jnp.int64 if jax.config.jax_enable_x64 else jnp.int32)
    word_emb = jax.random.normal(k3, (VOCAB, WORD_DIM), dtype=jnp.float32) * 0.02
    word_emb = word_emb.at[0].set(0.0)  # padding_idx=0
    W2 = jax.random.normal(k4, (WORD_DIM, DIM), dtype=jnp.float32) * 0.02
    pos_emb = jax.random.normal(k5, (MAX_LEN, DIM), dtype=jnp.float32) * 0.02
    type_emb = jax.random.normal(k6, (3, DIM), dtype=jnp.float32) * 0.02
    gamma = jnp.ones((DIM,), dtype=jnp.float32)
    beta = jnp.zeros((DIM,), dtype=jnp.float32)
    return {"input_ids": input_ids, "segment_ids": segment_ids,
            "word_emb": word_emb, "W2": W2, "pos_emb": pos_emb,
            "type_emb": type_emb, "gamma": gamma, "beta": beta}

def _layer_norm(x, gamma, beta, eps=1e-12):
    mean = jnp.mean(x, axis=-1, keepdims=True)
    var = jnp.mean((x - mean) ** 2, axis=-1, keepdims=True)
    return (x - mean) / jnp.sqrt(var + eps) * gamma + beta

def reference(input_ids, segment_ids, word_emb, W2, pos_emb, type_emb, gamma, beta):
    # position_ids default: arange(max_len) broadcast over batch
    position_ids = jnp.broadcast_to(jnp.arange(MAX_LEN, dtype=input_ids.dtype)[None, :], input_ids.shape)
    words_embeddings = jnp.take(word_emb, input_ids, axis=0)            # [B, L, 128]
    words_embeddings = words_embeddings @ W2                            # [B, L, 312]
    position_embeddings = jnp.take(pos_emb, position_ids, axis=0)      # [B, L, 312]
    token_type_embeddings = jnp.take(type_emb, segment_ids, axis=0)    # [B, L, 312]
    embeddings = words_embeddings + position_embeddings + token_type_embeddings
    embeddings = _layer_norm(embeddings, gamma, beta, eps=1e-12)
    # dropout p=0.0 -> identity
    return embeddings

if False:  # reference __main__ guard neutralized (emitter)
    out = reference(**setup_inputs())
    print(out.shape, out.dtype)

if __name__ == "__main__":
    import jax
    _d = setup_inputs()
    print(jax.jit(kernel)(*tuple(_d.values())))

</pallas_src>

<mosaic_0001>
#map = affine_map<(d0, d1) -> (0, 0)>
#map1 = affine_map<(d0, d1) -> (0, 0, 0)>
module attributes {stable_mosaic.version = 14 : i64} {
  func.func @k(%arg0: i32, %arg1: i32, %arg2: memref<30000x128xf32, #tpu.memory_space<hbm>>, %arg3: memref<32x20x128xi32, #tpu.memory_space<hbm>>, %arg4: memref<81920x128xf32, #tpu.memory_space<hbm>>, %arg5: memref<20x128xi32, #tpu.memory_space<vmem>>, %arg6: memref<4x128x128xf32, #tpu.memory_space<vmem>>, %arg7: memref<!tpu.dma_semaphore, #tpu.memory_space<semaphore_mem>>, %arg8: memref<!tpu.dma_semaphore, #tpu.memory_space<semaphore_mem>>) attributes {dimension_semantics = [#tpu.dimension_semantics<core_parallel>, #tpu.dimension_semantics<subcore_parallel>], iteration_bounds = array<i64: 2, 16>, scalar_prefetch = 0 : i64, scratch_operands = 4 : i64, tpu.core_type = #tpu.core_type<sc_vector_subcore>, window_params = [{transform_indices = #map}, {transform_indices = #map1}, {transform_indices = #map}]} {
    %mul3A = arith.constant 2 : i32
    %mul3A_0 = arith.muli %arg1, %mul3A : i32
    %add3A = arith.addi %mul3A_0, %arg0 : i32
    %mul3A_1 = arith.constant 2560 : i32
    %mul3A_2 = arith.muli %add3A, %mul3A_1 : i32
    "tpu.region"() ({
      %run_scoped3A = tpu.sem_alloc : memref<!tpu.dma_semaphore, #tpu.memory_space<semaphore_mem>>
      %dma_start3A_58 = arith.constant 0 : i32
      %dma_start3A_59 = arith.constant 0 : i32
      %dma_start3A_60 = tpu.memref_slice %arg3[%add3A, %dma_start3A_58, %dma_start3A_59] : memref<32x20x128xi32, #tpu.memory_space<hbm>> -> memref<1x20x128xi32, #tpu.memory_space<hbm>>
      %dma_start3A_61 = tpu.memref_squeeze %dma_start3A_60 : memref<1x20x128xi32, #tpu.memory_space<hbm>> -> memref<20x128xi32, #tpu.memory_space<hbm>>
      %dma_start3A_62 = arith.constant 0 : i32
      %dma_start3A_63 = arith.constant 0 : i32
      %dma_start3A_64 = tpu.memref_slice %arg3[%add3A, %dma_start3A_62, %dma_start3A_63] : memref<32x20x128xi32, #tpu.memory_space<hbm>> -> memref<1x20x128xi32, #tpu.memory_space<hbm>>
      %dma_start3A_65 = tpu.memref_squeeze %dma_start3A_64 : memref<1x20x128xi32, #tpu.memory_space<hbm>> -> memref<20x128xi32, #tpu.memory_space<hbm>>
      tpu.enqueue_dma source(%dma_start3A_65 : memref<20x128xi32, #tpu.memory_space<hbm>>) target(%arg5 : memref<20x128xi32, #tpu.memory_space<vmem>>) target_semaphore(%run_scoped3A : memref<!tpu.dma_semaphore, #tpu.memory_space<semaphore_mem>>)
      %dma_wait3A_66 = arith.constant 0 : i32
      %dma_wait3A_67 = arith.constant 0 : i32
      %dma_wait3A_68 = tpu.memref_slice %arg3[%add3A, %dma_wait3A_66, %dma_wait3A_67] : memref<32x20x128xi32, #tpu.memory_space<hbm>> -> memref<1x20x128xi32, #tpu.memory_space<hbm>>
      %dma_wait3A_69 = tpu.memref_squeeze %dma_wait3A_68 : memref<1x20x128xi32, #tpu.memory_space<hbm>> -> memref<20x128xi32, #tpu.memory_space<hbm>>
      %dma_wait3A_70 = arith.constant 0 : i32
      %dma_wait3A_71 = arith.constant 0 : i32
      %dma_wait3A_72 = tpu.memref_slice %arg3[%add3A, %dma_wait3A_70, %dma_wait3A_71] : memref<32x20x128xi32, #tpu.memory_space<hbm>> -> memref<1x20x128xi32, #tpu.memory_space<hbm>>
      %dma_wait3A_73 = tpu.memref_squeeze %dma_wait3A_72 : memref<1x20x128xi32, #tpu.memory_space<hbm>> -> memref<20x128xi32, #tpu.memory_space<hbm>>
      tpu.wait_dma2 semaphore(%run_scoped3A : memref<!tpu.dma_semaphore, #tpu.memory_space<semaphore_mem>>) src(%dma_wait3A_73 : memref<20x128xi32, #tpu.memory_space<hbm>>) dst(%arg5 : memref<20x128xi32, #tpu.memory_space<vmem>>)
      tpu.yield
    }) : () -> ()
    %dma_start3A = arith.constant 0 : i32
    %dma_start3A_3 = arith.constant 0 : i32
    %dma_start3A_4 = arith.constant 0 : i32
    %dma_start3A_5 = arith.constant 0 : i32
    %dma_start3A_6 = tpu.memref_slice %arg6[%dma_start3A_3, %dma_start3A_4, %dma_start3A_5] : memref<4x128x128xf32, #tpu.memory_space<vmem>> -> memref<1x128x128xf32, #tpu.memory_space<vmem>>
    %dma_start3A_7 = tpu.memref_squeeze %dma_start3A_6 : memref<1x128x128xf32, #tpu.memory_space<vmem>> -> memref<128x128xf32, #tpu.memory_space<vmem>>
    %dma_start3A_8 = arith.constant 0 : i32
    %dma_start3A_9 = tpu.memref_slice %arg5[%dma_start3A, %dma_start3A_8] : memref<20x128xi32, #tpu.memory_space<vmem>> -> memref<1x128xi32, #tpu.memory_space<vmem>>
    %dma_start3A_10 = tpu.memref_squeeze %dma_start3A_9 : memref<1x128xi32, #tpu.memory_space<vmem>> -> memref<128xi32, #tpu.memory_space<vmem>>
    %dma_start3A_11 = arith.constant 0 : i32
    %dma_start3A_12 = arith.constant 0 : i32
    %dma_start3A_13 = tpu.memref_slice %arg2[%dma_start3A_11, %dma_start3A_12] : memref<30000x128xf32, #tpu.memory_space<hbm>> -> memref<30000x128xf32, #tpu.memory_space<hbm>>
    tpu.enqueue_indirect_dma source(%dma_start3A_13 : memref<30000x128xf32, #tpu.memory_space<hbm>>) target(%dma_start3A_7 : memref<128x128xf32, #tpu.memory_space<vmem>>) offsets(%dma_start3A_10 : memref<128xi32, #tpu.memory_space<vmem>>) semaphore(%arg7 : memref<!tpu.dma_semaphore, #tpu.memory_space<semaphore_mem>>)
    %dma_start3A_14 = arith.constant 1 : i32
    %dma_start3A_15 = arith.constant 1 : i32
    %dma_start3A_16 = arith.constant 0 : i32
    %dma_start3A_17 = arith.constant 0 : i32
    %dma_start3A_18 = tpu.memref_slice %arg6[%dma_start3A_15, %dma_start3A_16, %dma_start3A_17] : memref<4x128x128xf32, #tpu.memory_space<vmem>> -> memref<1x128x128xf32, #tpu.memory_space<vmem>>
    %dma_start3A_19 = tpu.memref_squeeze %dma_start3A_18 : memref<1x128x128xf32, #tpu.memory_space<vmem>> -> memref<128x128xf32, #tpu.memory_space<vmem>>
    %dma_start3A_20 = arith.constant 0 : i32
    %dma_start3A_21 = tpu.memref_slice %arg5[%dma_start3A_14, %dma_start3A_20] : memref<20x128xi32, #tpu.memory_space<vmem>> -> memref<1x128xi32, #tpu.memory_space<vmem>>
    %dma_start3A_22 = tpu.memref_squeeze %dma_start3A_21 : memref<1x128xi32, #tpu.memory_space<vmem>> -> memref<128xi32, #tpu.memory_space<vmem>>
    %dma_start3A_23 = arith.constant 0 : i32
    %dma_start3A_24 = arith.constant 0 : i32
    %dma_start3A_25 = tpu.memref_slice %arg2[%dma_start3A_23, %dma_start3A_24] : memref<30000x128xf32, #tpu.memory_space<hbm>> -> memref<30000x128xf32, #tpu.memory_space<hbm>>
    tpu.enqueue_indirect_dma source(%dma_start3A_25 : memref<30000x128xf32, #tpu.memory_space<hbm>>) target(%dma_start3A_19 : memref<128x128xf32, #tpu.memory_space<vmem>>) offsets(%dma_start3A_22 : memref<128xi32, #tpu.memory_space<vmem>>) semaphore(%arg7 : memref<!tpu.dma_semaphore, #tpu.memory_space<semaphore_mem>>)
    %dma_start3A_26 = arith.constant 2 : i32
    %dma_start3A_27 = arith.constant 2 : i32
    %dma_start3A_28 = arith.constant 0 : i32
    %dma_start3A_29 = arith.constant 0 : i32
    %dma_start3A_30 = tpu.memref_slice %arg6[%dma_start3A_27, %dma_start3A_28, %dma_start3A_29] : memref<4x128x128xf32, #tpu.memory_space<vmem>> -> memref<1x128x128xf32, #tpu.memory_space<vmem>>
    %dma_start3A_31 = tpu.memref_squeeze %dma_start3A_30 : memref<1x128x128xf32, #tpu.memory_space<vmem>> -> memref<128x128xf32, #tpu.memory_space<vmem>>
    %dma_start3A_32 = arith.constant 0 : i32
    %dma_start3A_33 = tpu.memref_slice %arg5[%dma_start3A_26, %dma_start3A_32] : memref<20x128xi32, #tpu.memory_space<vmem>> -> memref<1x128xi32, #tpu.memory_space<vmem>>
    %dma_start3A_34 = tpu.memref_squeeze %dma_start3A_33 : memref<1x128xi32, #tpu.memory_space<vmem>> -> memref<128xi32, #tpu.memory_space<vmem>>
    %dma_start3A_35 = arith.constant 0 : i32
    %dma_start3A_36 = arith.constant 0 : i32
    %dma_start3A_37 = tpu.memref_slice %arg2[%dma_start3A_35, %dma_start3A_36] : memref<30000x128xf32, #tpu.memory_space<hbm>> -> memref<30000x128xf32, #tpu.memory_space<hbm>>
    tpu.enqueue_indirect_dma source(%dma_start3A_37 : memref<30000x128xf32, #tpu.memory_space<hbm>>) target(%dma_start3A_31 : memref<128x128xf32, #tpu.memory_space<vmem>>) offsets(%dma_start3A_34 : memref<128xi32, #tpu.memory_space<vmem>>) semaphore(%arg7 : memref<!tpu.dma_semaphore, #tpu.memory_space<semaphore_mem>>)
    %scan3A = arith.constant 0 : i32
    %scan3A_38 = arith.constant 0 : i32
    %scan3A_39 = arith.constant 5 : i32
    %scan3A_40 = arith.addi %scan3A_38, %scan3A_39 : i32
    %scan3A_41 = arith.constant 1 : i32
    %scan3A_42 = scf.for %scan3A_58 = %scan3A_38 to %scan3A_40 step %scan3A_41 iter_args(%scan3A_59 = %scan3A) -> (i32)  : i32 {
      %mul3A_60 = arith.constant 4 : i32
      %mul3A_61 = arith.muli %scan3A_58, %mul3A_60 : i32
      %add3A_62 = arith.constant 0 : i32
      %add3A_63 = arith.addi %mul3A_61, %add3A_62 : i32
      %dma_wait3A_64 = arith.constant 0 : i32
      %dma_wait3A_65 = arith.constant 0 : i32
      %dma_wait3A_66 = arith.constant 0 : i32
      %dma_wait3A_67 = tpu.memref_slice %arg6[%dma_wait3A_64, %dma_wait3A_65, %dma_wait3A_66] : memref<4x128x128xf32, #tpu.memory_space<vmem>> -> memref<1x128x128xf32, #tpu.memory_space<vmem>>
      %dma_wait3A_68 = tpu.memref_squeeze %dma_wait3A_67 : memref<1x128x128xf32, #tpu.memory_space<vmem>> -> memref<128x128xf32, #tpu.memory_space<vmem>>
      %dma_wait3A_69 = arith.constant 0 : i32
      %dma_wait3A_70 = tpu.memref_slice %arg5[%add3A_63, %dma_wait3A_69] : memref<20x128xi32, #tpu.memory_space<vmem>> -> memref<1x128xi32, #tpu.memory_space<vmem>>
      %dma_wait3A_71 = tpu.memref_squeeze %dma_wait3A_70 : memref<1x128xi32, #tpu.memory_space<vmem>> -> memref<128xi32, #tpu.memory_space<vmem>>
      %dma_wait3A_72 = arith.constant 0 : i32
      %dma_wait3A_73 = arith.constant 0 : i32
      %dma_wait3A_74 = tpu.memref_slice %arg2[%dma_wait3A_72, %dma_wait3A_73] : memref<30000x128xf32, #tpu.memory_space<hbm>> -> memref<30000x128xf32, #tpu.memory_space<hbm>>
      tpu.wait_indirect_dma semaphore(%arg7 : memref<!tpu.dma_semaphore, #tpu.memory_space<semaphore_mem>>) src(%dma_wait3A_74 : memref<30000x128xf32, #tpu.memory_space<hbm>>) dst(%dma_wait3A_68 : memref<128x128xf32, #tpu.memory_space<vmem>>)
      %mul3A_75 = arith.constant 128 : i32
      %mul3A_76 = arith.muli %add3A_63, %mul3A_75 : i32
      %add3A_77 = arith.addi %mul3A_2, %mul3A_76 : i32
      %dma_start3A_78 = arith.constant 0 : i32
      %dma_start3A_79 = arith.constant 0 : i32
      %dma_start3A_80 = arith.constant 0 : i32
      %dma_start3A_81 = tpu.memref_slice %arg6[%dma_start3A_78, %dma_start3A_79, %dma_start3A_80] : memref<4x128x128xf32, #tpu.memory_space<vmem>> -> memref<1x128x128xf32, #tpu.memory_space<vmem>>
      %dma_start3A_82 = tpu.memref_squeeze %dma_start3A_81 : memref<1x128x128xf32, #tpu.memory_space<vmem>> -> memref<128x128xf32, #tpu.memory_space<vmem>>
      %dma_start3A_83 = arith.constant 0 : i32
      %dma_start3A_84 = tpu.memref_slice %arg4[%add3A_77, %dma_start3A_83] : memref<81920x128xf32, #tpu.memory_space<hbm>> -> memref<128x128xf32, #tpu.memory_space<hbm>>
      %dma_start3A_85 = arith.constant 0 : i32
      %dma_start3A_86 = tpu.memref_slice %arg4[%add3A_77, %dma_start3A_85] : memref<81920x128xf32, #tpu.memory_space<hbm>> -> memref<128x128xf32, #tpu.memory_space<hbm>>
      %dma_start3A_87 = arith.constant 0 : i32
      %dma_start3A_88 = arith.constant 0 : i32
      %dma_start3A_89 = tpu.memref_slice %arg6[%dma_start3A_78, %dma_start3A_87, %dma_start3A_88] : memref<4x128x128xf32, #tpu.memory_space<vmem>> -> memref<1x128x128xf32, #tpu.memory_space<vmem>>
      %dma_start3A_90 = tpu.memref_squeeze %dma_start3A_89 : memref<1x128x128xf32, #tpu.memory_space<vmem>> -> memref<128x128xf32, #tpu.memory_space<vmem>>
      tpu.enqueue_dma source(%dma_start3A_90 : memref<128x128xf32, #tpu.memory_space<vmem>>) target(%dma_start3A_86 : memref<128x128xf32, #tpu.memory_space<hbm>>) target_semaphore(%arg8 : memref<!tpu.dma_semaphore, #tpu.memory_space<semaphore_mem>>)
      %gt3A = arith.constant 0 : i32
      %gt3A_91 = arith.cmpi sgt, %add3A_63, %gt3A : i32
      %convert_element_type3A = arith.extui %gt3A_91 : i1 to i32
      %cond3A = arith.constant 0 : i32
      %cond3A_92 = arith.cmpi ne, %convert_element_type3A, %cond3A : i32
      scf.if %cond3A_92 {
        %sub3A_236 = arith.constant 1 : i32
        %sub3A_237 = arith.subi %add3A_63, %sub3A_236 : i32
        %mul3A_238 = arith.constant 128 : i32
        %mul3A_239 = arith.muli %sub3A_237, %mul3A_238 : i32
        %add3A_240 = arith.addi %mul3A_2, %mul3A_239 : i32
        %dma_wait3A_241 = arith.constant 3 : i32
        %dma_wait3A_242 = arith.constant 0 : i32
        %dma_wait3A_243 = arith.constant 0 : i32
        %dma_wait3A_244 = tpu.memref_slice %arg6[%dma_wait3A_241, %dma_wait3A_242, %dma_wait3A_243] : memref<4x128x128xf32, #tpu.memory_space<vmem>> -> memref<1x128x128xf32, #tpu.memory_space<vmem>>
        %dma_wait3A_245 = tpu.memref_squeeze %dma_wait3A_244 : memref<1x128x128xf32, #tpu.memory_space<vmem>> -> memref<128x128xf32, #tpu.memory_space<vmem>>
        %dma_wait3A_246 = arith.constant 0 : i32
        %dma_wait3A_247 = tpu.memref_slice %arg4[%add3A_240, %dma_wait3A_246] : memref<81920x128xf32, #tpu.memory_space<hbm>> -> memref<128x128xf32, #tpu.memory_space<hbm>>
        %dma_wait3A_248 = arith.constant 0 : i32
        %dma_wait3A_249 = tpu.memref_slice %arg4[%add3A_240, %dma_wait3A_248] : memref<81920x128xf32, #tpu.memory_space<hbm>> -> memref<128x128xf32, #tpu.memory_space<hbm>>
        %dma_wait3A_250 = arith.constant 0 : i32
        %dma_wait3A_251 = arith.constant 0 : i32
        %dma_wait3A_252 = tpu.memref_slice %arg6[%dma_wait3A_241, %dma_wait3A_250, %dma_wait3A_251] : memref<4x128x128xf32, #tpu.memory_space<vmem>> -> memref<1x128x128xf32, #tpu.memory_space<vmem>>
        %dma_wait3A_253 = tpu.memref_squeeze %dma_wait3A_252 : memref<1x128x128xf32, #tpu.memory_space<vmem>> -> memref<128x128xf32, #tpu.memory_space<vmem>>
        tpu.wait_dma2 semaphore(%arg8 : memref<!tpu.dma_semaphore, #tpu.memory_space<semaphore_mem>>) src(%dma_wait3A_253 : memref<128x128xf32, #tpu.memory_space<vmem>>) dst(%dma_wait3A_249 : memref<128x128xf32, #tpu.memory_space<hbm>>)
      } else {
      }
      %add3A_93 = arith.constant 4 : i32
      %add3A_94 = arith.addi %add3A_63, %add3A_93 : i32
      %sub3A = arith.constant 1 : i32
      %sub3A_95 = arith.subi %add3A_94, %sub3A : i32
      %lt3A = arith.constant 20 : i32
      %lt3A_96 = arith.cmpi slt, %sub3A_95, %lt3A : i32
      %convert_element_type3A_97 = arith.extui %lt3A_96 : i1 to i32
      %cond3A_98 = arith.constant 0 : i32
      %cond3A_99 = arith.cmpi ne, %convert_element_type3A_97, %cond3A_98 : i32
      scf.if %cond3A_99 {
        %add3A_236 = arith.constant 4 : i32
        %add3A_237 = arith.addi %add3A_63, %add3A_236 : i32
        %sub3A_238 = arith.constant 1 : i32
        %sub3A_239 = arith.subi %add3A_237, %sub3A_238 : i32
        %dma_start3A_240 = arith.constant 3 : i32
        %dma_start3A_241 = arith.constant 0 : i32
        %dma_start3A_242 = arith.constant 0 : i32
        %dma_start3A_243 = tpu.memref_slice %arg6[%dma_start3A_240, %dma_start3A_241, %dma_start3A_242] : memref<4x128x128xf32, #tpu.memory_space<vmem>> -> memref<1x128x128xf32, #tpu.memory_space<vmem>>
        %dma_start3A_244 = tpu.memref_squeeze %dma_start3A_243 : memref<1x128x128xf32, #tpu.memory_space<vmem>> -> memref<128x128xf32, #tpu.memory_space<vmem>>
        %dma_start3A_245 = arith.constant 0 : i32
        %dma_start3A_246 = tpu.memref_slice %arg5[%sub3A_239, %dma_start3A_245] : memref<20x128xi32, #tpu.memory_space<vmem>> -> memref<1x128xi32, #tpu.memory_space<vmem>>
        %dma_start3A_247 = tpu.memref_squeeze %dma_start3A_246 : memref<1x128xi32, #tpu.memory_space<vmem>> -> memref<128xi32, #tpu.memory_space<vmem>>
        %dma_start3A_248 = arith.constant 0 : i32
        %dma_start3A_249 = arith.constant 0 : i32
        %dma_start3A_250 = tpu.memref_slice %arg2[%dma_start3A_248, %dma_start3A_249] : memref<30000x128xf32, #tpu.memory_space<hbm>> -> memref<30000x128xf32, #tpu.memory_space<hbm>>
        tpu.enqueue_indirect_dma source(%dma_start3A_250 : memref<30000x128xf32, #tpu.memory_space<hbm>>) target(%dma_start3A_244 : memref<128x128xf32, #tpu.memory_space<vmem>>) offsets(%dma_start3A_247 : memref<128xi32, #tpu.memory_space<vmem>>) semaphore(%arg7 : memref<!tpu.dma_semaphore, #tpu.memory_space<semaphore_mem>>)
      } else {
      }
      %mul3A_100 = arith.constant 4 : i32
      %mul3A_101 = arith.muli %scan3A_58, %mul3A_100 : i32
      %add3A_102 = arith.constant 1 : i32
      %add3A_103 = arith.addi %mul3A_101, %add3A_102 : i32
      %dma_wait3A_104 = arith.constant 1 : i32
      %dma_wait3A_105 = arith.constant 0 : i32
      %dma_wait3A_106 = arith.constant 0 : i32
      %dma_wait3A_107 = tpu.memref_slice %arg6[%dma_wait3A_104, %dma_wait3A_105, %dma_wait3A_106] : memref<4x128x128xf32, #tpu.memory_space<vmem>> -> memref<1x128x128xf32, #tpu.memory_space<vmem>>
      %dma_wait3A_108 = tpu.memref_squeeze %dma_wait3A_107 : memref<1x128x128xf32, #tpu.memory_space<vmem>> -> memref<128x128xf32, #tpu.memory_space<vmem>>
      %dma_wait3A_109 = arith.constant 0 : i32
      %dma_wait3A_110 = tpu.memref_slice %arg5[%add3A_103, %dma_wait3A_109] : memref<20x128xi32, #tpu.memory_space<vmem>> -> memref<1x128xi32, #tpu.memory_space<vmem>>
      %dma_wait3A_111 = tpu.memref_squeeze %dma_wait3A_110 : memref<1x128xi32, #tpu.memory_space<vmem>> -> memref<128xi32, #tpu.memory_space<vmem>>
      %dma_wait3A_112 = arith.constant 0 : i32
      %dma_wait3A_113 = arith.constant 0 : i32
      %dma_wait3A_114 = tpu.memref_slice %arg2[%dma_wait3A_112, %dma_wait3A_113] : memref<30000x128xf32, #tpu.memory_space<hbm>> -> memref<30000x128xf32, #tpu.memory_space<hbm>>
      tpu.wait_indirect_dma semaphore(%arg7 : memref<!tpu.dma_semaphore, #tpu.memory_space<semaphore_mem>>) src(%dma_wait3A_114 : memref<30000x128xf32, #tpu.memory_space<hbm>>) dst(%dma_wait3A_108 : memref<128x128xf32, #tpu.memory_space<vmem>>)
      %mul3A_115 = arith.constant 128 : i32
      %mul3A_116 = arith.muli %add3A_103, %mul3A_115 : i32
      %add3A_117 = arith.addi %mul3A_2, %mul3A_116 : i32
      %dma_start3A_118 = arith.constant 1 : i32
      %dma_start3A_119 = arith.constant 0 : i32
      %dma_start3A_120 = arith.constant 0 : i32
      %dma_start3A_121 = tpu.memref_slice %arg6[%dma_start3A_118, %dma_start3A_119, %dma_start3A_120] : memref<4x128x128xf32, #tpu.memory_space<vmem>> -> memref<1x128x128xf32, #tpu.memory_space<vmem>>
      %dma_start3A_122 = tpu.memref_squeeze %dma_start3A_121 : memref<1x128x128xf32, #tpu.memory_space<vmem>> -> memref<128x128xf32, #tpu.memory_space<vmem>>
      %dma_start3A_123 = arith.constant 0 : i32
      %dma_start3A_124 = tpu.memref_slice %arg4[%add3A_117, %dma_start3A_123] : memref<81920x128xf32, #tpu.memory_space<hbm>> -> memref<128x128xf32, #tpu.memory_space<hbm>>
      %dma_start3A_125 = arith.constant 0 : i32
      %dma_start3A_126 = tpu.memref_slice %arg4[%add3A_117, %dma_start3A_125] : memref<81920x128xf32, #tpu.memory_space<hbm>> -> memref<128x128xf32, #tpu.memory_space<hbm>>
      %dma_start3A_127 = arith.constant 0 : i32
      %dma_start3A_128 = arith.constant 0 : i32
      %dma_start3A_129 = tpu.memref_slice %arg6[%dma_start3A_118, %dma_start3A_127, %dma_start3A_128] : memref<4x128x128xf32, #tpu.memory_space<vmem>> -> memref<1x128x128xf32, #tpu.memory_space<vmem>>
      %dma_start3A_130 = tpu.memref_squeeze %dma_start3A_129 : memref<1x128x128xf32, #tpu.memory_space<vmem>> -> memref<128x128xf32, #tpu.memory_space<vmem>>
      tpu.enqueue_dma source(%dma_start3A_130 : memref<128x128xf32, #tpu.memory_space<vmem>>) target(%dma_start3A_126 : memref<128x128xf32, #tpu.memory_space<hbm>>) target_semaphore(%arg8 : memref<!tpu.dma_semaphore, #tpu.memory_space<semaphore_mem>>)
      %gt3A_131 = arith.constant 0 : i32
      %gt3A_132 = arith.cmpi sgt, %add3A_103, %gt3A_131 : i32
      %convert_element_type3A_133 = arith.extui %gt3A_132 : i1 to i32
      %cond3A_134 = arith.constant 0 : i32
      %cond3A_135 = arith.cmpi ne, %convert_element_type3A_133, %cond3A_134 : i32
      scf.if %cond3A_135 {
        %sub3A_236 = arith.constant 1 : i32
        %sub3A_237 = arith.subi %add3A_103, %sub3A_236 : i32
        %mul3A_238 = arith.constant 128 : i32
        %mul3A_239 = arith.muli %sub3A_237, %mul3A_238 : i32
        %add3A_240 = arith.addi %mul3A_2, %mul3A_239 : i32
        %dma_wait3A_241 = arith.constant 0 : i32
        %dma_wait3A_242 = arith.constant 0 : i32
        %dma_wait3A_243 = arith.constant 0 : i32
        %dma_wait3A_244 = tpu.memref_slice %arg6[%dma_wait3A_241, %dma_wait3A_242, %dma_wait3A_243] : memref<4x128x128xf32, #tpu.memory_space<vmem>> -> memref<1x128x128xf32, #tpu.memory_space<vmem>>
        %dma_wait3A_245 = tpu.memref_squeeze %dma_wait3A_244 : memref<1x128x128xf32, #tpu.memory_space<vmem>> -> memref<128x128xf32, #tpu.memory_space<vmem>>
        %dma_wait3A_246 = arith.constant 0 : i32
        %dma_wait3A_247 = tpu.memref_slice %arg4[%add3A_240, %dma_wait3A_246] : memref<81920x128xf32, #tpu.memory_space<hbm>> -> memref<128x128xf32, #tpu.memory_space<hbm>>
        %dma_wait3A_248 = arith.constant 0 : i32
        %dma_wait3A_249 = tpu.memref_slice %arg4[%add3A_240, %dma_wait3A_248] : memref<81920x128xf32, #tpu.memory_space<hbm>> -> memref<128x128xf32, #tpu.memory_space<hbm>>
        %dma_wait3A_250 = arith.constant 0 : i32
        %dma_wait3A_251 = arith.constant 0 : i32
        %dma_wait3A_252 = tpu.memref_slice %arg6[%dma_wait3A_241, %dma_wait3A_250, %dma_wait3A_251] : memref<4x128x128xf32, #tpu.memory_space<vmem>> -> memref<1x128x128xf32, #tpu.memory_space<vmem>>
        %dma_wait3A_253 = tpu.memref_squeeze %dma_wait3A_252 : memref<1x128x128xf32, #tpu.memory_space<vmem>> -> memref<128x128xf32, #tpu.memory_space<vmem>>
        tpu.wait_dma2 semaphore(%arg8 : memref<!tpu.dma_semaphore, #tpu.memory_space<semaphore_mem>>) src(%dma_wait3A_253 : memref<128x128xf32, #tpu.memory_space<vmem>>) dst(%dma_wait3A_249 : memref<128x128xf32, #tpu.memory_space<hbm>>)
      } else {
      }
      %add3A_136 = arith.constant 4 : i32
      %add3A_137 = arith.addi %add3A_103, %add3A_136 : i32
      %sub3A_138 = arith.constant 1 : i32
      %sub3A_139 = arith.subi %add3A_137, %sub3A_138 : i32
      %lt3A_140 = arith.constant 20 : i32
      %lt3A_141 = arith.cmpi slt, %sub3A_139, %lt3A_140 : i32
      %convert_element_type3A_142 = arith.extui %lt3A_141 : i1 to i32
      %cond3A_143 = arith.constant 0 : i32
      %cond3A_144 = arith.cmpi ne, %convert_element_type3A_142, %cond3A_143 : i32
      scf.if %cond3A_144 {
        %add3A_236 = arith.constant 4 : i32
        %add3A_237 = arith.addi %add3A_103, %add3A_236 : i32
        %sub3A_238 = arith.constant 1 : i32
        %sub3A_239 = arith.subi %add3A_237, %sub3A_238 : i32
        %dma_start3A_240 = arith.constant 0 : i32
        %dma_start3A_241 = arith.constant 0 : i32
        %dma_start3A_242 = arith.constant 0 : i32
        %dma_start3A_243 = tpu.memref_slice %arg6[%dma_start3A_240, %dma_start3A_241, %dma_start3A_242] : memref<4x128x128xf32, #tpu.memory_space<vmem>> -> memref<1x128x128xf32, #tpu.memory_space<vmem>>
        %dma_start3A_244 = tpu.memref_squeeze %dma_start3A_243 : memref<1x128x128xf32, #tpu.memory_space<vmem>> -> memref<128x128xf32, #tpu.memory_space<vmem>>
        %dma_start3A_245 = arith.constant 0 : i32
        %dma_start3A_246 = tpu.memref_slice %arg5[%sub3A_239, %dma_start3A_245] : memref<20x128xi32, #tpu.memory_space<vmem>> -> memref<1x128xi32, #tpu.memory_space<vmem>>
        %dma_start3A_247 = tpu.memref_squeeze %dma_start3A_246 : memref<1x128xi32, #tpu.memory_space<vmem>> -> memref<128xi32, #tpu.memory_space<vmem>>
        %dma_start3A_248 = arith.constant 0 : i32
        %dma_start3A_249 = arith.constant 0 : i32
        %dma_start3A_250 = tpu.memref_slice %arg2[%dma_start3A_248, %dma_start3A_249] : memref<30000x128xf32, #tpu.memory_space<hbm>> -> memref<30000x128xf32, #tpu.memory_space<hbm>>
        tpu.enqueue_indirect_dma source(%dma_start3A_250 : memref<30000x128xf32, #tpu.memory_space<hbm>>) target(%dma_start3A_244 : memref<128x128xf32, #tpu.memory_space<vmem>>) offsets(%dma_start3A_247 : memref<128xi32, #tpu.memory_space<vmem>>) semaphore(%arg7 : memref<!tpu.dma_semaphore, #tpu.memory_space<semaphore_mem>>)
      } else {
      }
      %mul3A_145 = arith.constant 4 : i32
      %mul3A_146 = arith.muli %scan3A_58, %mul3A_145 : i32
      %add3A_147 = arith.constant 2 : i32
      %add3A_148 = arith.addi %mul3A_146, %add3A_147 : i32
      %dma_wait3A_149 = arith.constant 2 : i32
      %dma_wait3A_150 = arith.constant 0 : i32
      %dma_wait3A_151 = arith.constant 0 : i32
      %dma_wait3A_152 = tpu.memref_slice %arg6[%dma_wait3A_149, %dma_wait3A_150, %dma_wait3A_151] : memref<4x128x128xf32, #tpu.memory_space<vmem>> -> memref<1x128x128xf32, #tpu.memory_space<vmem>>
      %dma_wait3A_153 = tpu.memref_squeeze %dma_wait3A_152 : memref<1x128x128xf32, #tpu.memory_space<vmem>> -> memref<128x128xf32, #tpu.memory_space<vmem>>
      %dma_wait3A_154 = arith.constant 0 : i32
      %dma_wait3A_155 = tpu.memref_slice %arg5[%add3A_148, %dma_wait3A_154] : memref<20x128xi32, #tpu.memory_space<vmem>> -> memref<1x128xi32, #tpu.memory_space<vmem>>
      %dma_wait3A_156 = tpu.memref_squeeze %dma_wait3A_155 : memref<1x128xi32, #tpu.memory_space<vmem>> -> memref<128xi32, #tpu.memory_space<vmem>>
      %dma_wait3A_157 = arith.constant 0 : i32
      %dma_wait3A_158 = arith.constant 0 : i32
      %dma_wait3A_159 = tpu.memref_slice %arg2[%dma_wait3A_157, %dma_wait3A_158] : memref<30000x128xf32, #tpu.memory_space<hbm>> -> memref<30000x128xf32, #tpu.memory_space<hbm>>
      tpu.wait_indirect_dma semaphore(%arg7 : memref<!tpu.dma_semaphore, #tpu.memory_space<semaphore_mem>>) src(%dma_wait3A_159 : memref<30000x128xf32, #tpu.memory_space<hbm>>) dst(%dma_wait3A_153 : memref<128x128xf32, #tpu.memory_space<vmem>>)
      %mul3A_160 = arith.constant 128 : i32
      %mul3A_161 = arith.muli %add3A_148, %mul3A_160 : i32
      %add3A_162 = arith.addi %mul3A_2, %mul3A_161 : i32
      %dma_start3A_163 = arith.constant 2 : i32
      %dma_start3A_164 = arith.constant 0 : i32
      %dma_start3A_165 = arith.constant 0 : i32
      %dma_start3A_166 = tpu.memref_slice %arg6[%dma_start3A_163, %dma_start3A_164, %dma_start3A_165] : memref<4x128x128xf32, #tpu.memory_space<vmem>> -> memref<1x128x128xf32, #tpu.memory_space<vmem>>
      %dma_start3A_167 = tpu.memref_squeeze %dma_start3A_166 : memref<1x128x128xf32, #tpu.memory_space<vmem>> -> memref<128x128xf32, #tpu.memory_space<vmem>>
      %dma_start3A_168 = arith.constant 0 : i32
      %dma_start3A_169 = tpu.memref_slice %arg4[%add3A_162, %dma_start3A_168] : memref<81920x128xf32, #tpu.memory_space<hbm>> -> memref<128x128xf32, #tpu.memory_space<hbm>>
      %dma_start3A_170 = arith.constant 0 : i32
      %dma_start3A_171 = tpu.memref_slice %arg4[%add3A_162, %dma_start3A_170] : memref<81920x128xf32, #tpu.memory_space<hbm>> -> memref<128x128xf32, #tpu.memory_space<hbm>>
      %dma_start3A_172 = arith.constant 0 : i32
      %dma_start3A_173 = arith.constant 0 : i32
      %dma_start3A_174 = tpu.memref_slice %arg6[%dma_start3A_163, %dma_start3A_172, %dma_start3A_173] : memref<4x128x128xf32, #tpu.memory_space<vmem>> -> memref<1x128x128xf32, #tpu.memory_space<vmem>>
      %dma_start3A_175 = tpu.memref_squeeze %dma_start3A_174 : memref<1x128x128xf32, #tpu.memory_space<vmem>> -> memref<128x128xf32, #tpu.memory_space<vmem>>
      tpu.enqueue_dma source(%dma_start3A_175 : memref<128x128xf32, #tpu.memory_space<vmem>>) target(%dma_start3A_171 : memref<128x128xf32, #tpu.memory_space<hbm>>) target_semaphore(%arg8 : memref<!tpu.dma_semaphore, #tpu.memory_space<semaphore_mem>>)
      %gt3A_176 = arith.constant 0 : i32
      %gt3A_177 = arith.cmpi sgt, %add3A_148, %gt3A_176 : i32
      %convert_element_type3A_178 = arith.extui %gt3A_177 : i1 to i32
      %cond3A_179 = arith.constant 0 : i32
      %cond3A_180 = arith.cmpi ne, %convert_element_type3A_178, %cond3A_179 : i32
      scf.if %cond3A_180 {
        %sub3A_236 = arith.constant 1 : i32
        %sub3A_237 = arith.subi %add3A_148, %sub3A_236 : i32
        %mul3A_238 = arith.constant 128 : i32
        %mul3A_239 = arith.muli %sub3A_237, %mul3A_238 : i32
        %add3A_240 = arith.addi %mul3A_2, %mul3A_239 : i32
        %dma_wait3A_241 = arith.constant 1 : i32
        %dma_wait3A_242 = arith.constant 0 : i32
        %dma_wait3A_243 = arith.constant 0 : i32
        %dma_wait3A_244 = tpu.memref_slice %arg6[%dma_wait3A_241, %dma_wait3A_242, %dma_wait3A_243] : memref<4x128x128xf32, #tpu.memory_space<vmem>> -> memref<1x128x128xf32, #tpu.memory_space<vmem>>
        %dma_wait3A_245 = tpu.memref_squeeze %dma_wait3A_244 : memref<1x128x128xf32, #tpu.memory_space<vmem>> -> memref<128x128xf32, #tpu.memory_space<vmem>>
        %dma_wait3A_246 = arith.constant 0 : i32
        %dma_wait3A_247 = tpu.memref_slice %arg4[%add3A_240, %dma_wait3A_246] : memref<81920x128xf32, #tpu.memory_space<hbm>> -> memref<128x128xf32, #tpu.memory_space<hbm>>
        %dma_wait3A_248 = arith.constant 0 : i32
        %dma_wait3A_249 = tpu.memref_slice %arg4[%add3A_240, %dma_wait3A_248] : memref<81920x128xf32, #tpu.memory_space<hbm>> -> memref<128x128xf32, #tpu.memory_space<hbm>>
        %dma_wait3A_250 = arith.constant 0 : i32
        %dma_wait3A_251 = arith.constant 0 : i32
        %dma_wait3A_252 = tpu.memref_slice %arg6[%dma_wait3A_241, %dma_wait3A_250, %dma_wait3A_251] : memref<4x128x128xf32, #tpu.memory_space<vmem>> -> memref<1x128x128xf32, #tpu.memory_space<vmem>>
        %dma_wait3A_253 = tpu.memref_squeeze %dma_wait3A_252 : memref<1x128x128xf32, #tpu.memory_space<vmem>> -> memref<128x128xf32, #tpu.memory_space<vmem>>
        tpu.wait_dma2 semaphore(%arg8 : memref<!tpu.dma_semaphore, #tpu.memory_space<semaphore_mem>>) src(%dma_wait3A_253 : memref<128x128xf32, #tpu.memory_space<vmem>>) dst(%dma_wait3A_249 : memref<128x128xf32, #tpu.memory_space<hbm>>)
      } else {
      }
      %add3A_181 = arith.constant 4 : i32
      %add3A_182 = arith.addi %add3A_148, %add3A_181 : i32
      %sub3A_183 = arith.constant 1 : i32
      %sub3A_184 = arith.subi %add3A_182, %sub3A_183 : i32
      %lt3A_185 = arith.constant 20 : i32
      %lt3A_186 = arith.cmpi slt, %sub3A_184, %lt3A_185 : i32
      %convert_element_type3A_187 = arith.extui %lt3A_186 : i1 to i32
      %cond3A_188 = arith.constant 0 : i32
      %cond3A_189 = arith.cmpi ne, %convert_element_type3A_187, %cond3A_188 : i32
      scf.if %cond3A_189 {
        %add3A_236 = arith.constant 4 : i32
        %add3A_237 = arith.addi %add3A_148, %add3A_236 : i32
        %sub3A_238 = arith.constant 1 : i32
        %sub3A_239 = arith.subi %add3A_237, %sub3A_238 : i32
        %dma_start3A_240 = arith.constant 1 : i32
        %dma_start3A_241 = arith.constant 0 : i32
        %dma_start3A_242 = arith.constant 0 : i32
        %dma_start3A_243 = tpu.memref_slice %arg6[%dma_start3A_240, %dma_start3A_241, %dma_start3A_242] : memref<4x128x128xf32, #tpu.memory_space<vmem>> -> memref<1x128x128xf32, #tpu.memory_space<vmem>>
        %dma_start3A_244 = tpu.memref_squeeze %dma_start3A_243 : memref<1x128x128xf32, #tpu.memory_space<vmem>> -> memref<128x128xf32, #tpu.memory_space<vmem>>
        %dma_start3A_245 = arith.constant 0 : i32
        %dma_start3A_246 = tpu.memref_slice %arg5[%sub3A_239, %dma_start3A_245] : memref<20x128xi32, #tpu.memory_space<vmem>> -> memref<1x128xi32, #tpu.memory_space<vmem>>
        %dma_start3A_247 = tpu.memref_squeeze %dma_start3A_246 : memref<1x128xi32, #tpu.memory_space<vmem>> -> memref<128xi32, #tpu.memory_space<vmem>>
        %dma_start3A_248 = arith.constant 0 : i32
        %dma_start3A_249 = arith.constant 0 : i32
        %dma_start3A_250 = tpu.memref_slice %arg2[%dma_start3A_248, %dma_start3A_249] : memref<30000x128xf32, #tpu.memory_space<hbm>> -> memref<30000x128xf32, #tpu.memory_space<hbm>>
        tpu.enqueue_indirect_dma source(%dma_start3A_250 : memref<30000x128xf32, #tpu.memory_space<hbm>>) target(%dma_start3A_244 : memref<128x128xf32, #tpu.memory_space<vmem>>) offsets(%dma_start3A_247 : memref<128xi32, #tpu.memory_space<vmem>>) semaphore(%arg7 : memref<!tpu.dma_semaphore, #tpu.memory_space<semaphore_mem>>)
      } else {
      }
      %mul3A_190 = arith.constant 4 : i32
      %mul3A_191 = arith.muli %scan3A_58, %mul3A_190 : i32
      %add3A_192 = arith.constant 3 : i32
      %add3A_193 = arith.addi %mul3A_191, %add3A_192 : i32
      %dma_wait3A_194 = arith.constant 3 : i32
      %dma_wait3A_195 = arith.constant 0 : i32
      %dma_wait3A_196 = arith.constant 0 : i32
      %dma_wait3A_197 = tpu.memref_slice %arg6[%dma_wait3A_194, %dma_wait3A_195, %dma_wait3A_196] : memref<4x128x128xf32, #tpu.memory_space<vmem>> -> memref<1x128x128xf32, #tpu.memory_space<vmem>>
      %dma_wait3A_198 = tpu.memref_squeeze %dma_wait3A_197 : memref<1x128x128xf32, #tpu.memory_space<vmem>> -> memref<128x128xf32, #tpu.memory_space<vmem>>
      %dma_wait3A_199 = arith.constant 0 : i32
      %dma_wait3A_200 = tpu.memref_slice %arg5[%add3A_193, %dma_wait3A_199] : memref<20x128xi32, #tpu.memory_space<vmem>> -> memref<1x128xi32, #tpu.memory_space<vmem>>
      %dma_wait3A_201 = tpu.memref_squeeze %dma_wait3A_200 : memref<1x128xi32, #tpu.memory_space<vmem>> -> memref<128xi32, #tpu.memory_space<vmem>>
      %dma_wait3A_202 = arith.constant 0 : i32
      %dma_wait3A_203 = arith.constant 0 : i32
      %dma_wait3A_204 = tpu.memref_slice %arg2[%dma_wait3A_202, %dma_wait3A_203] : memref<30000x128xf32, #tpu.memory_space<hbm>> -> memref<30000x128xf32, #tpu.memory_space<hbm>>
      tpu.wait_indirect_dma semaphore(%arg7 : memref<!tpu.dma_semaphore, #tpu.memory_space<semaphore_mem>>) src(%dma_wait3A_204 : memref<30000x128xf32, #tpu.memory_space<hbm>>) dst(%dma_wait3A_198 : memref<128x128xf32, #tpu.memory_space<vmem>>)
      %mul3A_205 = arith.constant 128 : i32
      %mul3A_206 = arith.muli %add3A_193, %mul3A_205 : i32
      %add3A_207 = arith.addi %mul3A_2, %mul3A_206 : i32
      %dma_start3A_208 = arith.constant 3 : i32
      %dma_start3A_209 = arith.constant 0 : i32
      %dma_start3A_210 = arith.constant 0 : i32
      %dma_start3A_211 = tpu.memref_slice %arg6[%dma_start3A_208, %dma_start3A_209, %dma_start3A_210] : memref<4x128x128xf32, #tpu.memory_space<vmem>> -> memref<1x128x128xf32, #tpu.memory_space<vmem>>
      %dma_start3A_212 = tpu.memref_squeeze %dma_start3A_211 : memref<1x128x128xf32, #tpu.memory_space<vmem>> -> memref<128x128xf32, #tpu.memory_space<vmem>>
      %dma_start3A_213 = arith.constant 0 : i32
      %dma_start3A_214 = tpu.memref_slice %arg4[%add3A_207, %dma_start3A_213] : memref<81920x128xf32, #tpu.memory_space<hbm>> -> memref<128x128xf32, #tpu.memory_space<hbm>>
      %dma_start3A_215 = arith.constant 0 : i32
      %dma_start3A_216 = tpu.memref_slice %arg4[%add3A_207, %dma_start3A_215] : memref<81920x128xf32, #tpu.memory_space<hbm>> -> memref<128x128xf32, #tpu.memory_space<hbm>>
      %dma_start3A_217 = arith.constant 0 : i32
      %dma_start3A_218 = arith.constant 0 : i32
      %dma_start3A_219 = tpu.memref_slice %arg6[%dma_start3A_208, %dma_start3A_217, %dma_start3A_218] : memref<4x128x128xf32, #tpu.memory_space<vmem>> -> memref<1x128x128xf32, #tpu.memory_space<vmem>>
      %dma_start3A_220 = tpu.memref_squeeze %dma_start3A_219 : memref<1x128x128xf32, #tpu.memory_space<vmem>> -> memref<128x128xf32, #tpu.memory_space<vmem>>
      tpu.enqueue_dma source(%dma_start3A_220 : memref<128x128xf32, #tpu.memory_space<vmem>>) target(%dma_start3A_216 : memref<128x128xf32, #tpu.memory_space<hbm>>) target_semaphore(%arg8 : memref<!tpu.dma_semaphore, #tpu.memory_space<semaphore_mem>>)
      %gt3A_221 = arith.constant 0 : i32
      %gt3A_222 = arith.cmpi sgt, %add3A_193, %gt3A_221 : i32
      %convert_element_type3A_223 = arith.extui %gt3A_222 : i1 to i32
      %cond3A_224 = arith.constant 0 : i32
      %cond3A_225 = arith.cmpi ne, %convert_element_type3A_223, %cond3A_224 : i32
      scf.if %cond3A_225 {
        %sub3A_236 = arith.constant 1 : i32
        %sub3A_237 = arith.subi %add3A_193, %sub3A_236 : i32
        %mul3A_238 = arith.constant 128 : i32
        %mul3A_239 = arith.muli %sub3A_237, %mul3A_238 : i32
        %add3A_240 = arith.addi %mul3A_2, %mul3A_239 : i32
        %dma_wait3A_241 = arith.constant 2 : i32
        %dma_wait3A_242 = arith.constant 0 : i32
        %dma_wait3A_243 = arith.constant 0 : i32
        %dma_wait3A_244 = tpu.memref_slice %arg6[%dma_wait3A_241, %dma_wait3A_242, %dma_wait3A_243] : memref<4x128x128xf32, #tpu.memory_space<vmem>> -> memref<1x128x128xf32, #tpu.memory_space<vmem>>
        %dma_wait3A_245 = tpu.memref_squeeze %dma_wait3A_244 : memref<1x128x128xf32, #tpu.memory_space<vmem>> -> memref<128x128xf32, #tpu.memory_space<vmem>>
        %dma_wait3A_246 = arith.constant 0 : i32
        %dma_wait3A_247 = tpu.memref_slice %arg4[%add3A_240, %dma_wait3A_246] : memref<81920x128xf32, #tpu.memory_space<hbm>> -> memref<128x128xf32, #tpu.memory_space<hbm>>
        %dma_wait3A_248 = arith.constant 0 : i32
        %dma_wait3A_249 = tpu.memref_slice %arg4[%add3A_240, %dma_wait3A_248] : memref<81920x128xf32, #tpu.memory_space<hbm>> -> memref<128x128xf32, #tpu.memory_space<hbm>>
        %dma_wait3A_250 = arith.constant 0 : i32
        %dma_wait3A_251 = arith.constant 0 : i32
        %dma_wait3A_252 = tpu.memref_slice %arg6[%dma_wait3A_241, %dma_wait3A_250, %dma_wait3A_251] : memref<4x128x128xf32, #tpu.memory_space<vmem>> -> memref<1x128x128xf32, #tpu.memory_space<vmem>>
        %dma_wait3A_253 = tpu.memref_squeeze %dma_wait3A_252 : memref<1x128x128xf32, #tpu.memory_space<vmem>> -> memref<128x128xf32, #tpu.memory_space<vmem>>
        tpu.wait_dma2 semaphore(%arg8 : memref<!tpu.dma_semaphore, #tpu.memory_space<semaphore_mem>>) src(%dma_wait3A_253 : memref<128x128xf32, #tpu.memory_space<vmem>>) dst(%dma_wait3A_249 : memref<128x128xf32, #tpu.memory_space<hbm>>)
      } else {
      }
      %add3A_226 = arith.constant 4 : i32
      %add3A_227 = arith.addi %add3A_193, %add3A_226 : i32
      %sub3A_228 = arith.constant 1 : i32
      %sub3A_229 = arith.subi %add3A_227, %sub3A_228 : i32
      %lt3A_230 = arith.constant 20 : i32
      %lt3A_231 = arith.cmpi slt, %sub3A_229, %lt3A_230 : i32
      %convert_element_type3A_232 = arith.extui %lt3A_231 : i1 to i32
      %cond3A_233 = arith.constant 0 : i32
      %cond3A_234 = arith.cmpi ne, %convert_element_type3A_232, %cond3A_233 : i32
      scf.if %cond3A_234 {
        %add3A_236 = arith.constant 4 : i32
        %add3A_237 = arith.addi %add3A_193, %add3A_236 : i32
        %sub3A_238 = arith.constant 1 : i32
        %sub3A_239 = arith.subi %add3A_237, %sub3A_238 : i32
        %dma_start3A_240 = arith.constant 2 : i32
        %dma_start3A_241 = arith.constant 0 : i32
        %dma_start3A_242 = arith.constant 0 : i32
        %dma_start3A_243 = tpu.memref_slice %arg6[%dma_start3A_240, %dma_start3A_241, %dma_start3A_242] : memref<4x128x128xf32, #tpu.memory_space<vmem>> -> memref<1x128x128xf32, #tpu.memory_space<vmem>>
        %dma_start3A_244 = tpu.memref_squeeze %dma_start3A_243 : memref<1x128x128xf32, #tpu.memory_space<vmem>> -> memref<128x128xf32, #tpu.memory_space<vmem>>
        %dma_start3A_245 = arith.constant 0 : i32
        %dma_start3A_246 = tpu.memref_slice %arg5[%sub3A_239, %dma_start3A_245] : memref<20x128xi32, #tpu.memory_space<vmem>> -> memref<1x128xi32, #tpu.memory_space<vmem>>
        %dma_start3A_247 = tpu.memref_squeeze %dma_start3A_246 : memref<1x128xi32, #tpu.memory_space<vmem>> -> memref<128xi32, #tpu.memory_space<vmem>>
        %dma_start3A_248 = arith.constant 0 : i32
        %dma_start3A_249 = arith.constant 0 : i32
        %dma_start3A_250 = tpu.memref_slice %arg2[%dma_start3A_248, %dma_start3A_249] : memref<30000x128xf32, #tpu.memory_space<hbm>> -> memref<30000x128xf32, #tpu.memory_space<hbm>>
        tpu.enqueue_indirect_dma source(%dma_start3A_250 : memref<30000x128xf32, #tpu.memory_space<hbm>>) target(%dma_start3A_244 : memref<128x128xf32, #tpu.memory_space<vmem>>) offsets(%dma_start3A_247 : memref<128xi32, #tpu.memory_space<vmem>>) semaphore(%arg7 : memref<!tpu.dma_semaphore, #tpu.memory_space<semaphore_mem>>)
      } else {
      }
      %scan3A_235 = arith.constant 0 : i32
      scf.yield %scan3A_235 : i32
    }
    %scan3A_43 = arith.constant 5 : i32
    %add3A_44 = arith.constant 2432 : i32
    %add3A_45 = arith.addi %mul3A_2, %add3A_44 : i32
    %dma_wait3A = arith.constant 3 : i32
    %dma_wait3A_46 = arith.constant 0 : i32
    %dma_wait3A_47 = arith.constant 0 : i32
    %dma_wait3A_48 = tpu.memref_slice %arg6[%dma_wait3A, %dma_wait3A_46, %dma_wait3A_47] : memref<4x128x128xf32, #tpu.memory_space<vmem>> -> memref<1x128x128xf32, #tpu.memory_space<vmem>>
    %dma_wait3A_49 = tpu.memref_squeeze %dma_wait3A_48 : memref<1x128x128xf32, #tpu.memory_space<vmem>> -> memref<128x128xf32, #tpu.memory_space<vmem>>
    %dma_wait3A_50 = arith.constant 0 : i32
    %dma_wait3A_51 = tpu.memref_slice %arg4[%add3A_45, %dma_wait3A_50] : memref<81920x128xf32, #tpu.memory_space<hbm>> -> memref<128x128xf32, #tpu.memory_space<hbm>>
    %dma_wait3A_52 = arith.constant 0 : i32
    %dma_wait3A_53 = tpu.memref_slice %arg4[%add3A_45, %dma_wait3A_52] : memref<81920x128xf32, #tpu.memory_space<hbm>> -> memref<128x128xf32, #tpu.memory_space<hbm>>
    %dma_wait3A_54 = arith.constant 0 : i32
    %dma_wait3A_55 = arith.constant 0 : i32
    %dma_wait3A_56 = tpu.memref_slice %arg6[%dma_wait3A, %dma_wait3A_54, %dma_wait3A_55] : memref<4x128x128xf32, #tpu.memory_space<vmem>> -> memref<1x128x128xf32, #tpu.memory_space<vmem>>
    %dma_wait3A_57 = tpu.memref_squeeze %dma_wait3A_56 : memref<1x128x128xf32, #tpu.memory_space<vmem>> -> memref<128x128xf32, #tpu.memory_space<vmem>>
    tpu.wait_dma2 semaphore(%arg8 : memref<!tpu.dma_semaphore, #tpu.memory_space<semaphore_mem>>) src(%dma_wait3A_57 : memref<128x128xf32, #tpu.memory_space<vmem>>) dst(%dma_wait3A_53 : memref<128x128xf32, #tpu.memory_space<hbm>>)
    return
  }
}

#map = affine_map<(d0, d1) -> (0, 0)>
#map1 = affine_map<(d0, d1) -> (0, 0, 0)>
module attributes {stable_mosaic.version = 14 : i64} {
  func.func @k(%arg0: i32, %arg1: i32, %arg2: memref<30000x128xf32, #tpu.memory_space<hbm>>, %arg3: memref<32x20x128xi32, #tpu.memory_space<hbm>>, %arg4: memref<81920x128xf32, #tpu.memory_space<hbm>>, %arg5: memref<20x128xi32, #tpu.memory_space<vmem>>, %arg6: memref<4x128x128xf32, #tpu.memory_space<vmem>>, %arg7: memref<!tpu.dma_semaphore, #tpu.memory_space<semaphore_mem>>, %arg8: memref<!tpu.dma_semaphore, #tpu.memory_space<semaphore_mem>>) attributes {dimension_semantics = [#tpu.dimension_semantics<core_parallel>, #tpu.dimension_semantics<subcore_parallel>], iteration_bounds = array<i64: 2, 16>, scalar_prefetch = 0 : i64, scratch_operands = 4 : i64, tpu.core_type = #tpu.core_type<sc_vector_subcore>, window_params = [{transform_indices = #map}, {transform_indices = #map1}, {transform_indices = #map}]} {
    %mul3A = arith.constant 2 : i32
    %mul3A_0 = arith.muli %arg1, %mul3A : i32
    %add3A = arith.addi %mul3A_0, %arg0 : i32
    %mul3A_1 = arith.constant 2560 : i32
    %mul3A_2 = arith.muli %add3A, %mul3A_1 : i32
    "tpu.region"() ({
      %run_scoped3A = tpu.sem_alloc : memref<!tpu.dma_semaphore, #tpu.memory_space<semaphore_mem>>
      %dma_start3A_58 = arith.constant 0 : i32
      %dma_start3A_59 = arith.constant 0 : i32
      %dma_start3A_60 = tpu.memref_slice %arg3[%add3A, %dma_start3A_58, %dma_start3A_59] : memref<32x20x128xi32, #tpu.memory_space<hbm>> -> memref<1x20x128xi32, #tpu.memory_space<hbm>>
      %dma_start3A_61 = tpu.memref_squeeze %dma_start3A_60 : memref<1x20x128xi32, #tpu.memory_space<hbm>> -> memref<20x128xi32, #tpu.memory_space<hbm>>
      %dma_start3A_62 = arith.constant 0 : i32
      %dma_start3A_63 = arith.constant 0 : i32
      %dma_start3A_64 = tpu.memref_slice %arg3[%add3A, %dma_start3A_62, %dma_start3A_63] : memref<32x20x128xi32, #tpu.memory_space<hbm>> -> memref<1x20x128xi32, #tpu.memory_space<hbm>>
      %dma_start3A_65 = tpu.memref_squeeze %dma_start3A_64 : memref<1x20x128xi32, #tpu.memory_space<hbm>> -> memref<20x128xi32, #tpu.memory_space<hbm>>
      tpu.enqueue_dma source(%dma_start3A_65 : memref<20x128xi32, #tpu.memory_space<hbm>>) target(%arg5 : memref<20x128xi32, #tpu.memory_space<vmem>>) target_semaphore(%run_scoped3A : memref<!tpu.dma_semaphore, #tpu.memory_space<semaphore_mem>>)
      %dma_wait3A_66 = arith.constant 0 : i32
      %dma_wait3A_67 = arith.constant 0 : i32
      %dma_wait3A_68 = tpu.memref_slice %arg3[%add3A, %dma_wait3A_66, %dma_wait3A_67] : memref<32x20x128xi32, #tpu.memory_space<hbm>> -> memref<1x20x128xi32, #tpu.memory_space<hbm>>
      %dma_wait3A_69 = tpu.memref_squeeze %dma_wait3A_68 : memref<1x20x128xi32, #tpu.memory_space<hbm>> -> memref<20x128xi32, #tpu.memory_space<hbm>>
      %dma_wait3A_70 = arith.constant 0 : i32
      %dma_wait3A_71 = arith.constant 0 : i32
      %dma_wait3A_72 = tpu.memref_slice %arg3[%add3A, %dma_wait3A_70, %dma_wait3A_71] : memref<32x20x128xi32, #tpu.memory_space<hbm>> -> memref<1x20x128xi32, #tpu.memory_space<hbm>>
      %dma_wait3A_73 = tpu.memref_squeeze %dma_wait3A_72 : memref<1x20x128xi32, #tpu.memory_space<hbm>> -> memref<20x128xi32, #tpu.memory_space<hbm>>
      tpu.wait_dma2 semaphore(%run_scoped3A : memref<!tpu.dma_semaphore, #tpu.memory_space<semaphore_mem>>) src(%dma_wait3A_73 : memref<20x128xi32, #tpu.memory_space<hbm>>) dst(%arg5 : memref<20x128xi32, #tpu.memory_space<vmem>>)
      tpu.yield
    }) : () -> ()
    %dma_start3A = arith.constant 0 : i32
    %dma_start3A_3 = arith.constant 0 : i32
    %dma_start3A_4 = arith.constant 0 : i32
    %dma_start3A_5 = arith.constant 0 : i32
    %dma_start3A_6 = tpu.memref_slice %arg6[%dma_start3A_3, %dma_start3A_4, %dma_start3A_5] : memref<4x128x128xf32, #tpu.memory_space<vmem>> -> memref<1x128x128xf32, #tpu.memory_space<vmem>>
    %dma_start3A_7 = tpu.memref_squeeze %dma_start3A_6 : memref<1x128x128xf32, #tpu.memory_space<vmem>> -> memref<128x128xf32, #tpu.memory_space<vmem>>
    %dma_start3A_8 = arith.constant 0 : i32
    %dma_start3A_9 = tpu.memref_slice %arg5[%dma_start3A, %dma_start3A_8] : memref<20x128xi32, #tpu.memory_space<vmem>> -> memref<1x128xi32, #tpu.memory_space<vmem>>
    %dma_start3A_10 = tpu.memref_squeeze %dma_start3A_9 : memref<1x128xi32, #tpu.memory_space<vmem>> -> memref<128xi32, #tpu.memory_space<vmem>>
    %dma_start3A_11 = arith.constant 0 : i32
    %dma_start3A_12 = arith.constant 0 : i32
    %dma_start3A_13 = tpu.memref_slice %arg2[%dma_start3A_11, %dma_start3A_12] : memref<30000x128xf32, #tpu.memory_space<hbm>> -> memref<30000x128xf32, #tpu.memory_space<hbm>>
    tpu.enqueue_indirect_dma source(%dma_start3A_13 : memref<30000x128xf32, #tpu.memory_space<hbm>>) target(%dma_start3A_7 : memref<128x128xf32, #tpu.memory_space<vmem>>) offsets(%dma_start3A_10 : memref<128xi32, #tpu.memory_space<vmem>>) semaphore(%arg7 : memref<!tpu.dma_semaphore, #tpu.memory_space<semaphore_mem>>)
    %dma_start3A_14 = arith.constant 1 : i32
    %dma_start3A_15 = arith.constant 1 : i32
    %dma_start3A_16 = arith.constant 0 : i32
    %dma_start3A_17 = arith.constant 0 : i32
    %dma_start3A_18 = tpu.memref_slice %arg6[%dma_start3A_15, %dma_start3A_16, %dma_start3A_17] : memref<4x128x128xf32, #tpu.memory_space<vmem>> -> memref<1x128x128xf32, #tpu.memory_space<vmem>>
    %dma_start3A_19 = tpu.memref_squeeze %dma_start3A_18 : memref<1x128x128xf32, #tpu.memory_space<vmem>> -> memref<128x128xf32, #tpu.memory_space<vmem>>
    %dma_start3A_20 = arith.constant 0 : i32
    %dma_start3A_21 = tpu.memref_slice %arg5[%dma_start3A_14, %dma_start3A_20] : memref<20x128xi32, #tpu.memory_space<vmem>> -> memref<1x128xi32, #tpu.memory_space<vmem>>
    %dma_start3A_22 = tpu.memref_squeeze %dma_start3A_21 : memref<1x128xi32, #tpu.memory_space<vmem>> -> memref<128xi32, #tpu.memory_space<vmem>>
    %dma_start3A_23 = arith.constant 0 : i32
    %dma_start3A_24 = arith.constant 0 : i32
    %dma_start3A_25 = tpu.memref_slice %arg2[%dma_start3A_23, %dma_start3A_24] : memref<30000x128xf32, #tpu.memory_space<hbm>> -> memref<30000x128xf32, #tpu.memory_space<hbm>>
    tpu.enqueue_indirect_dma source(%dma_start3A_25 : memref<30000x128xf32, #tpu.memory_space<hbm>>) target(%dma_start3A_19 : memref<128x128xf32, #tpu.memory_space<vmem>>) offsets(%dma_start3A_22 : memref<128xi32, #tpu.memory_space<vmem>>) semaphore(%arg7 : memref<!tpu.dma_semaphore, #tpu.memory_space<semaphore_mem>>)
    %dma_start3A_26 = arith.constant 2 : i32
    %dma_start3A_27 = arith.constant 2 : i32
    %dma_start3A_28 = arith.constant 0 : i32
    %dma_start3A_29 = arith.constant 0 : i32
    %dma_start3A_30 = tpu.memref_slice %arg6[%dma_start3A_27, %dma_start3A_28, %dma_start3A_29] : memref<4x128x128xf32, #tpu.memory_space<vmem>> -> memref<1x128x128xf32, #tpu.memory_space<vmem>>
    %dma_start3A_31 = tpu.memref_squeeze %dma_start3A_30 : memref<1x128x128xf32, #tpu.memory_space<vmem>> -> memref<128x128xf32, #tpu.memory_space<vmem>>
    %dma_start3A_32 = arith.constant 0 : i32
    %dma_start3A_33 = tpu.memref_slice %arg5[%dma_start3A_26, %dma_start3A_32] : memref<20x128xi32, #tpu.memory_space<vmem>> -> memref<1x128xi32, #tpu.memory_space<vmem>>
    %dma_start3A_34 = tpu.memref_squeeze %dma_start3A_33 : memref<1x128xi32, #tpu.memory_space<vmem>> -> memref<128xi32, #tpu.memory_space<vmem>>
    %dma_start3A_35 = arith.constant 0 : i32
    %dma_start3A_36 = arith.constant 0 : i32
    %dma_start3A_37 = tpu.memref_slice %arg2[%dma_start3A_35, %dma_start3A_36] : memref<30000x128xf32, #tpu.memory_space<hbm>> -> memref<30000x128xf32, #tpu.memory_space<hbm>>
    tpu.enqueue_indirect_dma source(%dma_start3A_37 : memref<30000x128xf32, #tpu.memory_space<hbm>>) target(%dma_start3A_31 : memref<128x128xf32, #tpu.memory_space<vmem>>) offsets(%dma_start3A_34 : memref<128xi32, #tpu.memory_space<vmem>>) semaphore(%arg7 : memref<!tpu.dma_semaphore, #tpu.memory_space<semaphore_mem>>)
    %scan3A = arith.constant 0 : i32
    %scan3A_38 = arith.constant 0 : i32
    %scan3A_39 = arith.constant 5 : i32
    %scan3A_40 = arith.addi %scan3A_38, %scan3A_39 : i32
    %scan3A_41 = arith.constant 1 : i32
    %scan3A_42 = scf.for %scan3A_58 = %scan3A_38 to %scan3A_40 step %scan3A_41 iter_args(%scan3A_59 = %scan3A) -> (i32)  : i32 {
      %mul3A_60 = arith.constant 4 : i32
      %mul3A_61 = arith.muli %scan3A_58, %mul3A_60 : i32
      %add3A_62 = arith.constant 0 : i32
      %add3A_63 = arith.addi %mul3A_61, %add3A_62 : i32
      %dma_wait3A_64 = arith.constant 0 : i32
      %dma_wait3A_65 = arith.constant 0 : i32
      %dma_wait3A_66 = arith.constant 0 : i32
      %dma_wait3A_67 = tpu.memref_slice %arg6[%dma_wait3A_64, %dma_wait3A_65, %dma_wait3A_66] : memref<4x128x128xf32, #tpu.memory_space<vmem>> -> memref<1x128x128xf32, #tpu.memory_space<vmem>>
      %dma_wait3A_68 = tpu.memref_squeeze %dma_wait3A_67 : memref<1x128x128xf32, #tpu.memory_space<vmem>> -> memref<128x128xf32, #tpu.memory_space<vmem>>
      %dma_wait3A_69 = arith.constant 0 : i32
      %dma_wait3A_70 = tpu.memref_slice %arg5[%add3A_63, %dma_wait3A_69] : memref<20x128xi32, #tpu.memory_space<vmem>> -> memref<1x128xi32, #tpu.memory_space<vmem>>
      %dma_wait3A_71 = tpu.memref_squeeze %dma_wait3A_70 : memref<1x128xi32, #tpu.memory_space<vmem>> -> memref<128xi32, #tpu.memory_space<vmem>>
      %dma_wait3A_72 = arith.constant 0 : i32
      %dma_wait3A_73 = arith.constant 0 : i32
      %dma_wait3A_74 = tpu.memref_slice %arg2[%dma_wait3A_72, %dma_wait3A_73] : memref<30000x128xf32, #tpu.memory_space<hbm>> -> memref<30000x128xf32, #tpu.memory_space<hbm>>
      tpu.wait_indirect_dma semaphore(%arg7 : memref<!tpu.dma_semaphore, #tpu.memory_space<semaphore_mem>>) src(%dma_wait3A_74 : memref<30000x128xf32, #tpu.memory_space<hbm>>) dst(%dma_wait3A_68 : memref<128x128xf32, #tpu.memory_space<vmem>>)
      %mul3A_75 = arith.constant 128 : i32
      %mul3A_76 = arith.muli %add3A_63, %mul3A_75 : i32
      %add3A_77 = arith.addi %mul3A_2, %mul3A_76 : i32
      %dma_start3A_78 = arith.constant 0 : i32
      %dma_start3A_79 = arith.constant 0 : i32
      %dma_start3A_80 = arith.constant 0 : i32
      %dma_start3A_81 = tpu.memref_slice %arg6[%dma_start3A_78, %dma_start3A_79, %dma_start3A_80] : memref<4x128x128xf32, #tpu.memory_space<vmem>> -> memref<1x128x128xf32, #tpu.memory_space<vmem>>
      %dma_start3A_82 = tpu.memref_squeeze %dma_start3A_81 : memref<1x128x128xf32, #tpu.memory_space<vmem>> -> memref<128x128xf32, #tpu.memory_space<vmem>>
      %dma_start3A_83 = arith.constant 0 : i32
      %dma_start3A_84 = tpu.memref_slice %arg4[%add3A_77, %dma_start3A_83] : memref<81920x128xf32, #tpu.memory_space<hbm>> -> memref<128x128xf32, #tpu.memory_space<hbm>>
      %dma_start3A_85 = arith.constant 0 : i32
      %dma_start3A_86 = tpu.memref_slice %arg4[%add3A_77, %dma_start3A_85] : memref<81920x128xf32, #tpu.memory_space<hbm>> -> memref<128x128xf32, #tpu.memory_space<hbm>>
      %dma_start3A_87 = arith.constant 0 : i32
      %dma_start3A_88 = arith.constant 0 : i32
      %dma_start3A_89 = tpu.memref_slice %arg6[%dma_start3A_78, %dma_start3A_87, %dma_start3A_88] : memref<4x128x128xf32, #tpu.memory_space<vmem>> -> memref<1x128x128xf32, #tpu.memory_space<vmem>>
      %dma_start3A_90 = tpu.memref_squeeze %dma_start3A_89 : memref<1x128x128xf32, #tpu.memory_space<vmem>> -> memref<128x128xf32, #tpu.memory_space<vmem>>
      tpu.enqueue_dma source(%dma_start3A_90 : memref<128x128xf32, #tpu.memory_space<vmem>>) target(%dma_start3A_86 : memref<128x128xf32, #tpu.memory_space<hbm>>) target_semaphore(%arg8 : memref<!tpu.dma_semaphore, #tpu.memory_space<semaphore_mem>>)
      %gt3A = arith.constant 0 : i32
      %gt3A_91 = arith.cmpi sgt, %add3A_63, %gt3A : i32
      %convert_element_type3A = arith.extui %gt3A_91 : i1 to i32
      %cond3A = arith.constant 0 : i32
      %cond3A_92 = arith.cmpi ne, %convert_element_type3A, %cond3A : i32
      scf.if %cond3A_92 {
        %sub3A_236 = arith.constant 1 : i32
        %sub3A_237 = arith.subi %add3A_63, %sub3A_236 : i32
        %mul3A_238 = arith.constant 128 : i32
        %mul3A_239 = arith.muli %sub3A_237, %mul3A_238 : i32
        %add3A_240 = arith.addi %mul3A_2, %mul3A_239 : i32
        %dma_wait3A_241 = arith.constant 3 : i32
        %dma_wait3A_242 = arith.constant 0 : i32
        %dma_wait3A_243 = arith.constant 0 : i32
        %dma_wait3A_244 = tpu.memref_slice %arg6[%dma_wait3A_241, %dma_wait3A_242, %dma_wait3A_243] : memref<4x128x128xf32, #tpu.memory_space<vmem>> -> memref<1x128x128xf32, #tpu.memory_space<vmem>>
        %dma_wait3A_245 = tpu.memref_squeeze %dma_wait3A_244 : memref<1x128x128xf32, #tpu.memory_space<vmem>> -> memref<128x128xf32, #tpu.memory_space<vmem>>
        %dma_wait3A_246 = arith.constant 0 : i32
        %dma_wait3A_247 = tpu.memref_slice %arg4[%add3A_240, %dma_wait3A_246] : memref<81920x128xf32, #tpu.memory_space<hbm>> -> memref<128x128xf32, #tpu.memory_space<hbm>>
        %dma_wait3A_248 = arith.constant 0 : i32
        %dma_wait3A_249 = tpu.memref_slice %arg4[%add3A_240, %dma_wait3A_248] : memref<81920x128xf32, #tpu.memory_space<hbm>> -> memref<128x128xf32, #tpu.memory_space<hbm>>
        %dma_wait3A_250 = arith.constant 0 : i32
        %dma_wait3A_251 = arith.constant 0 : i32
        %dma_wait3A_252 = tpu.memref_slice %arg6[%dma_wait3A_241, %dma_wait3A_250, %dma_wait3A_251] : memref<4x128x128xf32, #tpu.memory_space<vmem>> -> memref<1x128x128xf32, #tpu.memory_space<vmem>>
        %dma_wait3A_253 = tpu.memref_squeeze %dma_wait3A_252 : memref<1x128x128xf32, #tpu.memory_space<vmem>> -> memref<128x128xf32, #tpu.memory_space<vmem>>
        tpu.wait_dma2 semaphore(%arg8 : memref<!tpu.dma_semaphore, #tpu.memory_space<semaphore_mem>>) src(%dma_wait3A_253 : memref<128x128xf32, #tpu.memory_space<vmem>>) dst(%dma_wait3A_249 : memref<128x128xf32, #tpu.memory_space<hbm>>)
      } else {
      }
      %add3A_93 = arith.constant 4 : i32
      %add3A_94 = arith.addi %add3A_63, %add3A_93 : i32
      %sub3A = arith.constant 1 : i32
      %sub3A_95 = arith.subi %add3A_94, %sub3A : i32
      %lt3A = arith.constant 20 : i32
      %lt3A_96 = arith.cmpi slt, %sub3A_95, %lt3A : i32
      %convert_element_type3A_97 = arith.extui %lt3A_96 : i1 to i32
      %cond3A_98 = arith.constant 0 : i32
      %cond3A_99 = arith.cmpi ne, %convert_element_type3A_97, %cond3A_98 : i32
      scf.if %cond3A_99 {
        %add3A_236 = arith.constant 4 : i32
        %add3A_237 = arith.addi %add3A_63, %add3A_236 : i32
        %sub3A_238 = arith.constant 1 : i32
        %sub3A_239 = arith.subi %add3A_237, %sub3A_238 : i32
        %dma_start3A_240 = arith.constant 3 : i32
        %dma_start3A_241 = arith.constant 0 : i32
        %dma_start3A_242 = arith.constant 0 : i32
        %dma_start3A_243 = tpu.memref_slice %arg6[%dma_start3A_240, %dma_start3A_241, %dma_start3A_242] : memref<4x128x128xf32, #tpu.memory_space<vmem>> -> memref<1x128x128xf32, #tpu.memory_space<vmem>>
        %dma_start3A_244 = tpu.memref_squeeze %dma_start3A_243 : memref<1x128x128xf32, #tpu.memory_space<vmem>> -> memref<128x128xf32, #tpu.memory_space<vmem>>
        %dma_start3A_245 = arith.constant 0 : i32
        %dma_start3A_246 = tpu.memref_slice %arg5[%sub3A_239, %dma_start3A_245] : memref<20x128xi32, #tpu.memory_space<vmem>> -> memref<1x128xi32, #tpu.memory_space<vmem>>
        %dma_start3A_247 = tpu.memref_squeeze %dma_start3A_246 : memref<1x128xi32, #tpu.memory_space<vmem>> -> memref<128xi32, #tpu.memory_space<vmem>>
        %dma_start3A_248 = arith.constant 0 : i32
        %dma_start3A_249 = arith.constant 0 : i32
        %dma_start3A_250 = tpu.memref_slice %arg2[%dma_start3A_248, %dma_start3A_249] : memref<30000x128xf32, #tpu.memory_space<hbm>> -> memref<30000x128xf32, #tpu.memory_space<hbm>>
        tpu.enqueue_indirect_dma source(%dma_start3A_250 : memref<30000x128xf32, #tpu.memory_space<hbm>>) target(%dma_start3A_244 : memref<128x128xf32, #tpu.memory_space<vmem>>) offsets(%dma_start3A_247 : memref<128xi32, #tpu.memory_space<vmem>>) semaphore(%arg7 : memref<!tpu.dma_semaphore, #tpu.memory_space<semaphore_mem>>)
      } else {
      }
      %mul3A_100 = arith.constant 4 : i32
      %mul3A_101 = arith.muli %scan3A_58, %mul3A_100 : i32
      %add3A_102 = arith.constant 1 : i32
      %add3A_103 = arith.addi %mul3A_101, %add3A_102 : i32
      %dma_wait3A_104 = arith.constant 1 : i32
      %dma_wait3A_105 = arith.constant 0 : i32
      %dma_wait3A_106 = arith.constant 0 : i32
      %dma_wait3A_107 = tpu.memref_slice %arg6[%dma_wait3A_104, %dma_wait3A_105, %dma_wait3A_106] : memref<4x128x128xf32, #tpu.memory_space<vmem>> -> memref<1x128x128xf32, #tpu.memory_space<vmem>>
      %dma_wait3A_108 = tpu.memref_squeeze %dma_wait3A_107 : memref<1x128x128xf32, #tpu.memory_space<vmem>> -> memref<128x128xf32, #tpu.memory_space<vmem>>
      %dma_wait3A_109 = arith.constant 0 : i32
      %dma_wait3A_110 = tpu.memref_slice %arg5[%add3A_103, %dma_wait3A_109] : memref<20x128xi32, #tpu.memory_space<vmem>> -> memref<1x128xi32, #tpu.memory_space<vmem>>
      %dma_wait3A_111 = tpu.memref_squeeze %dma_wait3A_110 : memref<1x128xi32, #tpu.memory_space<vmem>> -> memref<128xi32, #tpu.memory_space<vmem>>
      %dma_wait3A_112 = arith.constant 0 : i32
      %dma_wait3A_113 = arith.constant 0 : i32
      %dma_wait3A_114 = tpu.memref_slice %arg2[%dma_wait3A_112, %dma_wait3A_113] : memref<30000x128xf32, #tpu.memory_space<hbm>> -> memref<30000x128xf32, #tpu.memory_space<hbm>>
      tpu.wait_indirect_dma semaphore(%arg7 : memref<!tpu.dma_semaphore, #tpu.memory_space<semaphore_mem>>) src(%dma_wait3A_114 : memref<30000x128xf32, #tpu.memory_space<hbm>>) dst(%dma_wait3A_108 : memref<128x128xf32, #tpu.memory_space<vmem>>)
      %mul3A_115 = arith.constant 128 : i32
      %mul3A_116 = arith.muli %add3A_103, %mul3A_115 : i32
      %add3A_117 = arith.addi %mul3A_2, %mul3A_116 : i32
      %dma_start3A_118 = arith.constant 1 : i32
      %dma_start3A_119 = arith.constant 0 : i32
      %dma_start3A_120 = arith.constant 0 : i32
      %dma_start3A_121 = tpu.memref_slice %arg6[%dma_start3A_118, %dma_start3A_119, %dma_start3A_120] : memref<4x128x128xf32, #tpu.memory_space<vmem>> -> memref<1x128x128xf32, #tpu.memory_space<vmem>>
      %dma_start3A_122 = tpu.memref_squeeze %dma_start3A_121 : memref<1x128x128xf32, #tpu.memory_space<vmem>> -> memref<128x128xf32, #tpu.memory_space<vmem>>
      %dma_start3A_123 = arith.constant 0 : i32
      %dma_start3A_124 = tpu.memref_slice %arg4[%add3A_117, %dma_start3A_123] : memref<81920x128xf32, #tpu.memory_space<hbm>> -> memref<128x128xf32, #tpu.memory_space<hbm>>
      %dma_start3A_125 = arith.constant 0 : i32
      %dma_start3A_126 = tpu.memref_slice %arg4[%add3A_117, %dma_start3A_125] : memref<81920x128xf32, #tpu.memory_space<hbm>> -> memref<128x128xf32, #tpu.memory_space<hbm>>
      %dma_start3A_127 = arith.constant 0 : i32
      %dma_start3A_128 = arith.constant 0 : i32
      %dma_start3A_129 = tpu.memref_slice %arg6[%dma_start3A_118, %dma_start3A_127, %dma_start3A_128] : memref<4x128x128xf32, #tpu.memory_space<vmem>> -> memref<1x128x128xf32, #tpu.memory_space<vmem>>
      %dma_start3A_130 = tpu.memref_squeeze %dma_start3A_129 : memref<1x128x128xf32, #tpu.memory_space<vmem>> -> memref<128x128xf32, #tpu.memory_space<vmem>>
      tpu.enqueue_dma source(%dma_start3A_130 : memref<128x128xf32, #tpu.memory_space<vmem>>) target(%dma_start3A_126 : memref<128x128xf32, #tpu.memory_space<hbm>>) target_semaphore(%arg8 : memref<!tpu.dma_semaphore, #tpu.memory_space<semaphore_mem>>)
      %gt3A_131 = arith.constant 0 : i32
      %gt3A_132 = arith.cmpi sgt, %add3A_103, %gt3A_131 : i32
      %convert_element_type3A_133 = arith.extui %gt3A_132 : i1 to i32
      %cond3A_134 = arith.constant 0 : i32
      %cond3A_135 = arith.cmpi ne, %convert_element_type3A_133, %cond3A_134 : i32
      scf.if %cond3A_135 {
        %sub3A_236 = arith.constant 1 : i32
        %sub3A_237 = arith.subi %add3A_103, %sub3A_236 : i32
        %mul3A_238 = arith.constant 128 : i32
        %mul3A_239 = arith.muli %sub3A_237, %mul3A_238 : i32
        %add3A_240 = arith.addi %mul3A_2, %mul3A_239 : i32
        %dma_wait3A_241 = arith.constant 0 : i32
        %dma_wait3A_242 = arith.constant 0 : i32
        %dma_wait3A_243 = arith.constant 0 : i32
        %dma_wait3A_244 = tpu.memref_slice %arg6[%dma_wait3A_241, %dma_wait3A_242, %dma_wait3A_243] : memref<4x128x128xf32, #tpu.memory_space<vmem>> -> memref<1x128x128xf32, #tpu.memory_space<vmem>>
        %dma_wait3A_245 = tpu.memref_squeeze %dma_wait3A_244 : memref<1x128x128xf32, #tpu.memory_space<vmem>> -> memref<128x128xf32, #tpu.memory_space<vmem>>
        %dma_wait3A_246 = arith.constant 0 : i32
        %dma_wait3A_247 = tpu.memref_slice %arg4[%add3A_240, %dma_wait3A_246] : memref<81920x128xf32, #tpu.memory_space<hbm>> -> memref<128x128xf32, #tpu.memory_space<hbm>>
        %dma_wait3A_248 = arith.constant 0 : i32
        %dma_wait3A_249 = tpu.memref_slice %arg4[%add3A_240, %dma_wait3A_248] : memref<81920x128xf32, #tpu.memory_space<hbm>> -> memref<128x128xf32, #tpu.memory_space<hbm>>
        %dma_wait3A_250 = arith.constant 0 : i32
        %dma_wait3A_251 = arith.constant 0 : i32
        %dma_wait3A_252 = tpu.memref_slice %arg6[%dma_wait3A_241, %dma_wait3A_250, %dma_wait3A_251] : memref<4x128x128xf32, #tpu.memory_space<vmem>> -> memref<1x128x128xf32, #tpu.memory_space<vmem>>
        %dma_wait3A_253 = tpu.memref_squeeze %dma_wait3A_252 : memref<1x128x128xf32, #tpu.memory_space<vmem>> -> memref<128x128xf32, #tpu.memory_space<vmem>>
        tpu.wait_dma2 semaphore(%arg8 : memref<!tpu.dma_semaphore, #tpu.memory_space<semaphore_mem>>) src(%dma_wait3A_253 : memref<128x128xf32, #tpu.memory_space<vmem>>) dst(%dma_wait3A_249 : memref<128x128xf32, #tpu.memory_space<hbm>>)
      } else {
      }
      %add3A_136 = arith.constant 4 : i32
      %add3A_137 = arith.addi %add3A_103, %add3A_136 : i32
      %sub3A_138 = arith.constant 1 : i32
      %sub3A_139 = arith.subi %add3A_137, %sub3A_138 : i32
      %lt3A_140 = arith.constant 20 : i32
      %lt3A_141 = arith.cmpi slt, %sub3A_139, %lt3A_140 : i32
      %convert_element_type3A_142 = arith.extui %lt3A_141 : i1 to i32
      %cond3A_143 = arith.constant 0 : i32
      %cond3A_144 = arith.cmpi ne, %convert_element_type3A_142, %cond3A_143 : i32
      scf.if %cond3A_144 {
        %add3A_236 = arith.constant 4 : i32
        %add3A_237 = arith.addi %add3A_103, %add3A_236 : i32
        %sub3A_238 = arith.constant 1 : i32
        %sub3A_239 = arith.subi %add3A_237, %sub3A_238 : i32
        %dma_start3A_240 = arith.constant 0 : i32
        %dma_start3A_241 = arith.constant 0 : i32
        %dma_start3A_242 = arith.constant 0 : i32
        %dma_start3A_243 = tpu.memref_slice %arg6[%dma_start3A_240, %dma_start3A_241, %dma_start3A_242] : memref<4x128x128xf32, #tpu.memory_space<vmem>> -> memref<1x128x128xf32, #tpu.memory_space<vmem>>
        %dma_start3A_244 = tpu.memref_squeeze %dma_start3A_243 : memref<1x128x128xf32, #tpu.memory_space<vmem>> -> memref<128x128xf32, #tpu.memory_space<vmem>>
        %dma_start3A_245 = arith.constant 0 : i32
        %dma_start3A_246 = tpu.memref_slice %arg5[%sub3A_239, %dma_start3A_245] : memref<20x128xi32, #tpu.memory_space<vmem>> -> memref<1x128xi32, #tpu.memory_space<vmem>>
        %dma_start3A_247 = tpu.memref_squeeze %dma_start3A_246 : memref<1x128xi32, #tpu.memory_space<vmem>> -> memref<128xi32, #tpu.memory_space<vmem>>
        %dma_start3A_248 = arith.constant 0 : i32
        %dma_start3A_249 = arith.constant 0 : i32
        %dma_start3A_250 = tpu.memref_slice %arg2[%dma_start3A_248, %dma_start3A_249] : memref<30000x128xf32, #tpu.memory_space<hbm>> -> memref<30000x128xf32, #tpu.memory_space<hbm>>
        tpu.enqueue_indirect_dma source(%dma_start3A_250 : memref<30000x128xf32, #tpu.memory_space<hbm>>) target(%dma_start3A_244 : memref<128x128xf32, #tpu.memory_space<vmem>>) offsets(%dma_start3A_247 : memref<128xi32, #tpu.memory_space<vmem>>) semaphore(%arg7 : memref<!tpu.dma_semaphore, #tpu.memory_space<semaphore_mem>>)
      } else {
      }
      %mul3A_145 = arith.constant 4 : i32
      %mul3A_146 = arith.muli %scan3A_58, %mul3A_145 : i32
      %add3A_147 = arith.constant 2 : i32
      %add3A_148 = arith.addi %mul3A_146, %add3A_147 : i32
      %dma_wait3A_149 = arith.constant 2 : i32
      %dma_wait3A_150 = arith.constant 0 : i32
      %dma_wait3A_151 = arith.constant 0 : i32
      %dma_wait3A_152 = tpu.memref_slice %arg6[%dma_wait3A_149, %dma_wait3A_150, %dma_wait3A_151] : memref<4x128x128xf32, #tpu.memory_space<vmem>> -> memref<1x128x128xf32, #tpu.memory_space<vmem>>
      %dma_wait3A_153 = tpu.memref_squeeze %dma_wait3A_152 : memref<1x128x128xf32, #tpu.memory_space<vmem>> -> memref<128x128xf32, #tpu.memory_space<vmem>>
      %dma_wait3A_154 = arith.constant 0 : i32
      %dma_wait3A_155 = tpu.memref_slice %arg5[%add3A_148, %dma_wait3A_154] : memref<20x128xi32, #tpu.memory_space<vmem>> -> memref<1x128xi32, #tpu.memory_space<vmem>>
      %dma_wait3A_156 = tpu.memref_squeeze %dma_wait3A_155 : memref<1x128xi32, #tpu.memory_space<vmem>> -> memref<128xi32, #tpu.memory_space<vmem>>
      %dma_wait3A_157 = arith.constant 0 : i32
      %dma_wait3A_158 = arith.constant 0 : i32
      %dma_wait3A_159 = tpu.memref_slice %arg2[%dma_wait3A_157, %dma_wait3A_158] : memref<30000x128xf32, #tpu.memory_space<hbm>> -> memref<30000x128xf32, #tpu.memory_space<hbm>>
      tpu.wait_indirect_dma semaphore(%arg7 : memref<!tpu.dma_semaphore, #tpu.memory_space<semaphore_mem>>) src(%dma_wait3A_159 : memref<30000x128xf32, #tpu.memory_space<hbm>>) dst(%dma_wait3A_153 : memref<128x128xf32, #tpu.memory_space<vmem>>)
      %mul3A_160 = arith.constant 128 : i32
      %mul3A_161 = arith.muli %add3A_148, %mul3A_160 : i32
      %add3A_162 = arith.addi %mul3A_2, %mul3A_161 : i32
      %dma_start3A_163 = arith.constant 2 : i32
      %dma_start3A_164 = arith.constant 0 : i32
      %dma_start3A_165 = arith.constant 0 : i32
      %dma_start3A_166 = tpu.memref_slice %arg6[%dma_start3A_163, %dma_start3A_164, %dma_start3A_165] : memref<4x128x128xf32, #tpu.memory_space<vmem>> -> memref<1x128x128xf32, #tpu.memory_space<vmem>>
      %dma_start3A_167 = tpu.memref_squeeze %dma_start3A_166 : memref<1x128x128xf32, #tpu.memory_space<vmem>> -> memref<128x128xf32, #tpu.memory_space<vmem>>
      %dma_start3A_168 = arith.constant 0 : i32
      %dma_start3A_169 = tpu.memref_slice %arg4[%add3A_162, %dma_start3A_168] : memref<81920x128xf32, #tpu.memory_space<hbm>> -> memref<128x128xf32, #tpu.memory_space<hbm>>
      %dma_start3A_170 = arith.constant 0 : i32
      %dma_start3A_171 = tpu.memref_slice %arg4[%add3A_162, %dma_start3A_170] : memref<81920x128xf32, #tpu.memory_space<hbm>> -> memref<128x128xf32, #tpu.memory_space<hbm>>
      %dma_start3A_172 = arith.constant 0 : i32
      %dma_start3A_173 = arith.constant 0 : i32
      %dma_start3A_174 = tpu.memref_slice %arg6[%dma_start3A_163, %dma_start3A_172, %dma_start3A_173] : memref<4x128x128xf32, #tpu.memory_space<vmem>> -> memref<1x128x128xf32, #tpu.memory_space<vmem>>
      %dma_start3A_175 = tpu.memref_squeeze %dma_start3A_174 : memref<1x128x128xf32, #tpu.memory_space<vmem>> -> memref<128x128xf32, #tpu.memory_space<vmem>>
      tpu.enqueue_dma source(%dma_start3A_175 : memref<128x128xf32, #tpu.memory_space<vmem>>) target(%dma_start3A_171 : memref<128x128xf32, #tpu.memory_space<hbm>>) target_semaphore(%arg8 : memref<!tpu.dma_semaphore, #tpu.memory_space<semaphore_mem>>)
      %gt3A_176 = arith.constant 0 : i32
      %gt3A_177 = arith.cmpi sgt, %add3A_148, %gt3A_176 : i32
      %convert_element_type3A_178 = arith.extui %gt3A_177 : i1 to i32
      %cond3A_179 = arith.constant 0 : i32
      %cond3A_180 = arith.cmpi ne, %convert_element_type3A_178, %cond3A_179 : i32
      scf.if %cond3A_180 {
        %sub3A_236 = arith.constant 1 : i32
        %sub3A_237 = arith.subi %add3A_148, %sub3A_236 : i32
        %mul3A_238 = arith.constant 128 : i32
        %mul3A_239 = arith.muli %sub3A_237, %mul3A_238 : i32
        %add3A_240 = arith.addi %mul3A_2, %mul3A_239 : i32
        %dma_wait3A_241 = arith.constant 1 : i32
        %dma_wait3A_242 = arith.constant 0 : i32
        %dma_wait3A_243 = arith.constant 0 : i32
        %dma_wait3A_244 = tpu.memref_slice %arg6[%dma_wait3A_241, %dma_wait3A_242, %dma_wait3A_243] : memref<4x128x128xf32, #tpu.memory_space<vmem>> -> memref<1x128x128xf32, #tpu.memory_space<vmem>>
        %dma_wait3A_245 = tpu.memref_squeeze %dma_wait3A_244 : memref<1x128x128xf32, #tpu.memory_space<vmem>> -> memref<128x128xf32, #tpu.memory_space<vmem>>
        %dma_wait3A_246 = arith.constant 0 : i32
        %dma_wait3A_247 = tpu.memref_slice %arg4[%add3A_240, %dma_wait3A_246] : memref<81920x128xf32, #tpu.memory_space<hbm>> -> memref<128x128xf32, #tpu.memory_space<hbm>>
        %dma_wait3A_248 = arith.constant 0 : i32
        %dma_wait3A_249 = tpu.memref_slice %arg4[%add3A_240, %dma_wait3A_248] : memref<81920x128xf32, #tpu.memory_space<hbm>> -> memref<128x128xf32, #tpu.memory_space<hbm>>
        %dma_wait3A_250 = arith.constant 0 : i32
        %dma_wait3A_251 = arith.constant 0 : i32
        %dma_wait3A_252 = tpu.memref_slice %arg6[%dma_wait3A_241, %dma_wait3A_250, %dma_wait3A_251] : memref<4x128x128xf32, #tpu.memory_space<vmem>> -> memref<1x128x128xf32, #tpu.memory_space<vmem>>
        %dma_wait3A_253 = tpu.memref_squeeze %dma_wait3A_252 : memref<1x128x128xf32, #tpu.memory_space<vmem>> -> memref<128x128xf32, #tpu.memory_space<vmem>>
        tpu.wait_dma2 semaphore(%arg8 : memref<!tpu.dma_semaphore, #tpu.memory_space<semaphore_mem>>) src(%dma_wait3A_253 : memref<128x128xf32, #tpu.memory_space<vmem>>) dst(%dma_wait3A_249 : memref<128x128xf32, #tpu.memory_space<hbm>>)
      } else {
      }
      %add3A_181 = arith.constant 4 : i32
      %add3A_182 = arith.addi %add3A_148, %add3A_181 : i32
      %sub3A_183 = arith.constant 1 : i32
      %sub3A_184 = arith.subi %add3A_182, %sub3A_183 : i32
      %lt3A_185 = arith.constant 20 : i32
      %lt3A_186 = arith.cmpi slt, %sub3A_184, %lt3A_185 : i32
      %convert_element_type3A_187 = arith.extui %lt3A_186 : i1 to i32
      %cond3A_188 = arith.constant 0 : i32
      %cond3A_189 = arith.cmpi ne, %convert_element_type3A_187, %cond3A_188 : i32
      scf.if %cond3A_189 {
        %add3A_236 = arith.constant 4 : i32
        %add3A_237 = arith.addi %add3A_148, %add3A_236 : i32
        %sub3A_238 = arith.constant 1 : i32
        %sub3A_239 = arith.subi %add3A_237, %sub3A_238 : i32
        %dma_start3A_240 = arith.constant 1 : i32
        %dma_start3A_241 = arith.constant 0 : i32
        %dma_start3A_242 = arith.constant 0 : i32
        %dma_start3A_243 = tpu.memref_slice %arg6[%dma_start3A_240, %dma_start3A_241, %dma_start3A_242] : memref<4x128x128xf32, #tpu.memory_space<vmem>> -> memref<1x128x128xf32, #tpu.memory_space<vmem>>
        %dma_start3A_244 = tpu.memref_squeeze %dma_start3A_243 : memref<1x128x128xf32, #tpu.memory_space<vmem>> -> memref<128x128xf32, #tpu.memory_space<vmem>>
        %dma_start3A_245 = arith.constant 0 : i32
        %dma_start3A_246 = tpu.memref_slice %arg5[%sub3A_239, %dma_start3A_245] : memref<20x128xi32, #tpu.memory_space<vmem>> -> memref<1x128xi32, #tpu.memory_space<vmem>>
        %dma_start3A_247 = tpu.memref_squeeze %dma_start3A_246 : memref<1x128xi32, #tpu.memory_space<vmem>> -> memref<128xi32, #tpu.memory_space<vmem>>
        %dma_start3A_248 = arith.constant 0 : i32
        %dma_start3A_249 = arith.constant 0 : i32
        %dma_start3A_250 = tpu.memref_slice %arg2[%dma_start3A_248, %dma_start3A_249] : memref<30000x128xf32, #tpu.memory_space<hbm>> -> memref<30000x128xf32, #tpu.memory_space<hbm>>
        tpu.enqueue_indirect_dma source(%dma_start3A_250 : memref<30000x128xf32, #tpu.memory_space<hbm>>) target(%dma_start3A_244 : memref<128x128xf32, #tpu.memory_space<vmem>>) offsets(%dma_start3A_247 : memref<128xi32, #tpu.memory_space<vmem>>) semaphore(%arg7 : memref<!tpu.dma_semaphore, #tpu.memory_space<semaphore_mem>>)
      } else {
      }
      %mul3A_190 = arith.constant 4 : i32
      %mul3A_191 = arith.muli %scan3A_58, %mul3A_190 : i32
      %add3A_192 = arith.constant 3 : i32
      %add3A_193 = arith.addi %mul3A_191, %add3A_192 : i32
      %dma_wait3A_194 = arith.constant 3 : i32
      %dma_wait3A_195 = arith.constant 0 : i32
      %dma_wait3A_196 = arith.constant 0 : i32
      %dma_wait3A_197 = tpu.memref_slice %arg6[%dma_wait3A_194, %dma_wait3A_195, %dma_wait3A_196] : memref<4x128x128xf32, #tpu.memory_space<vmem>> -> memref<1x128x128xf32, #tpu.memory_space<vmem>>
      %dma_wait3A_198 = tpu.memref_squeeze %dma_wait3A_197 : memref<1x128x128xf32, #tpu.memory_space<vmem>> -> memref<128x128xf32, #tpu.memory_space<vmem>>
      %dma_wait3A_199 = arith.constant 0 : i32
      %dma_wait3A_200 = tpu.memref_slice %arg5[%add3A_193, %dma_wait3A_199] : memref<20x128xi32, #tpu.memory_space<vmem>> -> memref<1x128xi32, #tpu.memory_space<vmem>>
      %dma_wait3A_201 = tpu.memref_squeeze %dma_wait3A_200 : memref<1x128xi32, #tpu.memory_space<vmem>> -> memref<128xi32, #tpu.memory_space<vmem>>
      %dma_wait3A_202 = arith.constant 0 : i32
      %dma_wait3A_203 = arith.constant 0 : i32
      %dma_wait3A_204 = tpu.memref_slice %arg2[%dma_wait3A_202, %dma_wait3A_203] : memref<30000x128xf32, #tpu.memory_space<hbm>> -> memref<30000x128xf32, #tpu.memory_space<hbm>>
      tpu.wait_indirect_dma semaphore(%arg7 : memref<!tpu.dma_semaphore, #tpu.memory_space<semaphore_mem>>) src(%dma_wait3A_204 : memref<30000x128xf32, #tpu.memory_space<hbm>>) dst(%dma_wait3A_198 : memref<128x128xf32, #tpu.memory_space<vmem>>)
      %mul3A_205 = arith.constant 128 : i32
      %mul3A_206 = arith.muli %add3A_193, %mul3A_205 : i32
      %add3A_207 = arith.addi %mul3A_2, %mul3A_206 : i32
      %dma_start3A_208 = arith.constant 3 : i32
      %dma_start3A_209 = arith.constant 0 : i32
      %dma_start3A_210 = arith.constant 0 : i32
      %dma_start3A_211 = tpu.memref_slice %arg6[%dma_start3A_208, %dma_start3A_209, %dma_start3A_210] : memref<4x128x128xf32, #tpu.memory_space<vmem>> -> memref<1x128x128xf32, #tpu.memory_space<vmem>>
      %dma_start3A_212 = tpu.memref_squeeze %dma_start3A_211 : memref<1x128x128xf32, #tpu.memory_space<vmem>> -> memref<128x128xf32, #tpu.memory_space<vmem>>
      %dma_start3A_213 = arith.constant 0 : i32
      %dma_start3A_214 = tpu.memref_slice %arg4[%add3A_207, %dma_start3A_213] : memref<81920x128xf32, #tpu.memory_space<hbm>> -> memref<128x128xf32, #tpu.memory_space<hbm>>
      %dma_start3A_215 = arith.constant 0 : i32
      %dma_start3A_216 = tpu.memref_slice %arg4[%add3A_207, %dma_start3A_215] : memref<81920x128xf32, #tpu.memory_space<hbm>> -> memref<128x128xf32, #tpu.memory_space<hbm>>
      %dma_start3A_217 = arith.constant 0 : i32
      %dma_start3A_218 = arith.constant 0 : i32
      %dma_start3A_219 = tpu.memref_slice %arg6[%dma_start3A_208, %dma_start3A_217, %dma_start3A_218] : memref<4x128x128xf32, #tpu.memory_space<vmem>> -> memref<1x128x128xf32, #tpu.memory_space<vmem>>
      %dma_start3A_220 = tpu.memref_squeeze %dma_start3A_219 : memref<1x128x128xf32, #tpu.memory_space<vmem>> -> memref<128x128xf32, #tpu.memory_space<vmem>>
      tpu.enqueue_dma source(%dma_start3A_220 : memref<128x128xf32, #tpu.memory_space<vmem>>) target(%dma_start3A_216 : memref<128x128xf32, #tpu.memory_space<hbm>>) target_semaphore(%arg8 : memref<!tpu.dma_semaphore, #tpu.memory_space<semaphore_mem>>)
      %gt3A_221 = arith.constant 0 : i32
      %gt3A_222 = arith.cmpi sgt, %add3A_193, %gt3A_221 : i32
      %convert_element_type3A_223 = arith.extui %gt3A_222 : i1 to i32
      %cond3A_224 = arith.constant 0 : i32
      %cond3A_225 = arith.cmpi ne, %convert_element_type3A_223, %cond3A_224 : i32
      scf.if %cond3A_225 {
        %sub3A_236 = arith.constant 1 : i32
        %sub3A_237 = arith.subi %add3A_193, %sub3A_236 : i32
        %mul3A_238 = arith.constant 128 : i32
        %mul3A_239 = arith.muli %sub3A_237, %mul3A_238 : i32
        %add3A_240 = arith.addi %mul3A_2, %mul3A_239 : i32
        %dma_wait3A_241 = arith.constant 2 : i32
        %dma_wait3A_242 = arith.constant 0 : i32
        %dma_wait3A_243 = arith.constant 0 : i32
        %dma_wait3A_244 = tpu.memref_slice %arg6[%dma_wait3A_241, %dma_wait3A_242, %dma_wait3A_243] : memref<4x128x128xf32, #tpu.memory_space<vmem>> -> memref<1x128x128xf32, #tpu.memory_space<vmem>>
        %dma_wait3A_245 = tpu.memref_squeeze %dma_wait3A_244 : memref<1x128x128xf32, #tpu.memory_space<vmem>> -> memref<128x128xf32, #tpu.memory_space<vmem>>
        %dma_wait3A_246 = arith.constant 0 : i32
        %dma_wait3A_247 = tpu.memref_slice %arg4[%add3A_240, %dma_wait3A_246] : memref<81920x128xf32, #tpu.memory_space<hbm>> -> memref<128x128xf32, #tpu.memory_space<hbm>>
        %dma_wait3A_248 = arith.constant 0 : i32
        %dma_wait3A_249 = tpu.memref_slice %arg4[%add3A_240, %dma_wait3A_248] : memref<81920x128xf32, #tpu.memory_space<hbm>> -> memref<128x128xf32, #tpu.memory_space<hbm>>
        %dma_wait3A_250 = arith.constant 0 : i32
        %dma_wait3A_251 = arith.constant 0 : i32
        %dma_wait3A_252 = tpu.memref_slice %arg6[%dma_wait3A_241, %dma_wait3A_250, %dma_wait3A_251] : memref<4x128x128xf32, #tpu.memory_space<vmem>> -> memref<1x128x128xf32, #tpu.memory_space<vmem>>
        %dma_wait3A_253 = tpu.memref_squeeze %dma_wait3A_252 : memref<1x128x128xf32, #tpu.memory_space<vmem>> -> memref<128x128xf32, #tpu.memory_space<vmem>>
        tpu.wait_dma2 semaphore(%arg8 : memref<!tpu.dma_semaphore, #tpu.memory_space<semaphore_mem>>) src(%dma_wait3A_253 : memref<128x128xf32, #tpu.memory_space<vmem>>) dst(%dma_wait3A_249 : memref<128x128xf32, #tpu.memory_space<hbm>>)
      } else {
      }
      %add3A_226 = arith.constant 4 : i32
      %add3A_227 = arith.addi %add3A_193, %add3A_226 : i32
      %sub3A_228 = arith.constant 1 : i32
      %sub3A_229 = arith.subi %add3A_227, %sub3A_228 : i32
      %lt3A_230 = arith.constant 20 : i32
      %lt3A_231 = arith.cmpi slt, %sub3A_229, %lt3A_230 : i32
      %convert_element_type3A_232 = arith.extui %lt3A_231 : i1 to i32
      %cond3A_233 = arith.constant 0 : i32
      %cond3A_234 = arith.cmpi ne, %convert_element_type3A_232, %cond3A_233 : i32
      scf.if %cond3A_234 {
        %add3A_236 = arith.constant 4 : i32
        %add3A_237 = arith.addi %add3A_193, %add3A_236 : i32
        %sub3A_238 = arith.constant 1 : i32
        %sub3A_239 = arith.subi %add3A_237, %sub3A_238 : i32
        %dma_start3A_240 = arith.constant 2 : i32
        %dma_start3A_241 = arith.constant 0 : i32
        %dma_start3A_242 = arith.constant 0 : i32
        %dma_start3A_243 = tpu.memref_slice %arg6[%dma_start3A_240, %dma_start3A_241, %dma_start3A_242] : memref<4x128x128xf32, #tpu.memory_space<vmem>> -> memref<1x128x128xf32, #tpu.memory_space<vmem>>
        %dma_start3A_244 = tpu.memref_squeeze %dma_start3A_243 : memref<1x128x128xf32, #tpu.memory_space<vmem>> -> memref<128x128xf32, #tpu.memory_space<vmem>>
        %dma_start3A_245 = arith.constant 0 : i32
        %dma_start3A_246 = tpu.memref_slice %arg5[%sub3A_239, %dma_start3A_245] : memref<20x128xi32, #tpu.memory_space<vmem>> -> memref<1x128xi32, #tpu.memory_space<vmem>>
        %dma_start3A_247 = tpu.memref_squeeze %dma_start3A_246 : memref<1x128xi32, #tpu.memory_space<vmem>> -> memref<128xi32, #tpu.memory_space<vmem>>
        %dma_start3A_248 = arith.constant 0 : i32
        %dma_start3A_249 = arith.constant 0 : i32
        %dma_start3A_250 = tpu.memref_slice %arg2[%dma_start3A_248, %dma_start3A_249] : memref<30000x128xf32, #tpu.memory_space<hbm>> -> memref<30000x128xf32, #tpu.memory_space<hbm>>
        tpu.enqueue_indirect_dma source(%dma_start3A_250 : memref<30000x128xf32, #tpu.memory_space<hbm>>) target(%dma_start3A_244 : memref<128x128xf32, #tpu.memory_space<vmem>>) offsets(%dma_start3A_247 : memref<128xi32, #tpu.memory_space<vmem>>) semaphore(%arg7 : memref<!tpu.dma_semaphore, #tpu.memory_space<semaphore_mem>>)
      } else {
      }
      %scan3A_235 = arith.constant 0 : i32
      scf.yield %scan3A_235 : i32
    }
    %scan3A_43 = arith.constant 5 : i32
    %add3A_44 = arith.constant 2432 : i32
    %add3A_45 = arith.addi %mul3A_2, %add3A_44 : i32
    %dma_wait3A = arith.constant 3 : i32
    %dma_wait3A_46 = arith.constant 0 : i32
    %dma_wait3A_47 = arith.constant 0 : i32
    %dma_wait3A_48 = tpu.memref_slice %arg6[%dma_wait3A, %dma_wait3A_46, %dma_wait3A_47] : memref<4x128x128xf32, #tpu.memory_space<vmem>> -> memref<1x128x128xf32, #tpu.memory_space<vmem>>
    %dma_wait3A_49 = tpu.memref_squeeze %dma_wait3A_48 : memref<1x128x128xf32, #tpu.memory_space<vmem>> -> memref<128x128xf32, #tpu.memory_space<vmem>>
    %dma_wait3A_50 = arith.constant 0 : i32
    %dma_wait3A_51 = tpu.memref_slice %arg4[%add3A_45, %dma_wait3A_50] : memref<81920x128xf32, #tpu.memory_space<hbm>> -> memref<128x128xf32, #tpu.memory_space<hbm>>
    %dma_wait3A_52 = arith.constant 0 : i32
    %dma_wait3A_53 = tpu.memref_slice %arg4[%add3A_45, %dma_wait3A_52] : memref<81920x128xf32, #tpu.memory_space<hbm>> -> memref<128x128xf32, #tpu.memory_space<hbm>>
    %dma_wait3A_54 = arith.constant 0 : i32
    %dma_wait3A_55 = arith.constant 0 : i32
    %dma_wait3A_56 = tpu.memref_slice %arg6[%dma_wait3A, %dma_wait3A_54, %dma_wait3A_55] : memref<4x128x128xf32, #tpu.memory_space<vmem>> -> memref<1x128x128xf32, #tpu.memory_space<vmem>>
    %dma_wait3A_57 = tpu.memref_squeeze %dma_wait3A_56 : memref<1x128x128xf32, #tpu.memory_space<vmem>> -> memref<128x128xf32, #tpu.memory_space<vmem>>
    tpu.wait_dma2 semaphore(%arg8 : memref<!tpu.dma_semaphore, #tpu.memory_space<semaphore_mem>>) src(%dma_wait3A_57 : memref<128x128xf32, #tpu.memory_space<vmem>>) dst(%dma_wait3A_53 : memref<128x128xf32, #tpu.memory_space<hbm>>)
    return
  }
}

#map = affine_map<(d0, d1) -> (0, 0)>
#map1 = affine_map<(d0, d1) -> (0, 0, 0)>
module attributes {stable_mosaic.version = 14 : i64} {
  func.func @k(%arg0: i32, %arg1: i32, %arg2: memref<30000x128xf32, #tpu.memory_space<hbm>>, %arg3: memref<32x20x128xi32, #tpu.memory_space<hbm>>, %arg4: memref<81920x128xf32, #tpu.memory_space<hbm>>, %arg5: memref<20x128xi32, #tpu.memory_space<vmem>>, %arg6: memref<4x128x128xf32, #tpu.memory_space<vmem>>, %arg7: memref<!tpu.dma_semaphore, #tpu.memory_space<semaphore_mem>>, %arg8: memref<!tpu.dma_semaphore, #tpu.memory_space<semaphore_mem>>) attributes {dimension_semantics = [#tpu.dimension_semantics<core_parallel>, #tpu.dimension_semantics<subcore_parallel>], iteration_bounds = array<i64: 2, 16>, scalar_prefetch = 0 : i64, scratch_operands = 4 : i64, tpu.core_type = #tpu.core_type<sc_vector_subcore>, window_params = [{transform_indices = #map}, {transform_indices = #map1}, {transform_indices = #map}]} {
    %mul3A = arith.constant 2 : i32
    %mul3A_0 = arith.muli %arg1, %mul3A : i32
    %add3A = arith.addi %mul3A_0, %arg0 : i32
    %mul3A_1 = arith.constant 2560 : i32
    %mul3A_2 = arith.muli %add3A, %mul3A_1 : i32
    "tpu.region"() ({
      %run_scoped3A = tpu.sem_alloc : memref<!tpu.dma_semaphore, #tpu.memory_space<semaphore_mem>>
      %dma_start3A_58 = arith.constant 0 : i32
      %dma_start3A_59 = arith.constant 0 : i32
      %dma_start3A_60 = tpu.memref_slice %arg3[%add3A, %dma_start3A_58, %dma_start3A_59] : memref<32x20x128xi32, #tpu.memory_space<hbm>> -> memref<1x20x128xi32, #tpu.memory_space<hbm>>
      %dma_start3A_61 = tpu.memref_squeeze %dma_start3A_60 : memref<1x20x128xi32, #tpu.memory_space<hbm>> -> memref<20x128xi32, #tpu.memory_space<hbm>>
      %dma_start3A_62 = arith.constant 0 : i32
      %dma_start3A_63 = arith.constant 0 : i32
      %dma_start3A_64 = tpu.memref_slice %arg3[%add3A, %dma_start3A_62, %dma_start3A_63] : memref<32x20x128xi32, #tpu.memory_space<hbm>> -> memref<1x20x128xi32, #tpu.memory_space<hbm>>
      %dma_start3A_65 = tpu.memref_squeeze %dma_start3A_64 : memref<1x20x128xi32, #tpu.memory_space<hbm>> -> memref<20x128xi32, #tpu.memory_space<hbm>>
      tpu.enqueue_dma source(%dma_start3A_65 : memref<20x128xi32, #tpu.memory_space<hbm>>) target(%arg5 : memref<20x128xi32, #tpu.memory_space<vmem>>) target_semaphore(%run_scoped3A : memref<!tpu.dma_semaphore, #tpu.memory_space<semaphore_mem>>)
      %dma_wait3A_66 = arith.constant 0 : i32
      %dma_wait3A_67 = arith.constant 0 : i32
      %dma_wait3A_68 = tpu.memref_slice %arg3[%add3A, %dma_wait3A_66, %dma_wait3A_67] : memref<32x20x128xi32, #tpu.memory_space<hbm>> -> memref<1x20x128xi32, #tpu.memory_space<hbm>>
      %dma_wait3A_69 = tpu.memref_squeeze %dma_wait3A_68 : memref<1x20x128xi32, #tpu.memory_space<hbm>> -> memref<20x128xi32, #tpu.memory_space<hbm>>
      %dma_wait3A_70 = arith.constant 0 : i32
      %dma_wait3A_71 = arith.constant 0 : i32
      %dma_wait3A_72 = tpu.memref_slice %arg3[%add3A, %dma_wait3A_70, %dma_wait3A_71] : memref<32x20x128xi32, #tpu.memory_space<hbm>> -> memref<1x20x128xi32, #tpu.memory_space<hbm>>
      %dma_wait3A_73 = tpu.memref_squeeze %dma_wait3A_72 : memref<1x20x128xi32, #tpu.memory_space<hbm>> -> memref<20x128xi32, #tpu.memory_space<hbm>>
      tpu.wait_dma2 semaphore(%run_scoped3A : memref<!tpu.dma_semaphore, #tpu.memory_space<semaphore_mem>>) src(%dma_wait3A_73 : memref<20x128xi32, #tpu.memory_space<hbm>>) dst(%arg5 : memref<20x128xi32, #tpu.memory_space<vmem>>)
      tpu.yield
    }) : () -> ()
    %dma_start3A = arith.constant 0 : i32
    %dma_start3A_3 = arith.constant 0 : i32
    %dma_start3A_4 = arith.constant 0 : i32
    %dma_start3A_5 = arith.constant 0 : i32
    %dma_start3A_6 = tpu.memref_slice %arg6[%dma_start3A_3, %dma_start3A_4, %dma_start3A_5] : memref<4x128x128xf32, #tpu.memory_space<vmem>> -> memref<1x128x128xf32, #tpu.memory_space<vmem>>
    %dma_start3A_7 = tpu.memref_squeeze %dma_start3A_6 : memref<1x128x128xf32, #tpu.memory_space<vmem>> -> memref<128x128xf32, #tpu.memory_space<vmem>>
    %dma_start3A_8 = arith.constant 0 : i32
    %dma_start3A_9 = tpu.memref_slice %arg5[%dma_start3A, %dma_start3A_8] : memref<20x128xi32, #tpu.memory_space<vmem>> -> memref<1x128xi32, #tpu.memory_space<vmem>>
    %dma_start3A_10 = tpu.memref_squeeze %dma_start3A_9 : memref<1x128xi32, #tpu.memory_space<vmem>> -> memref<128xi32, #tpu.memory_space<vmem>>
    %dma_start3A_11 = arith.constant 0 : i32
    %dma_start3A_12 = arith.constant 0 : i32
    %dma_start3A_13 = tpu.memref_slice %arg2[%dma_start3A_11, %dma_start3A_12] : memref<30000x128xf32, #tpu.memory_space<hbm>> -> memref<30000x128xf32, #tpu.memory_space<hbm>>
    tpu.enqueue_indirect_dma source(%dma_start3A_13 : memref<30000x128xf32, #tpu.memory_space<hbm>>) target(%dma_start3A_7 : memref<128x128xf32, #tpu.memory_space<vmem>>) offsets(%dma_start3A_10 : memref<128xi32, #tpu.memory_space<vmem>>) semaphore(%arg7 : memref<!tpu.dma_semaphore, #tpu.memory_space<semaphore_mem>>)
    %dma_start3A_14 = arith.constant 1 : i32
    %dma_start3A_15 = arith.constant 1 : i32
    %dma_start3A_16 = arith.constant 0 : i32
    %dma_start3A_17 = arith.constant 0 : i32
    %dma_start3A_18 = tpu.memref_slice %arg6[%dma_start3A_15, %dma_start3A_16, %dma_start3A_17] : memref<4x128x128xf32, #tpu.memory_space<vmem>> -> memref<1x128x128xf32, #tpu.memory_space<vmem>>
    %dma_start3A_19 = tpu.memref_squeeze %dma_start3A_18 : memref<1x128x128xf32, #tpu.memory_space<vmem>> -> memref<128x128xf32, #tpu.memory_space<vmem>>
    %dma_start3A_20 = arith.constant 0 : i32
    %dma_start3A_21 = tpu.memref_slice %arg5[%dma_start3A_14, %dma_start3A_20] : memref<20x128xi32, #tpu.memory_space<vmem>> -> memref<1x128xi32, #tpu.memory_space<vmem>>
    %dma_start3A_22 = tpu.memref_squeeze %dma_start3A_21 : memref<1x128xi32, #tpu.memory_space<vmem>> -> memref<128xi32, #tpu.memory_space<vmem>>
    %dma_start3A_23 = arith.constant 0 : i32
    %dma_start3A_24 = arith.constant 0 : i32
    %dma_start3A_25 = tpu.memref_slice %arg2[%dma_start3A_23, %dma_start3A_24] : memref<30000x128xf32, #tpu.memory_space<hbm>> -> memref<30000x128xf32, #tpu.memory_space<hbm>>
    tpu.enqueue_indirect_dma source(%dma_start3A_25 : memref<30000x128xf32, #tpu.memory_space<hbm>>) target(%dma_start3A_19 : memref<128x128xf32, #tpu.memory_space<vmem>>) offsets(%dma_start3A_22 : memref<128xi32, #tpu.memory_space<vmem>>) semaphore(%arg7 : memref<!tpu.dma_semaphore, #tpu.memory_space<semaphore_mem>>)
    %dma_start3A_26 = arith.constant 2 : i32
    %dma_start3A_27 = arith.constant 2 : i32
    %dma_start3A_28 = arith.constant 0 : i32
    %dma_start3A_29 = arith.constant 0 : i32
    %dma_start3A_30 = tpu.memref_slice %arg6[%dma_start3A_27, %dma_start3A_28, %dma_start3A_29] : memref<4x128x128xf32, #tpu.memory_space<vmem>> -> memref<1x128x128xf32, #tpu.memory_space<vmem>>
    %dma_start3A_31 = tpu.memref_squeeze %dma_start3A_30 : memref<1x128x128xf32, #tpu.memory_space<vmem>> -> memref<128x128xf32, #tpu.memory_space<vmem>>
    %dma_start3A_32 = arith.constant 0 : i32
    %dma_start3A_33 = tpu.memref_slice %arg5[%dma_start3A_26, %dma_start3A_32] : memref<20x128xi32, #tpu.memory_space<vmem>> -> memref<1x128xi32, #tpu.memory_space<vmem>>
    %dma_start3A_34 = tpu.memref_squeeze %dma_start3A_33 : memref<1x128xi32, #tpu.memory_space<vmem>> -> memref<128xi32, #tpu.memory_space<vmem>>
    %dma_start3A_35 = arith.constant 0 : i32
    %dma_start3A_36 = arith.constant 0 : i32
    %dma_start3A_37 = tpu.memref_slice %arg2[%dma_start3A_35, %dma_start3A_36] : memref<30000x128xf32, #tpu.memory_space<hbm>> -> memref<30000x128xf32, #tpu.memory_space<hbm>>
    tpu.enqueue_indirect_dma source(%dma_start3A_37 : memref<30000x128xf32, #tpu.memory_space<hbm>>) target(%dma_start3A_31 : memref<128x128xf32, #tpu.memory_space<vmem>>) offsets(%dma_start3A_34 : memref<128xi32, #tpu.memory_space<vmem>>) semaphore(%arg7 : memref<!tpu.dma_semaphore, #tpu.memory_space<semaphore_mem>>)
    %scan3A = arith.constant 0 : i32
    %scan3A_38 = arith.constant 0 : i32
    %scan3A_39 = arith.constant 5 : i32
    %scan3A_40 = arith.addi %scan3A_38, %scan3A_39 : i32
    %scan3A_41 = arith.constant 1 : i32
    %scan3A_42 = scf.for %scan3A_58 = %scan3A_38 to %scan3A_40 step %scan3A_41 iter_args(%scan3A_59 = %scan3A) -> (i32)  : i32 {
      %mul3A_60 = arith.constant 4 : i32
      %mul3A_61 = arith.muli %scan3A_58, %mul3A_60 : i32
      %add3A_62 = arith.constant 0 : i32
      %add3A_63 = arith.addi %mul3A_61, %add3A_62 : i32
      %dma_wait3A_64 = arith.constant 0 : i32
      %dma_wait3A_65 = arith.constant 0 : i32
      %dma_wait3A_66 = arith.constant 0 : i32
      %dma_wait3A_67 = tpu.memref_slice %arg6[%dma_wait3A_64, %dma_wait3A_65, %dma_wait3A_66] : memref<4x128x128xf32, #tpu.memory_space<vmem>> -> memref<1x128x128xf32, #tpu.memory_space<vmem>>
      %dma_wait3A_68 = tpu.memref_squeeze %dma_wait3A_67 : memref<1x128x128xf32, #tpu.memory_space<vmem>> -> memref<128x128xf32, #tpu.memory_space<vmem>>
      %dma_wait3A_69 = arith.constant 0 : i32
      %dma_wait3A_70 = tpu.memref_slice %arg5[%add3A_63, %dma_wait3A_69] : memref<20x128xi32, #tpu.memory_space<vmem>> -> memref<1x128xi32, #tpu.memory_space<vmem>>
      %dma_wait3A_71 = tpu.memref_squeeze %dma_wait3A_70 : memref<1x128xi32, #tpu.memory_space<vmem>> -> memref<128xi32, #tpu.memory_space<vmem>>
      %dma_wait3A_72 = arith.constant 0 : i32
      %dma_wait3A_73 = arith.constant 0 : i32
      %dma_wait3A_74 = tpu.memref_slice %arg2[%dma_wait3A_72, %dma_wait3A_73] : memref<30000x128xf32, #tpu.memory_space<hbm>> -> memref<30000x128xf32, #tpu.memory_space<hbm>>
      tpu.wait_indirect_dma semaphore(%arg7 : memref<!tpu.dma_semaphore, #tpu.memory_space<semaphore_mem>>) src(%dma_wait3A_74 : memref<30000x128xf32, #tpu.memory_space<hbm>>) dst(%dma_wait3A_68 : memref<128x128xf32, #tpu.memory_space<vmem>>)
      %mul3A_75 = arith.constant 128 : i32
      %mul3A_76 = arith.muli %add3A_63, %mul3A_75 : i32
      %add3A_77 = arith.addi %mul3A_2, %mul3A_76 : i32
      %dma_start3A_78 = arith.constant 0 : i32
      %dma_start3A_79 = arith.constant 0 : i32
      %dma_start3A_80 = arith.constant 0 : i32
      %dma_start3A_81 = tpu.memref_slice %arg6[%dma_start3A_78, %dma_start3A_79, %dma_start3A_80] : memref<4x128x128xf32, #tpu.memory_space<vmem>> -> memref<1x128x128xf32, #tpu.memory_space<vmem>>
      %dma_start3A_82 = tpu.memref_squeeze %dma_start3A_81 : memref<1x128x128xf32, #tpu.memory_space<vmem>> -> memref<128x128xf32, #tpu.memory_space<vmem>>
      %dma_start3A_83 = arith.constant 0 : i32
      %dma_start3A_84 = tpu.memref_slice %arg4[%add3A_77, %dma_start3A_83] : memref<81920x128xf32, #tpu.memory_space<hbm>> -> memref<128x128xf32, #tpu.memory_space<hbm>>
      %dma_start3A_85 = arith.constant 0 : i32
      %dma_start3A_86 = tpu.memref_slice %arg4[%add3A_77, %dma_start3A_85] : memref<81920x128xf32, #tpu.memory_space<hbm>> -> memref<128x128xf32, #tpu.memory_space<hbm>>
      %dma_start3A_87 = arith.constant 0 : i32
      %dma_start3A_88 = arith.constant 0 : i32
      %dma_start3A_89 = tpu.memref_slice %arg6[%dma_start3A_78, %dma_start3A_87, %dma_start3A_88] : memref<4x128x128xf32, #tpu.memory_space<vmem>> -> memref<1x128x128xf32, #tpu.memory_space<vmem>>
      %dma_start3A_90 = tpu.memref_squeeze %dma_start3A_89 : memref<1x128x128xf32, #tpu.memory_space<vmem>> -> memref<128x128xf32, #tpu.memory_space<vmem>>
      tpu.enqueue_dma source(%dma_start3A_90 : memref<128x128xf32, #tpu.memory_space<vmem>>) target(%dma_start3A_86 : memref<128x128xf32, #tpu.memory_space<hbm>>) target_semaphore(%arg8 : memref<!tpu.dma_semaphore, #tpu.memory_space<semaphore_mem>>)
      %gt3A = arith.constant 0 : i32
      %gt3A_91 = arith.cmpi sgt, %add3A_63, %gt3A : i32
      %convert_element_type3A = arith.extui %gt3A_91 : i1 to i32
      %cond3A = arith.constant 0 : i32
      %cond3A_92 = arith.cmpi ne, %convert_element_type3A, %cond3A : i32
      scf.if %cond3A_92 {
        %sub3A_236 = arith.constant 1 : i32
        %sub3A_237 = arith.subi %add3A_63, %sub3A_236 : i32
        %mul3A_238 = arith.constant 128 : i32
        %mul3A_239 = arith.muli %sub3A_237, %mul3A_238 : i32
        %add3A_240 = arith.addi %mul3A_2, %mul3A_239 : i32
        %dma_wait3A_241 = arith.constant 3 : i32
        %dma_wait3A_242 = arith.constant 0 : i32
        %dma_wait3A_243 = arith.constant 0 : i32
        %dma_wait3A_244 = tpu.memref_slice %arg6[%dma_wait3A_241, %dma_wait3A_242, %dma_wait3A_243] : memref<4x128x128xf32, #tpu.memory_space<vmem>> -> memref<1x128x128xf32, #tpu.memory_space<vmem>>
        %dma_wait3A_245 = tpu.memref_squeeze %dma_wait3A_244 : memref<1x128x128xf32, #tpu.memory_space<vmem>> -> memref<128x128xf32, #tpu.memory_space<vmem>>
        %dma_wait3A_246 = arith.constant 0 : i32
        %dma_wait3A_247 = tpu.memref_slice %arg4[%add3A_240, %dma_wait3A_246] : memref<81920x128xf32, #tpu.memory_space<hbm>> -> memref<128x128xf32, #tpu.memory_space<hbm>>
        %dma_wait3A_248 = arith.constant 0 : i32
        %dma_wait3A_249 = tpu.memref_slice %arg4[%add3A_240, %dma_wait3A_248] : memref<81920x128xf32, #tpu.memory_space<hbm>> -> memref<128x128xf32, #tpu.memory_space<hbm>>
        %dma_wait3A_250 = arith.constant 0 : i32
        %dma_wait3A_251 = arith.constant 0 : i32
        %dma_wait3A_252 = tpu.memref_slice %arg6[%dma_wait3A_241, %dma_wait3A_250, %dma_wait3A_251] : memref<4x128x128xf32, #tpu.memory_space<vmem>> -> memref<1x128x128xf32, #tpu.memory_space<vmem>>
        %dma_wait3A_253 = tpu.memref_squeeze %dma_wait3A_252 : memref<1x128x128xf32, #tpu.memory_space<vmem>> -> memref<128x128xf32, #tpu.memory_space<vmem>>
        tpu.wait_dma2 semaphore(%arg8 : memref<!tpu.dma_semaphore, #tpu.memory_space<semaphore_mem>>) src(%dma_wait3A_253 : memref<128x128xf32, #tpu.memory_space<vmem>>) dst(%dma_wait3A_249 : memref<128x128xf32, #tpu.memory_space<hbm>>)
      } else {
      }
      %add3A_93 = arith.constant 4 : i32
      %add3A_94 = arith.addi %add3A_63, %add3A_93 : i32
      %sub3A = arith.constant 1 : i32
      %sub3A_95 = arith.subi %add3A_94, %sub3A : i32
      %lt3A = arith.constant 20 : i32
      %lt3A_96 = arith.cmpi slt, %sub3A_95, %lt3A : i32
      %convert_element_type3A_97 = arith.extui %lt3A_96 : i1 to i32
      %cond3A_98 = arith.constant 0 : i32
      %cond3A_99 = arith.cmpi ne, %convert_element_type3A_97, %cond3A_98 : i32
      scf.if %cond3A_99 {
        %add3A_236 = arith.constant 4 : i32
        %add3A_237 = arith.addi %add3A_63, %add3A_236 : i32
        %sub3A_238 = arith.constant 1 : i32
        %sub3A_239 = arith.subi %add3A_237, %sub3A_238 : i32
        %dma_start3A_240 = arith.constant 3 : i32
        %dma_start3A_241 = arith.constant 0 : i32
        %dma_start3A_242 = arith.constant 0 : i32
        %dma_start3A_243 = tpu.memref_slice %arg6[%dma_start3A_240, %dma_start3A_241, %dma_start3A_242] : memref<4x128x128xf32, #tpu.memory_space<vmem>> -> memref<1x128x128xf32, #tpu.memory_space<vmem>>
        %dma_start3A_244 = tpu.memref_squeeze %dma_start3A_243 : memref<1x128x128xf32, #tpu.memory_space<vmem>> -> memref<128x128xf32, #tpu.memory_space<vmem>>
        %dma_start3A_245 = arith.constant 0 : i32
        %dma_start3A_246 = tpu.memref_slice %arg5[%sub3A_239, %dma_start3A_245] : memref<20x128xi32, #tpu.memory_space<vmem>> -> memref<1x128xi32, #tpu.memory_space<vmem>>
        %dma_start3A_247 = tpu.memref_squeeze %dma_start3A_246 : memref<1x128xi32, #tpu.memory_space<vmem>> -> memref<128xi32, #tpu.memory_space<vmem>>
        %dma_start3A_248 = arith.constant 0 : i32
        %dma_start3A_249 = arith.constant 0 : i32
        %dma_start3A_250 = tpu.memref_slice %arg2[%dma_start3A_248, %dma_start3A_249] : memref<30000x128xf32, #tpu.memory_space<hbm>> -> memref<30000x128xf32, #tpu.memory_space<hbm>>
        tpu.enqueue_indirect_dma source(%dma_start3A_250 : memref<30000x128xf32, #tpu.memory_space<hbm>>) target(%dma_start3A_244 : memref<128x128xf32, #tpu.memory_space<vmem>>) offsets(%dma_start3A_247 : memref<128xi32, #tpu.memory_space<vmem>>) semaphore(%arg7 : memref<!tpu.dma_semaphore, #tpu.memory_space<semaphore_mem>>)
      } else {
      }
      %mul3A_100 = arith.constant 4 : i32
      %mul3A_101 = arith.muli %scan3A_58, %mul3A_100 : i32
      %add3A_102 = arith.constant 1 : i32
      %add3A_103 = arith.addi %mul3A_101, %add3A_102 : i32
      %dma_wait3A_104 = arith.constant 1 : i32
      %dma_wait3A_105 = arith.constant 0 : i32
      %dma_wait3A_106 = arith.constant 0 : i32
      %dma_wait3A_107 = tpu.memref_slice %arg6[%dma_wait3A_104, %dma_wait3A_105, %dma_wait3A_106] : memref<4x128x128xf32, #tpu.memory_space<vmem>> -> memref<1x128x128xf32, #tpu.memory_space<vmem>>
      %dma_wait3A_108 = tpu.memref_squeeze %dma_wait3A_107 : memref<1x128x128xf32, #tpu.memory_space<vmem>> -> memref<128x128xf32, #tpu.memory_space<vmem>>
      %dma_wait3A_109 = arith.constant 0 : i32
      %dma_wait3A_110 = tpu.memref_slice %arg5[%add3A_103, %dma_wait3A_109] : memref<20x128xi32, #tpu.memory_space<vmem>> -> memref<1x128xi32, #tpu.memory_space<vmem>>
      %dma_wait3A_111 = tpu.memref_squeeze %dma_wait3A_110 : memref<1x128xi32, #tpu.memory_space<vmem>> -> memref<128xi32, #tpu.memory_space<vmem>>
      %dma_wait3A_112 = arith.constant 0 : i32
      %dma_wait3A_113 = arith.constant 0 : i32
      %dma_wait3A_114 = tpu.memref_slice %arg2[%dma_wait3A_112, %dma_wait3A_113] : memref<30000x128xf32, #tpu.memory_space<hbm>> -> memref<30000x128xf32, #tpu.memory_space<hbm>>
      tpu.wait_indirect_dma semaphore(%arg7 : memref<!tpu.dma_semaphore, #tpu.memory_space<semaphore_mem>>) src(%dma_wait3A_114 : memref<30000x128xf32, #tpu.memory_space<hbm>>) dst(%dma_wait3A_108 : memref<128x128xf32, #tpu.memory_space<vmem>>)
      %mul3A_115 = arith.constant 128 : i32
      %mul3A_116 = arith.muli %add3A_103, %mul3A_115 : i32
      %add3A_117 = arith.addi %mul3A_2, %mul3A_116 : i32
      %dma_start3A_118 = arith.constant 1 : i32
      %dma_start3A_119 = arith.constant 0 : i32
      %dma_start3A_120 = arith.constant 0 : i32
      %dma_start3A_121 = tpu.memref_slice %arg6[%dma_start3A_118, %dma_start3A_119, %dma_start3A_120] : memref<4x128x128xf32, #tpu.memory_space<vmem>> -> memref<1x128x128xf32, #tpu.memory_space<vmem>>
      %dma_start3A_122 = tpu.memref_squeeze %dma_start3A_121 : memref<1x128x128xf32, #tpu.memory_space<vmem>> -> memref<128x128xf32, #tpu.memory_space<vmem>>
      %dma_start3A_123 = arith.constant 0 : i32
      %dma_start3A_124 = tpu.memref_slice %arg4[%add3A_117, %dma_start3A_123] : memref<81920x128xf32, #tpu.memory_space<hbm>> -> memref<128x128xf32, #tpu.memory_space<hbm>>
      %dma_start3A_125 = arith.constant 0 : i32
      %dma_start3A_126 = tpu.memref_slice %arg4[%add3A_117, %dma_start3A_125] : memref<81920x128xf32, #tpu.memory_space<hbm>> -> memref<128x128xf32, #tpu.memory_space<hbm>>
      %dma_start3A_127 = arith.constant 0 : i32
      %dma_start3A_128 = arith.constant 0 : i32
      %dma_start3A_129 = tpu.memref_slice %arg6[%dma_start3A_118, %dma_start3A_127, %dma_start3A_128] : memref<4x128x128xf32, #tpu.memory_space<vmem>> -> memref<1x128x128xf32, #tpu.memory_space<vmem>>
      %dma_start3A_130 = tpu.memref_squeeze %dma_start3A_129 : memref<1x128x128xf32, #tpu.memory_space<vmem>> -> memref<128x128xf32, #tpu.memory_space<vmem>>
      tpu.enqueue_dma source(%dma_start3A_130 : memref<128x128xf32, #tpu.memory_space<vmem>>) target(%dma_start3A_126 : memref<128x128xf32, #tpu.memory_space<hbm>>) target_semaphore(%arg8 : memref<!tpu.dma_semaphore, #tpu.memory_space<semaphore_mem>>)
      %gt3A_131 = arith.constant 0 : i32
      %gt3A_132 = arith.cmpi sgt, %add3A_103, %gt3A_131 : i32
      %convert_element_type3A_133 = arith.extui %gt3A_132 : i1 to i32
      %cond3A_134 = arith.constant 0 : i32
      %cond3A_135 = arith.cmpi ne, %convert_element_type3A_133, %cond3A_134 : i32
      scf.if %cond3A_135 {
        %sub3A_236 = arith.constant 1 : i32
        %sub3A_237 = arith.subi %add3A_103, %sub3A_236 : i32
        %mul3A_238 = arith.constant 128 : i32
        %mul3A_239 = arith.muli %sub3A_237, %mul3A_238 : i32
        %add3A_240 = arith.addi %mul3A_2, %mul3A_239 : i32
        %dma_wait3A_241 = arith.constant 0 : i32
        %dma_wait3A_242 = arith.constant 0 : i32
        %dma_wait3A_243 = arith.constant 0 : i32
        %dma_wait3A_244 = tpu.memref_slice %arg6[%dma_wait3A_241, %dma_wait3A_242, %dma_wait3A_243] : memref<4x128x128xf32, #tpu.memory_space<vmem>> -> memref<1x128x128xf32, #tpu.memory_space<vmem>>
        %dma_wait3A_245 = tpu.memref_squeeze %dma_wait3A_244 : memref<1x128x128xf32, #tpu.memory_space<vmem>> -> memref<128x128xf32, #tpu.memory_space<vmem>>
        %dma_wait3A_246 = arith.constant 0 : i32
        %dma_wait3A_247 = tpu.memref_slice %arg4[%add3A_240, %dma_wait3A_246] : memref<81920x128xf32, #tpu.memory_space<hbm>> -> memref<128x128xf32, #tpu.memory_space<hbm>>
        %dma_wait3A_248 = arith.constant 0 : i32
        %dma_wait3A_249 = tpu.memref_slice %arg4[%add3A_240, %dma_wait3A_248] : memref<81920x128xf32, #tpu.memory_space<hbm>> -> memref<128x128xf32, #tpu.memory_space<hbm>>
        %dma_wait3A_250 = arith.constant 0 : i32
        %dma_wait3A_251 = arith.constant 0 : i32
        %dma_wait3A_252 = tpu.memref_slice %arg6[%dma_wait3A_241, %dma_wait3A_250, %dma_wait3A_251] : memref<4x128x128xf32, #tpu.memory_space<vmem>> -> memref<1x128x128xf32, #tpu.memory_space<vmem>>
        %dma_wait3A_253 = tpu.memref_squeeze %dma_wait3A_252 : memref<1x128x128xf32, #tpu.memory_space<vmem>> -> memref<128x128xf32, #tpu.memory_space<vmem>>
        tpu.wait_dma2 semaphore(%arg8 : memref<!tpu.dma_semaphore, #tpu.memory_space<semaphore_mem>>) src(%dma_wait3A_253 : memref<128x128xf32, #tpu.memory_space<vmem>>) dst(%dma_wait3A_249 : memref<128x128xf32, #tpu.memory_space<hbm>>)
      } else {
      }
      %add3A_136 = arith.constant 4 : i32
      %add3A_137 = arith.addi %add3A_103, %add3A_136 : i32
      %sub3A_138 = arith.constant 1 : i32
      %sub3A_139 = arith.subi %add3A_137, %sub3A_138 : i32
      %lt3A_140 = arith.constant 20 : i32
      %lt3A_141 = arith.cmpi slt, %sub3A_139, %lt3A_140 : i32
      %convert_element_type3A_142 = arith.extui %lt3A_141 : i1 to i32
      %cond3A_143 = arith.constant 0 : i32
      %cond3A_144 = arith.cmpi ne, %convert_element_type3A_142, %cond3A_143 : i32
      scf.if %cond3A_144 {
        %add3A_236 = arith.constant 4 : i32
        %add3A_237 = arith.addi %add3A_103, %add3A_236 : i32
        %sub3A_238 = arith.constant 1 : i32
        %sub3A_239 = arith.subi %add3A_237, %sub3A_238 : i32
        %dma_start3A_240 = arith.constant 0 : i32
        %dma_start3A_241 = arith.constant 0 : i32
        %dma_start3A_242 = arith.constant 0 : i32
        %dma_start3A_243 = tpu.memref_slice %arg6[%dma_start3A_240, %dma_start3A_241, %dma_start3A_242] : memref<4x128x128xf32, #tpu.memory_space<vmem>> -> memref<1x128x128xf32, #tpu.memory_space<vmem>>
        %dma_start3A_244 = tpu.memref_squeeze %dma_start3A_243 : memref<1x128x128xf32, #tpu.memory_space<vmem>> -> memref<128x128xf32, #tpu.memory_space<vmem>>
        %dma_start3A_245 = arith.constant 0 : i32
        %dma_start3A_246 = tpu.memref_slice %arg5[%sub3A_239, %dma_start3A_245] : memref<20x128xi32, #tpu.memory_space<vmem>> -> memref<1x128xi32, #tpu.memory_space<vmem>>
        %dma_start3A_247 = tpu.memref_squeeze %dma_start3A_246 : memref<1x128xi32, #tpu.memory_space<vmem>> -> memref<128xi32, #tpu.memory_space<vmem>>
        %dma_start3A_248 = arith.constant 0 : i32
        %dma_start3A_249 = arith.constant 0 : i32
        %dma_start3A_250 = tpu.memref_slice %arg2[%dma_start3A_248, %dma_start3A_249] : memref<30000x128xf32, #tpu.memory_space<hbm>> -> memref<30000x128xf32, #tpu.memory_space<hbm>>
        tpu.enqueue_indirect_dma source(%dma_start3A_250 : memref<30000x128xf32, #tpu.memory_space<hbm>>) target(%dma_start3A_244 : memref<128x128xf32, #tpu.memory_space<vmem>>) offsets(%dma_start3A_247 : memref<128xi32, #tpu.memory_space<vmem>>) semaphore(%arg7 : memref<!tpu.dma_semaphore, #tpu.memory_space<semaphore_mem>>)
      } else {
      }
      %mul3A_145 = arith.constant 4 : i32
      %mul3A_146 = arith.muli %scan3A_58, %mul3A_145 : i32
      %add3A_147 = arith.constant 2 : i32
      %add3A_148 = arith.addi %mul3A_146, %add3A_147 : i32
      %dma_wait3A_149 = arith.constant 2 : i32
      %dma_wait3A_150 = arith.constant 0 : i32
      %dma_wait3A_151 = arith.constant 0 : i32
      %dma_wait3A_152 = tpu.memref_slice %arg6[%dma_wait3A_149, %dma_wait3A_150, %dma_wait3A_151] : memref<4x128x128xf32, #tpu.memory_space<vmem>> -> memref<1x128x128xf32, #tpu.memory_space<vmem>>
      %dma_wait3A_153 = tpu.memref_squeeze %dma_wait3A_152 : memref<1x128x128xf32, #tpu.memory_space<vmem>> -> memref<128x128xf32, #tpu.memory_space<vmem>>
      %dma_wait3A_154 = arith.constant 0 : i32
      %dma_wait3A_155 = tpu.memref_slice %arg5[%add3A_148, %dma_wait3A_154] : memref<20x128xi32, #tpu.memory_space<vmem>> -> memref<1x128xi32, #tpu.memory_space<vmem>>
      %dma_wait3A_156 = tpu.memref_squeeze %dma_wait3A_155 : memref<1x128xi32, #tpu.memory_space<vmem>> -> memref<128xi32, #tpu.memory_space<vmem>>
      %dma_wait3A_157 = arith.constant 0 : i32
      %dma_wait3A_158 = arith.constant 0 : i32
      %dma_wait3A_159 = tpu.memref_slice %arg2[%dma_wait3A_157, %dma_wait3A_158] : memref<30000x128xf32, #tpu.memory_space<hbm>> -> memref<30000x128xf32, #tpu.memory_space<hbm>>
      tpu.wait_indirect_dma semaphore(%arg7 : memref<!tpu.dma_semaphore, #tpu.memory_space<semaphore_mem>>) src(%dma_wait3A_159 : memref<30000x128xf32, #tpu.memory_space<hbm>>) dst(%dma_wait3A_153 : memref<128x128xf32, #tpu.memory_space<vmem>>)
      %mul3A_160 = arith.constant 128 : i32
      %mul3A_161 = arith.muli %add3A_148, %mul3A_160 : i32
      %add3A_162 = arith.addi %mul3A_2, %mul3A_161 : i32
      %dma_start3A_163 = arith.constant 2 : i32
      %dma_start3A_164 = arith.constant 0 : i32
      %dma_start3A_165 = arith.constant 0 : i32
      %dma_start3A_166 = tpu.memref_slice %arg6[%dma_start3A_163, %dma_start3A_164, %dma_start3A_165] : memref<4x128x128xf32, #tpu.memory_space<vmem>> -> memref<1x128x128xf32, #tpu.memory_space<vmem>>
      %dma_start3A_167 = tpu.memref_squeeze %dma_start3A_166 : memref<1x128x128xf32, #tpu.memory_space<vmem>> -> memref<128x128xf32, #tpu.memory_space<vmem>>
      %dma_start3A_168 = arith.constant 0 : i32
      %dma_start3A_169 = tpu.memref_slice %arg4[%add3A_162, %dma_start3A_168] : memref<81920x128xf32, #tpu.memory_space<hbm>> -> memref<128x128xf32, #tpu.memory_space<hbm>>
      %dma_start3A_170 = arith.constant 0 : i32
      %dma_start3A_171 = tpu.memref_slice %arg4[%add3A_162, %dma_start3A_170] : memref<81920x128xf32, #tpu.memory_space<hbm>> -> memref<128x128xf32, #tpu.memory_space<hbm>>
      %dma_start3A_172 = arith.constant 0 : i32
      %dma_start3A_173 = arith.constant 0 : i32
      %dma_start3A_174 = tpu.memref_slice %arg6[%dma_start3A_163, %dma_start3A_172, %dma_start3A_173] : memref<4x128x128xf32, #tpu.memory_space<vmem>> -> memref<1x128x128xf32, #tpu.memory_space<vmem>>
      %dma_start3A_175 = tpu.memref_squeeze %dma_start3A_174 : memref<1x128x128xf32, #tpu.memory_space<vmem>> -> memref<128x128xf32, #tpu.memory_space<vmem>>
      tpu.enqueue_dma source(%dma_start3A_175 : memref<128x128xf32, #tpu.memory_space<vmem>>) target(%dma_start3A_171 : memref<128x128xf32, #tpu.memory_space<hbm>>) target_semaphore(%arg8 : memref<!tpu.dma_semaphore, #tpu.memory_space<semaphore_mem>>)
      %gt3A_176 = arith.constant 0 : i32
      %gt3A_177 = arith.cmpi sgt, %add3A_148, %gt3A_176 : i32
      %convert_element_type3A_178 = arith.extui %gt3A_177 : i1 to i32
      %cond3A_179 = arith.constant 0 : i32
      %cond3A_180 = arith.cmpi ne, %convert_element_type3A_178, %cond3A_179 : i32
      scf.if %cond3A_180 {
        %sub3A_236 = arith.constant 1 : i32
        %sub3A_237 = arith.subi %add3A_148, %sub3A_236 : i32
        %mul3A_238 = arith.constant 128 : i32
        %mul3A_239 = arith.muli %sub3A_237, %mul3A_238 : i32
        %add3A_240 = arith.addi %mul3A_2, %mul3A_239 : i32
        %dma_wait3A_241 = arith.constant 1 : i32
        %dma_wait3A_242 = arith.constant 0 : i32
        %dma_wait3A_243 = arith.constant 0 : i32
        %dma_wait3A_244 = tpu.memref_slice %arg6[%dma_wait3A_241, %dma_wait3A_242, %dma_wait3A_243] : memref<4x128x128xf32, #tpu.memory_space<vmem>> -> memref<1x128x128xf32, #tpu.memory_space<vmem>>
        %dma_wait3A_245 = tpu.memref_squeeze %dma_wait3A_244 : memref<1x128x128xf32, #tpu.memory_space<vmem>> -> memref<128x128xf32, #tpu.memory_space<vmem>>
        %dma_wait3A_246 = arith.constant 0 : i32
        %dma_wait3A_247 = tpu.memref_slice %arg4[%add3A_240, %dma_wait3A_246] : memref<81920x128xf32, #tpu.memory_space<hbm>> -> memref<128x128xf32, #tpu.memory_space<hbm>>
        %dma_wait3A_248 = arith.constant 0 : i32
        %dma_wait3A_249 = tpu.memref_slice %arg4[%add3A_240, %dma_wait3A_248] : memref<81920x128xf32, #tpu.memory_space<hbm>> -> memref<128x128xf32, #tpu.memory_space<hbm>>
        %dma_wait3A_250 = arith.constant 0 : i32
        %dma_wait3A_251 = arith.constant 0 : i32
        %dma_wait3A_252 = tpu.memref_slice %arg6[%dma_wait3A_241, %dma_wait3A_250, %dma_wait3A_251] : memref<4x128x128xf32, #tpu.memory_space<vmem>> -> memref<1x128x128xf32, #tpu.memory_space<vmem>>
        %dma_wait3A_253 = tpu.memref_squeeze %dma_wait3A_252 : memref<1x128x128xf32, #tpu.memory_space<vmem>> -> memref<128x128xf32, #tpu.memory_space<vmem>>
        tpu.wait_dma2 semaphore(%arg8 : memref<!tpu.dma_semaphore, #tpu.memory_space<semaphore_mem>>) src(%dma_wait3A_253 : memref<128x128xf32, #tpu.memory_space<vmem>>) dst(%dma_wait3A_249 : memref<128x128xf32, #tpu.memory_space<hbm>>)
      } else {
      }
      %add3A_181 = arith.constant 4 : i32
      %add3A_182 = arith.addi %add3A_148, %add3A_181 : i32
      %sub3A_183 = arith.constant 1 : i32
      %sub3A_184 = arith.subi %add3A_182, %sub3A_183 : i32
      %lt3A_185 = arith.constant 20 : i32
      %lt3A_186 = arith.cmpi slt, %sub3A_184, %lt3A_185 : i32
      %convert_element_type3A_187 = arith.extui %lt3A_186 : i1 to i32
      %cond3A_188 = arith.constant 0 : i32
      %cond3A_189 = arith.cmpi ne, %convert_element_type3A_187, %cond3A_188 : i32
      scf.if %cond3A_189 {
        %add3A_236 = arith.constant 4 : i32
        %add3A_237 = arith.addi %add3A_148, %add3A_236 : i32
        %sub3A_238 = arith.constant 1 : i32
        %sub3A_239 = arith.subi %add3A_237, %sub3A_238 : i32
        %dma_start3A_240 = arith.constant 1 : i32
        %dma_start3A_241 = arith.constant 0 : i32
        %dma_start3A_242 = arith.constant 0 : i32
        %dma_start3A_243 = tpu.memref_slice %arg6[%dma_start3A_240, %dma_start3A_241, %dma_start3A_242] : memref<4x128x128xf32, #tpu.memory_space<vmem>> -> memref<1x128x128xf32, #tpu.memory_space<vmem>>
        %dma_start3A_244 = tpu.memref_squeeze %dma_start3A_243 : memref<1x128x128xf32, #tpu.memory_space<vmem>> -> memref<128x128xf32, #tpu.memory_space<vmem>>
        %dma_start3A_245 = arith.constant 0 : i32
        %dma_start3A_246 = tpu.memref_slice %arg5[%sub3A_239, %dma_start3A_245] : memref<20x128xi32, #tpu.memory_space<vmem>> -> memref<1x128xi32, #tpu.memory_space<vmem>>
        %dma_start3A_247 = tpu.memref_squeeze %dma_start3A_246 : memref<1x128xi32, #tpu.memory_space<vmem>> -> memref<128xi32, #tpu.memory_space<vmem>>
        %dma_start3A_248 = arith.constant 0 : i32
        %dma_start3A_249 = arith.constant 0 : i32
        %dma_start3A_250 = tpu.memref_slice %arg2[%dma_start3A_248, %dma_start3A_249] : memref<30000x128xf32, #tpu.memory_space<hbm>> -> memref<30000x128xf32, #tpu.memory_space<hbm>>
        tpu.enqueue_indirect_dma source(%dma_start3A_250 : memref<30000x128xf32, #tpu.memory_space<hbm>>) target(%dma_start3A_244 : memref<128x128xf32, #tpu.memory_space<vmem>>) offsets(%dma_start3A_247 : memref<128xi32, #tpu.memory_space<vmem>>) semaphore(%arg7 : memref<!tpu.dma_semaphore, #tpu.memory_space<semaphore_mem>>)
      } else {
      }
      %mul3A_190 = arith.constant 4 : i32
      %mul3A_191 = arith.muli %scan3A_58, %mul3A_190 : i32
      %add3A_192 = arith.constant 3 : i32
      %add3A_193 = arith.addi %mul3A_191, %add3A_192 : i32
      %dma_wait3A_194 = arith.constant 3 : i32
      %dma_wait3A_195 = arith.constant 0 : i32
      %dma_wait3A_196 = arith.constant 0 : i32
      %dma_wait3A_197 = tpu.memref_slice %arg6[%dma_wait3A_194, %dma_wait3A_195, %dma_wait3A_196] : memref<4x128x128xf32, #tpu.memory_space<vmem>> -> memref<1x128x128xf32, #tpu.memory_space<vmem>>
      %dma_wait3A_198 = tpu.memref_squeeze %dma_wait3A_197 : memref<1x128x128xf32, #tpu.memory_space<vmem>> -> memref<128x128xf32, #tpu.memory_space<vmem>>
      %dma_wait3A_199 = arith.constant 0 : i32
      %dma_wait3A_200 = tpu.memref_slice %arg5[%add3A_193, %dma_wait3A_199] : memref<20x128xi32, #tpu.memory_space<vmem>> -> memref<1x128xi32, #tpu.memory_space<vmem>>
      %dma_wait3A_201 = tpu.memref_squeeze %dma_wait3A_200 : memref<1x128xi32, #tpu.memory_space<vmem>> -> memref<128xi32, #tpu.memory_space<vmem>>
      %dma_wait3A_202 = arith.constant 0 : i32
      %dma_wait3A_203 = arith.constant 0 : i32
      %dma_wait3A_204 = tpu.memref_slice %arg2[%dma_wait3A_202, %dma_wait3A_203] : memref<30000x128xf32, #tpu.memory_space<hbm>> -> memref<30000x128xf32, #tpu.memory_space<hbm>>
      tpu.wait_indirect_dma semaphore(%arg7 : memref<!tpu.dma_semaphore, #tpu.memory_space<semaphore_mem>>) src(%dma_wait3A_204 : memref<30000x128xf32, #tpu.memory_space<hbm>>) dst(%dma_wait3A_198 : memref<128x128xf32, #tpu.memory_space<vmem>>)
      %mul3A_205 = arith.constant 128 : i32
      %mul3A_206 = arith.muli %add3A_193, %mul3A_205 : i32
      %add3A_207 = arith.addi %mul3A_2, %mul3A_206 : i32
      %dma_start3A_208 = arith.constant 3 : i32
      %dma_start3A_209 = arith.constant 0 : i32
      %dma_start3A_210 = arith.constant 0 : i32
      %dma_start3A_211 = tpu.memref_slice %arg6[%dma_start3A_208, %dma_start3A_209, %dma_start3A_210] : memref<4x128x128xf32, #tpu.memory_space<vmem>> -> memref<1x128x128xf32, #tpu.memory_space<vmem>>
      %dma_start3A_212 = tpu.memref_squeeze %dma_start3A_211 : memref<1x128x128xf32, #tpu.memory_space<vmem>> -> memref<128x128xf32, #tpu.memory_space<vmem>>
      %dma_start3A_213 = arith.constant 0 : i32
      %dma_start3A_214 = tpu.memref_slice %arg4[%add3A_207, %dma_start3A_213] : memref<81920x128xf32, #tpu.memory_space<hbm>> -> memref<128x128xf32, #tpu.memory_space<hbm>>
      %dma_start3A_215 = arith.constant 0 : i32
      %dma_start3A_216 = tpu.memref_slice %arg4[%add3A_207, %dma_start3A_215] : memref<81920x128xf32, #tpu.memory_space<hbm>> -> memref<128x128xf32, #tpu.memory_space<hbm>>
      %dma_start3A_217 = arith.constant 0 : i32
      %dma_start3A_218 = arith.constant 0 : i32
      %dma_start3A_219 = tpu.memref_slice %arg6[%dma_start3A_208, %dma_start3A_217, %dma_start3A_218] : memref<4x128x128xf32, #tpu.memory_space<vmem>> -> memref<1x128x128xf32, #tpu.memory_space<vmem>>
      %dma_start3A_220 = tpu.memref_squeeze %dma_start3A_219 : memref<1x128x128xf32, #tpu.memory_space<vmem>> -> memref<128x128xf32, #tpu.memory_space<vmem>>
      tpu.enqueue_dma source(%dma_start3A_220 : memref<128x128xf32, #tpu.memory_space<vmem>>) target(%dma_start3A_216 : memref<128x128xf32, #tpu.memory_space<hbm>>) target_semaphore(%arg8 : memref<!tpu.dma_semaphore, #tpu.memory_space<semaphore_mem>>)
      %gt3A_221 = arith.constant 0 : i32
      %gt3A_222 = arith.cmpi sgt, %add3A_193, %gt3A_221 : i32
      %convert_element_type3A_223 = arith.extui %gt3A_222 : i1 to i32
      %cond3A_224 = arith.constant 0 : i32
      %cond3A_225 = arith.cmpi ne, %convert_element_type3A_223, %cond3A_224 : i32
      scf.if %cond3A_225 {
        %sub3A_236 = arith.constant 1 : i32
        %sub3A_237 = arith.subi %add3A_193, %sub3A_236 : i32
        %mul3A_238 = arith.constant 128 : i32
        %mul3A_239 = arith.muli %sub3A_237, %mul3A_238 : i32
        %add3A_240 = arith.addi %mul3A_2, %mul3A_239 : i32
        %dma_wait3A_241 = arith.constant 2 : i32
        %dma_wait3A_242 = arith.constant 0 : i32
        %dma_wait3A_243 = arith.constant 0 : i32
        %dma_wait3A_244 = tpu.memref_slice %arg6[%dma_wait3A_241, %dma_wait3A_242, %dma_wait3A_243] : memref<4x128x128xf32, #tpu.memory_space<vmem>> -> memref<1x128x128xf32, #tpu.memory_space<vmem>>
        %dma_wait3A_245 = tpu.memref_squeeze %dma_wait3A_244 : memref<1x128x128xf32, #tpu.memory_space<vmem>> -> memref<128x128xf32, #tpu.memory_space<vmem>>
        %dma_wait3A_246 = arith.constant 0 : i32
        %dma_wait3A_247 = tpu.memref_slice %arg4[%add3A_240, %dma_wait3A_246] : memref<81920x128xf32, #tpu.memory_space<hbm>> -> memref<128x128xf32, #tpu.memory_space<hbm>>
        %dma_wait3A_248 = arith.constant 0 : i32
        %dma_wait3A_249 = tpu.memref_slice %arg4[%add3A_240, %dma_wait3A_248] : memref<81920x128xf32, #tpu.memory_space<hbm>> -> memref<128x128xf32, #tpu.memory_space<hbm>>
        %dma_wait3A_250 = arith.constant 0 : i32
        %dma_wait3A_251 = arith.constant 0 : i32
        %dma_wait3A_252 = tpu.memref_slice %arg6[%dma_wait3A_241, %dma_wait3A_250, %dma_wait3A_251] : memref<4x128x128xf32, #tpu.memory_space<vmem>> -> memref<1x128x128xf32, #tpu.memory_space<vmem>>
        %dma_wait3A_253 = tpu.memref_squeeze %dma_wait3A_252 : memref<1x128x128xf32, #tpu.memory_space<vmem>> -> memref<128x128xf32, #tpu.memory_space<vmem>>
        tpu.wait_dma2 semaphore(%arg8 : memref<!tpu.dma_semaphore, #tpu.memory_space<semaphore_mem>>) src(%dma_wait3A_253 : memref<128x128xf32, #tpu.memory_space<vmem>>) dst(%dma_wait3A_249 : memref<128x128xf32, #tpu.memory_space<hbm>>)
      } else {
      }
      %add3A_226 = arith.constant 4 : i32
      %add3A_227 = arith.addi %add3A_193, %add3A_226 : i32
      %sub3A_228 = arith.constant 1 : i32
      %sub3A_229 = arith.subi %add3A_227, %sub3A_228 : i32
      %lt3A_230 = arith.constant 20 : i32
      %lt3A_231 = arith.cmpi slt, %sub3A_229, %lt3A_230 : i32
      %convert_element_type3A_232 = arith.extui %lt3A_231 : i1 to i32
      %cond3A_233 = arith.constant 0 : i32
      %cond3A_234 = arith.cmpi ne, %convert_element_type3A_232, %cond3A_233 : i32
      scf.if %cond3A_234 {
        %add3A_236 = arith.constant 4 : i32
        %add3A_237 = arith.addi %add3A_193, %add3A_236 : i32
        %sub3A_238 = arith.constant 1 : i32
        %sub3A_239 = arith.subi %add3A_237, %sub3A_238 : i32
        %dma_start3A_240 = arith.constant 2 : i32
        %dma_start3A_241 = arith.constant 0 : i32
        %dma_start3A_242 = arith.constant 0 : i32
        %dma_start3A_243 = tpu.memref_slice %arg6[%dma_start3A_240, %dma_start3A_241, %dma_start3A_242] : memref<4x128x128xf32, #tpu.memory_space<vmem>> -> memref<1x128x128xf32, #tpu.memory_space<vmem>>
        %dma_start3A_244 = tpu.memref_squeeze %dma_start3A_243 : memref<1x128x128xf32, #tpu.memory_space<vmem>> -> memref<128x128xf32, #tpu.memory_space<vmem>>
        %dma_start3A_245 = arith.constant 0 : i32
        %dma_start3A_246 = tpu.memref_slice %arg5[%sub3A_239, %dma_start3A_245] : memref<20x128xi32, #tpu.memory_space<vmem>> -> memref<1x128xi32, #tpu.memory_space<vmem>>
        %dma_start3A_247 = tpu.memref_squeeze %dma_start3A_246 : memref<1x128xi32, #tpu.memory_space<vmem>> -> memref<128xi32, #tpu.memory_space<vmem>>
        %dma_start3A_248 = arith.constant 0 : i32
        %dma_start3A_249 = arith.constant 0 : i32
        %dma_start3A_250 = tpu.memref_slice %arg2[%dma_start3A_248, %dma_start3A_249] : memref<30000x128xf32, #tpu.memory_space<hbm>> -> memref<30000x128xf32, #tpu.memory_space<hbm>>
        tpu.enqueue_indirect_dma source(%dma_start3A_250 : memref<30000x128xf32, #tpu.memory_space<hbm>>) target(%dma_start3A_244 : memref<128x128xf32, #tpu.memory_space<vmem>>) offsets(%dma_start3A_247 : memref<128xi32, #tpu.memory_space<vmem>>) semaphore(%arg7 : memref<!tpu.dma_semaphore, #tpu.memory_space<semaphore_mem>>)
      } else {
      }
      %scan3A_235 = arith.constant 0 : i32
      scf.yield %scan3A_235 : i32
    }
    %scan3A_43 = arith.constant 5 : i32
    %add3A_44 = arith.constant 2432 : i32
    %add3A_45 = arith.addi %mul3A_2, %add3A_44 : i32
    %dma_wait3A = arith.constant 3 : i32
    %dma_wait3A_46 = arith.constant 0 : i32
    %dma_wait3A_47 = arith.constant 0 : i32
    %dma_wait3A_48 = tpu.memref_slice %arg6[%dma_wait3A, %dma_wait3A_46, %dma_wait3A_47] : memref<4x128x128xf32, #tpu.memory_space<vmem>> -> memref<1x128x128xf32, #tpu.memory_space<vmem>>
    %dma_wait3A_49 = tpu.memref_squeeze %dma_wait3A_48 : memref<1x128x128xf32, #tpu.memory_space<vmem>> -> memref<128x128xf32, #tpu.memory_space<vmem>>
    %dma_wait3A_50 = arith.constant 0 : i32
    %dma_wait3A_51 = tpu.memref_slice %arg4[%add3A_45, %dma_wait3A_50] : memref<81920x128xf32, #tpu.memory_space<hbm>> -> memref<128x128xf32, #tpu.memory_space<hbm>>
    %dma_wait3A_52 = arith.constant 0 : i32
    %dma_wait3A_53 = tpu.memref_slice %arg4[%add3A_45, %dma_wait3A_52] : memref<81920x128xf32, #tpu.memory_space<hbm>> -> memref<128x128xf32, #tpu.memory_space<hbm>>
    %dma_wait3A_54 = arith.constant 0 : i32
    %dma_wait3A_55 = arith.constant 0 : i32
    %dma_wait3A_56 = tpu.memref_slice %arg6[%dma_wait3A, %dma_wait3A_54, %dma_wait3A_55] : memref<4x128x128xf32, #tpu.memory_space<vmem>> -> memref<1x128x128xf32, #tpu.memory_space<vmem>>
    %dma_wait3A_57 = tpu.memref_squeeze %dma_wait3A_56 : memref<1x128x128xf32, #tpu.memory_space<vmem>> -> memref<128x128xf32, #tpu.memory_space<vmem>>
    tpu.wait_dma2 semaphore(%arg8 : memref<!tpu.dma_semaphore, #tpu.memory_space<semaphore_mem>>) src(%dma_wait3A_57 : memref<128x128xf32, #tpu.memory_space<vmem>>) dst(%dma_wait3A_53 : memref<128x128xf32, #tpu.memory_space<hbm>>)
    return
  }
}

#map = affine_map<(d0, d1) -> (0, 0)>
#map1 = affine_map<(d0, d1) -> (0, 0, 0)>
module attributes {stable_mosaic.version = 14 : i64} {
  func.func @k(%arg0: i32, %arg1: i32, %arg2: memref<30000x128xf32, #tpu.memory_space<hbm>>, %arg3: memref<32x20x128xi32, #tpu.memory_space<hbm>>, %arg4: memref<81920x128xf32, #tpu.memory_space<hbm>>, %arg5: memref<20x128xi32, #tpu.memory_space<vmem>>, %arg6: memref<4x128x128xf32, #tpu.memory_space<vmem>>, %arg7: memref<!tpu.dma_semaphore, #tpu.memory_space<semaphore_mem>>, %arg8: memref<!tpu.dma_semaphore, #tpu.memory_space<semaphore_mem>>) attributes {dimension_semantics = [#tpu.dimension_semantics<core_parallel>, #tpu.dimension_semantics<subcore_parallel>], iteration_bounds = array<i64: 2, 16>, scalar_prefetch = 0 : i64, scratch_operands = 4 : i64, tpu.core_type = #tpu.core_type<sc_vector_subcore>, window_params = [{transform_indices = #map}, {transform_indices = #map1}, {transform_indices = #map}]} {
    %mul3A = arith.constant 2 : i32
    %mul3A_0 = arith.muli %arg1, %mul3A : i32
    %add3A = arith.addi %mul3A_0, %arg0 : i32
    %mul3A_1 = arith.constant 2560 : i32
    %mul3A_2 = arith.muli %add3A, %mul3A_1 : i32
    "tpu.region"() ({
      %run_scoped3A = tpu.sem_alloc : memref<!tpu.dma_semaphore, #tpu.memory_space<semaphore_mem>>
      %dma_start3A_58 = arith.constant 0 : i32
      %dma_start3A_59 = arith.constant 0 : i32
      %dma_start3A_60 = tpu.memref_slice %arg3[%add3A, %dma_start3A_58, %dma_start3A_59] : memref<32x20x128xi32, #tpu.memory_space<hbm>> -> memref<1x20x128xi32, #tpu.memory_space<hbm>>
      %dma_start3A_61 = tpu.memref_squeeze %dma_start3A_60 : memref<1x20x128xi32, #tpu.memory_space<hbm>> -> memref<20x128xi32, #tpu.memory_space<hbm>>
      %dma_start3A_62 = arith.constant 0 : i32
      %dma_start3A_63 = arith.constant 0 : i32
      %dma_start3A_64 = tpu.memref_slice %arg3[%add3A, %dma_start3A_62, %dma_start3A_63] : memref<32x20x128xi32, #tpu.memory_space<hbm>> -> memref<1x20x128xi32, #tpu.memory_space<hbm>>
      %dma_start3A_65 = tpu.memref_squeeze %dma_start3A_64 : memref<1x20x128xi32, #tpu.memory_space<hbm>> -> memref<20x128xi32, #tpu.memory_space<hbm>>
      tpu.enqueue_dma source(%dma_start3A_65 : memref<20x128xi32, #tpu.memory_space<hbm>>) target(%arg5 : memref<20x128xi32, #tpu.memory_space<vmem>>) target_semaphore(%run_scoped3A : memref<!tpu.dma_semaphore, #tpu.memory_space<semaphore_mem>>)
      %dma_wait3A_66 = arith.constant 0 : i32
      %dma_wait3A_67 = arith.constant 0 : i32
      %dma_wait3A_68 = tpu.memref_slice %arg3[%add3A, %dma_wait3A_66, %dma_wait3A_67] : memref<32x20x128xi32, #tpu.memory_space<hbm>> -> memref<1x20x128xi32, #tpu.memory_space<hbm>>
      %dma_wait3A_69 = tpu.memref_squeeze %dma_wait3A_68 : memref<1x20x128xi32, #tpu.memory_space<hbm>> -> memref<20x128xi32, #tpu.memory_space<hbm>>
      %dma_wait3A_70 = arith.constant 0 : i32
      %dma_wait3A_71 = arith.constant 0 : i32
      %dma_wait3A_72 = tpu.memref_slice %arg3[%add3A, %dma_wait3A_70, %dma_wait3A_71] : memref<32x20x128xi32, #tpu.memory_space<hbm>> -> memref<1x20x128xi32, #tpu.memory_space<hbm>>
      %dma_wait3A_73 = tpu.memref_squeeze %dma_wait3A_72 : memref<1x20x128xi32, #tpu.memory_space<hbm>> -> memref<20x128xi32, #tpu.memory_space<hbm>>
      tpu.wait_dma2 semaphore(%run_scoped3A : memref<!tpu.dma_semaphore, #tpu.memory_space<semaphore_mem>>) src(%dma_wait3A_73 : memref<20x128xi32, #tpu.memory_space<hbm>>) dst(%arg5 : memref<20x128xi32, #tpu.memory_space<vmem>>)
      tpu.yield
    }) : () -> ()
    %dma_start3A = arith.constant 0 : i32
    %dma_start3A_3 = arith.constant 0 : i32
    %dma_start3A_4 = arith.constant 0 : i32
    %dma_start3A_5 = arith.constant 0 : i32
    %dma_start3A_6 = tpu.memref_slice %arg6[%dma_start3A_3, %dma_start3A_4, %dma_start3A_5] : memref<4x128x128xf32, #tpu.memory_space<vmem>> -> memref<1x128x128xf32, #tpu.memory_space<vmem>>
    %dma_start3A_7 = tpu.memref_squeeze %dma_start3A_6 : memref<1x128x128xf32, #tpu.memory_space<vmem>> -> memref<128x128xf32, #tpu.memory_space<vmem>>
    %dma_start3A_8 = arith.constant 0 : i32
    %dma_start3A_9 = tpu.memref_slice %arg5[%dma_start3A, %dma_start3A_8] : memref<20x128xi32, #tpu.memory_space<vmem>> -> memref<1x128xi32, #tpu.memory_space<vmem>>
    %dma_start3A_10 = tpu.memref_squeeze %dma_start3A_9 : memref<1x128xi32, #tpu.memory_space<vmem>> -> memref<128xi32, #tpu.memory_space<vmem>>
    %dma_start3A_11 = arith.constant 0 : i32
    %dma_start3A_12 = arith.constant 0 : i32
    %dma_start3A_13 = tpu.memref_slice %arg2[%dma_start3A_11, %dma_start3A_12] : memref<30000x128xf32, #tpu.memory_space<hbm>> -> memref<30000x128xf32, #tpu.memory_space<hbm>>
    tpu.enqueue_indirect_dma source(%dma_start3A_13 : memref<30000x128xf32, #tpu.memory_space<hbm>>) target(%dma_start3A_7 : memref<128x128xf32, #tpu.memory_space<vmem>>) offsets(%dma_start3A_10 : memref<128xi32, #tpu.memory_space<vmem>>) semaphore(%arg7 : memref<!tpu.dma_semaphore, #tpu.memory_space<semaphore_mem>>)
    %dma_start3A_14 = arith.constant 1 : i32
    %dma_start3A_15 = arith.constant 1 : i32
    %dma_start3A_16 = arith.constant 0 : i32
    %dma_start3A_17 = arith.constant 0 : i32
    %dma_start3A_18 = tpu.memref_slice %arg6[%dma_start3A_15, %dma_start3A_16, %dma_start3A_17] : memref<4x128x128xf32, #tpu.memory_space<vmem>> -> memref<1x128x128xf32, #tpu.memory_space<vmem>>
    %dma_start3A_19 = tpu.memref_squeeze %dma_start3A_18 : memref<1x128x128xf32, #tpu.memory_space<vmem>> -> memref<128x128xf32, #tpu.memory_space<vmem>>
    %dma_start3A_20 = arith.constant 0 : i32
    %dma_start3A_21 = tpu.memref_slice %arg5[%dma_start3A_14, %dma_start3A_20] : memref<20x128xi32, #tpu.memory_space<vmem>> -> memref<1x128xi32, #tpu.memory_space<vmem>>
    %dma_start3A_22 = tpu.memref_squeeze %dma_start3A_21 : memref<1x128xi32, #tpu.memory_space<vmem>> -> memref<128xi32, #tpu.memory_space<vmem>>
    %dma_start3A_23 = arith.constant 0 : i32
    %dma_start3A_24 = arith.constant 0 : i32
    %dma_start3A_25 = tpu.memref_slice %arg2[%dma_start3A_23, %dma_start3A_24] : memref<30000x128xf32, #tpu.memory_space<hbm>> -> memref<30000x128xf32, #tpu.memory_space<hbm>>
    tpu.enqueue_indirect_dma source(%dma_start3A_25 : memref<30000x128xf32, #tpu.memory_space<hbm>>) target(%dma_start3A_19 : memref<128x128xf32, #tpu.memory_space<vmem>>) offsets(%dma_start3A_22 : memref<128xi32, #tpu.memory_space<vmem>>) semaphore(%arg7 : memref<!tpu.dma_semaphore, #tpu.memory_space<semaphore_mem>>)
    %dma_start3A_26 = arith.constant 2 : i32
    %dma_start3A_27 = arith.constant 2 : i32
    %dma_start3A_28 = arith.constant 0 : i32
    %dma_start3A_29 = arith.constant 0 : i32
    %dma_start3A_30 = tpu.memref_slice %arg6[%dma_start3A_27, %dma_start3A_28, %dma_start3A_29] : memref<4x128x128xf32, #tpu.memory_space<vmem>> -> memref<1x128x128xf32, #tpu.memory_space<vmem>>
    %dma_start3A_31 = tpu.memref_squeeze %dma_start3A_30 : memref<1x128x128xf32, #tpu.memory_space<vmem>> -> memref<128x128xf32, #tpu.memory_space<vmem>>
    %dma_start3A_32 = arith.constant 0 : i32
    %dma_start3A_33 = tpu.memref_slice %arg5[%dma_start3A_26, %dma_start3A_32] : memref<20x128xi32, #tpu.memory_space<vmem>> -> memref<1x128xi32, #tpu.memory_space<vmem>>
    %dma_start3A_34 = tpu.memref_squeeze %dma_start3A_33 : memref<1x128xi32, #tpu.memory_space<vmem>> -> memref<128xi32, #tpu.memory_space<vmem>>
    %dma_start3A_35 = arith.constant 0 : i32
    %dma_start3A_36 = arith.constant 0 : i32
    %dma_start3A_37 = tpu.memref_slice %arg2[%dma_start3A_35, %dma_start3A_36] : memref<30000x128xf32, #tpu.memory_space<hbm>> -> memref<30000x128xf32, #tpu.memory_space<hbm>>
    tpu.enqueue_indirect_dma source(%dma_start3A_37 : memref<30000x128xf32, #tpu.memory_space<hbm>>) target(%dma_start3A_31 : memref<128x128xf32, #tpu.memory_space<vmem>>) offsets(%dma_start3A_34 : memref<128xi32, #tpu.memory_space<vmem>>) semaphore(%arg7 : memref<!tpu.dma_semaphore, #tpu.memory_space<semaphore_mem>>)
    %scan3A = arith.constant 0 : i32
    %scan3A_38 = arith.constant 0 : i32
    %scan3A_39 = arith.constant 5 : i32
    %scan3A_40 = arith.addi %scan3A_38, %scan3A_39 : i32
    %scan3A_41 = arith.constant 1 : i32
    %scan3A_42 = scf.for %scan3A_58 = %scan3A_38 to %scan3A_40 step %scan3A_41 iter_args(%scan3A_59 = %scan3A) -> (i32)  : i32 {
      %mul3A_60 = arith.constant 4 : i32
      %mul3A_61 = arith.muli %scan3A_58, %mul3A_60 : i32
      %add3A_62 = arith.constant 0 : i32
      %add3A_63 = arith.addi %mul3A_61, %add3A_62 : i32
      %dma_wait3A_64 = arith.constant 0 : i32
      %dma_wait3A_65 = arith.constant 0 : i32
      %dma_wait3A_66 = arith.constant 0 : i32
      %dma_wait3A_67 = tpu.memref_slice %arg6[%dma_wait3A_64, %dma_wait3A_65, %dma_wait3A_66] : memref<4x128x128xf32, #tpu.memory_space<vmem>> -> memref<1x128x128xf32, #tpu.memory_space<vmem>>
      %dma_wait3A_68 = tpu.memref_squeeze %dma_wait3A_67 : memref<1x128x128xf32, #tpu.memory_space<vmem>> -> memref<128x128xf32, #tpu.memory_space<vmem>>
      %dma_wait3A_69 = arith.constant 0 : i32
      %dma_wait3A_70 = tpu.memref_slice %arg5[%add3A_63, %dma_wait3A_69] : memref<20x128xi32, #tpu.memory_space<vmem>> -> memref<1x128xi32, #tpu.memory_space<vmem>>
      %dma_wait3A_71 = tpu.memref_squeeze %dma_wait3A_70 : memref<1x128xi32, #tpu.memory_space<vmem>> -> memref<128xi32, #tpu.memory_space<vmem>>
      %dma_wait3A_72 = arith.constant 0 : i32
      %dma_wait3A_73 = arith.constant 0 : i32
      %dma_wait3A_74 = tpu.memref_slice %arg2[%dma_wait3A_72, %dma_wait3A_73] : memref<30000x128xf32, #tpu.memory_space<hbm>> -> memref<30000x128xf32, #tpu.memory_space<hbm>>
      tpu.wait_indirect_dma semaphore(%arg7 : memref<!tpu.dma_semaphore, #tpu.memory_space<semaphore_mem>>) src(%dma_wait3A_74 : memref<30000x128xf32, #tpu.memory_space<hbm>>) dst(%dma_wait3A_68 : memref<128x128xf32, #tpu.memory_space<vmem>>)
      %mul3A_75 = arith.constant 128 : i32
      %mul3A_76 = arith.muli %add3A_63, %mul3A_75 : i32
      %add3A_77 = arith.addi %mul3A_2, %mul3A_76 : i32
      %dma_start3A_78 = arith.constant 0 : i32
      %dma_start3A_79 = arith.constant 0 : i32
      %dma_start3A_80 = arith.constant 0 : i32
      %dma_start3A_81 = tpu.memref_slice %arg6[%dma_start3A_78, %dma_start3A_79, %dma_start3A_80] : memref<4x128x128xf32, #tpu.memory_space<vmem>> -> memref<1x128x128xf32, #tpu.memory_space<vmem>>
      %dma_start3A_82 = tpu.memref_squeeze %dma_start3A_81 : memref<1x128x128xf32, #tpu.memory_space<vmem>> -> memref<128x128xf32, #tpu.memory_space<vmem>>
      %dma_start3A_83 = arith.constant 0 : i32
      %dma_start3A_84 = tpu.memref_slice %arg4[%add3A_77, %dma_start3A_83] : memref<81920x128xf32, #tpu.memory_space<hbm>> -> memref<128x128xf32, #tpu.memory_space<hbm>>
      %dma_start3A_85 = arith.constant 0 : i32
      %dma_start3A_86 = tpu.memref_slice %arg4[%add3A_77, %dma_start3A_85] : memref<81920x128xf32, #tpu.memory_space<hbm>> -> memref<128x128xf32, #tpu.memory_space<hbm>>
      %dma_start3A_87 = arith.constant 0 : i32
      %dma_start3A_88 = arith.constant 0 : i32
      %dma_start3A_89 = tpu.memref_slice %arg6[%dma_start3A_78, %dma_start3A_87, %dma_start3A_88] : memref<4x128x128xf32, #tpu.memory_space<vmem>> -> memref<1x128x128xf32, #tpu.memory_space<vmem>>
      %dma_start3A_90 = tpu.memref_squeeze %dma_start3A_89 : memref<1x128x128xf32, #tpu.memory_space<vmem>> -> memref<128x128xf32, #tpu.memory_space<vmem>>
      tpu.enqueue_dma source(%dma_start3A_90 : memref<128x128xf32, #tpu.memory_space<vmem>>) target(%dma_start3A_86 : memref<128x128xf32, #tpu.memory_space<hbm>>) target_semaphore(%arg8 : memref<!tpu.dma_semaphore, #tpu.memory_space<semaphore_mem>>)
      %gt3A = arith.constant 0 : i32
      %gt3A_91 = arith.cmpi sgt, %add3A_63, %gt3A : i32
      %convert_element_type3A = arith.extui %gt3A_91 : i1 to i32
      %cond3A = arith.constant 0 : i32
      %cond3A_92 = arith.cmpi ne, %convert_element_type3A, %cond3A : i32
      scf.if %cond3A_92 {
        %sub3A_236 = arith.constant 1 : i32
        %sub3A_237 = arith.subi %add3A_63, %sub3A_236 : i32
        %mul3A_238 = arith.constant 128 : i32
        %mul3A_239 = arith.muli %sub3A_237, %mul3A_238 : i32
        %add3A_240 = arith.addi %mul3A_2, %mul3A_239 : i32
        %dma_wait3A_241 = arith.constant 3 : i32
        %dma_wait3A_242 = arith.constant 0 : i32
        %dma_wait3A_243 = arith.constant 0 : i32
        %dma_wait3A_244 = tpu.memref_slice %arg6[%dma_wait3A_241, %dma_wait3A_242, %dma_wait3A_243] : memref<4x128x128xf32, #tpu.memory_space<vmem>> -> memref<1x128x128xf32, #tpu.memory_space<vmem>>
        %dma_wait3A_245 = tpu.memref_squeeze %dma_wait3A_244 : memref<1x128x128xf32, #tpu.memory_space<vmem>> -> memref<128x128xf32, #tpu.memory_space<vmem>>
        %dma_wait3A_246 = arith.constant 0 : i32
        %dma_wait3A_247 = tpu.memref_slice %arg4[%add3A_240, %dma_wait3A_246] : memref<81920x128xf32, #tpu.memory_space<hbm>> -> memref<128x128xf32, #tpu.memory_space<hbm>>
        %dma_wait3A_248 = arith.constant 0 : i32
        %dma_wait3A_249 = tpu.memref_slice %arg4[%add3A_240, %dma_wait3A_248] : memref<81920x128xf32, #tpu.memory_space<hbm>> -> memref<128x128xf32, #tpu.memory_space<hbm>>
        %dma_wait3A_250 = arith.constant 0 : i32
        %dma_wait3A_251 = arith.constant 0 : i32
        %dma_wait3A_252 = tpu.memref_slice %arg6[%dma_wait3A_241, %dma_wait3A_250, %dma_wait3A_251] : memref<4x128x128xf32, #tpu.memory_space<vmem>> -> memref<1x128x128xf32, #tpu.memory_space<vmem>>
        %dma_wait3A_253 = tpu.memref_squeeze %dma_wait3A_252 : memref<1x128x128xf32, #tpu.memory_space<vmem>> -> memref<128x128xf32, #tpu.memory_space<vmem>>
        tpu.wait_dma2 semaphore(%arg8 : memref<!tpu.dma_semaphore, #tpu.memory_space<semaphore_mem>>) src(%dma_wait3A_253 : memref<128x128xf32, #tpu.memory_space<vmem>>) dst(%dma_wait3A_249 : memref<128x128xf32, #tpu.memory_space<hbm>>)
      } else {
      }
      %add3A_93 = arith.constant 4 : i32
      %add3A_94 = arith.addi %add3A_63, %add3A_93 : i32
      %sub3A = arith.constant 1 : i32
      %sub3A_95 = arith.subi %add3A_94, %sub3A : i32
      %lt3A = arith.constant 20 : i32
      %lt3A_96 = arith.cmpi slt, %sub3A_95, %lt3A : i32
      %convert_element_type3A_97 = arith.extui %lt3A_96 : i1 to i32
      %cond3A_98 = arith.constant 0 : i32
      %cond3A_99 = arith.cmpi ne, %convert_element_type3A_97, %cond3A_98 : i32
      scf.if %cond3A_99 {
        %add3A_236 = arith.constant 4 : i32
        %add3A_237 = arith.addi %add3A_63, %add3A_236 : i32
        %sub3A_238 = arith.constant 1 : i32
        %sub3A_239 = arith.subi %add3A_237, %sub3A_238 : i32
        %dma_start3A_240 = arith.constant 3 : i32
        %dma_start3A_241 = arith.constant 0 : i32
        %dma_start3A_242 = arith.constant 0 : i32
        %dma_start3A_243 = tpu.memref_slice %arg6[%dma_start3A_240, %dma_start3A_241, %dma_start3A_242] : memref<4x128x128xf32, #tpu.memory_space<vmem>> -> memref<1x128x128xf32, #tpu.memory_space<vmem>>
        %dma_start3A_244 = tpu.memref_squeeze %dma_start3A_243 : memref<1x128x128xf32, #tpu.memory_space<vmem>> -> memref<128x128xf32, #tpu.memory_space<vmem>>
        %dma_start3A_245 = arith.constant 0 : i32
        %dma_start3A_246 = tpu.memref_slice %arg5[%sub3A_239, %dma_start3A_245] : memref<20x128xi32, #tpu.memory_space<vmem>> -> memref<1x128xi32, #tpu.memory_space<vmem>>
        %dma_start3A_247 = tpu.memref_squeeze %dma_start3A_246 : memref<1x128xi32, #tpu.memory_space<vmem>> -> memref<128xi32, #tpu.memory_space<vmem>>
        %dma_start3A_248 = arith.constant 0 : i32
        %dma_start3A_249 = arith.constant 0 : i32
        %dma_start3A_250 = tpu.memref_slice %arg2[%dma_start3A_248, %dma_start3A_249] : memref<30000x128xf32, #tpu.memory_space<hbm>> -> memref<30000x128xf32, #tpu.memory_space<hbm>>
        tpu.enqueue_indirect_dma source(%dma_start3A_250 : memref<30000x128xf32, #tpu.memory_space<hbm>>) target(%dma_start3A_244 : memref<128x128xf32, #tpu.memory_space<vmem>>) offsets(%dma_start3A_247 : memref<128xi32, #tpu.memory_space<vmem>>) semaphore(%arg7 : memref<!tpu.dma_semaphore, #tpu.memory_space<semaphore_mem>>)
      } else {
      }
      %mul3A_100 = arith.constant 4 : i32
      %mul3A_101 = arith.muli %scan3A_58, %mul3A_100 : i32
      %add3A_102 = arith.constant 1 : i32
      %add3A_103 = arith.addi %mul3A_101, %add3A_102 : i32
      %dma_wait3A_104 = arith.constant 1 : i32
      %dma_wait3A_105 = arith.constant 0 : i32
      %dma_wait3A_106 = arith.constant 0 : i32
      %dma_wait3A_107 = tpu.memref_slice %arg6[%dma_wait3A_104, %dma_wait3A_105, %dma_wait3A_106] : memref<4x128x128xf32, #tpu.memory_space<vmem>> -> memref<1x128x128xf32, #tpu.memory_space<vmem>>
      %dma_wait3A_108 = tpu.memref_squeeze %dma_wait3A_107 : memref<1x128x128xf32, #tpu.memory_space<vmem>> -> memref<128x128xf32, #tpu.memory_space<vmem>>
      %dma_wait3A_109 = arith.constant 0 : i32
      %dma_wait3A_110 = tpu.memref_slice %arg5[%add3A_103, %dma_wait3A_109] : memref<20x128xi32, #tpu.memory_space<vmem>> -> memref<1x128xi32, #tpu.memory_space<vmem>>
      %dma_wait3A_111 = tpu.memref_squeeze %dma_wait3A_110 : memref<1x128xi32, #tpu.memory_space<vmem>> -> memref<128xi32, #tpu.memory_space<vmem>>
      %dma_wait3A_112 = arith.constant 0 : i32
      %dma_wait3A_113 = arith.constant 0 : i32
      %dma_wait3A_114 = tpu.memref_slice %arg2[%dma_wait3A_112, %dma_wait3A_113] : memref<30000x128xf32, #tpu.memory_space<hbm>> -> memref<30000x128xf32, #tpu.memory_space<hbm>>
      tpu.wait_indirect_dma semaphore(%arg7 : memref<!tpu.dma_semaphore, #tpu.memory_space<semaphore_mem>>) src(%dma_wait3A_114 : memref<30000x128xf32, #tpu.memory_space<hbm>>) dst(%dma_wait3A_108 : memref<128x128xf32, #tpu.memory_space<vmem>>)
      %mul3A_115 = arith.constant 128 : i32
      %mul3A_116 = arith.muli %add3A_103, %mul3A_115 : i32
      %add3A_117 = arith.addi %mul3A_2, %mul3A_116 : i32
      %dma_start3A_118 = arith.constant 1 : i32
      %dma_start3A_119 = arith.constant 0 : i32
      %dma_start3A_120 = arith.constant 0 : i32
      %dma_start3A_121 = tpu.memref_slice %arg6[%dma_start3A_118, %dma_start3A_119, %dma_start3A_120] : memref<4x128x128xf32, #tpu.memory_space<vmem>> -> memref<1x128x128xf32, #tpu.memory_space<vmem>>
      %dma_start3A_122 = tpu.memref_squeeze %dma_start3A_121 : memref<1x128x128xf32, #tpu.memory_space<vmem>> -> memref<128x128xf32, #tpu.memory_space<vmem>>
      %dma_start3A_123 = arith.constant 0 : i32
      %dma_start3A_124 = tpu.memref_slice %arg4[%add3A_117, %dma_start3A_123] : memref<81920x128xf32, #tpu.memory_space<hbm>> -> memref<128x128xf32, #tpu.memory_space<hbm>>
      %dma_start3A_125 = arith.constant 0 : i32
      %dma_start3A_126 = tpu.memref_slice %arg4[%add3A_117, %dma_start3A_125] : memref<81920x128xf32, #tpu.memory_space<hbm>> -> memref<128x128xf32, #tpu.memory_space<hbm>>
      %dma_start3A_127 = arith.constant 0 : i32
      %dma_start3A_128 = arith.constant 0 : i32
      %dma_start3A_129 = tpu.memref_slice %arg6[%dma_start3A_118, %dma_start3A_127, %dma_start3A_128] : memref<4x128x128xf32, #tpu.memory_space<vmem>> -> memref<1x128x128xf32, #tpu.memory_space<vmem>>
      %dma_start3A_130 = tpu.memref_squeeze %dma_start3A_129 : memref<1x128x128xf32, #tpu.memory_space<vmem>> -> memref<128x128xf32, #tpu.memory_space<vmem>>
      tpu.enqueue_dma source(%dma_start3A_130 : memref<128x128xf32, #tpu.memory_space<vmem>>) target(%dma_start3A_126 : memref<128x128xf32, #tpu.memory_space<hbm>>) target_semaphore(%arg8 : memref<!tpu.dma_semaphore, #tpu.memory_space<semaphore_mem>>)
      %gt3A_131 = arith.constant 0 : i32
      %gt3A_132 = arith.cmpi sgt, %add3A_103, %gt3A_131 : i32
      %convert_element_type3A_133 = arith.extui %gt3A_132 : i1 to i32
      %cond3A_134 = arith.constant 0 : i32
      %cond3A_135 = arith.cmpi ne, %convert_element_type3A_133, %cond3A_134 : i32
      scf.if %cond3A_135 {
        %sub3A_236 = arith.constant 1 : i32
        %sub3A_237 = arith.subi %add3A_103, %sub3A_236 : i32
        %mul3A_238 = arith.constant 128 : i32
        %mul3A_239 = arith.muli %sub3A_237, %mul3A_238 : i32
        %add3A_240 = arith.addi %mul3A_2, %mul3A_239 : i32
        %dma_wait3A_241 = arith.constant 0 : i32
        %dma_wait3A_242 = arith.constant 0 : i32
        %dma_wait3A_243 = arith.constant 0 : i32
        %dma_wait3A_244 = tpu.memref_slice %arg6[%dma_wait3A_241, %dma_wait3A_242, %dma_wait3A_243] : memref<4x128x128xf32, #tpu.memory_space<vmem>> -> memref<1x128x128xf32, #tpu.memory_space<vmem>>
        %dma_wait3A_245 = tpu.memref_squeeze %dma_wait3A_244 : memref<1x128x128xf32, #tpu.memory_space<vmem>> -> memref<128x128xf32, #tpu.memory_space<vmem>>
        %dma_wait3A_246 = arith.constant 0 : i32
        %dma_wait3A_247 = tpu.memref_slice %arg4[%add3A_240, %dma_wait3A_246] : memref<81920x128xf32, #tpu.memory_space<hbm>> -> memref<128x128xf32, #tpu.memory_space<hbm>>
        %dma_wait3A_248 = arith.constant 0 : i32
        %dma_wait3A_249 = tpu.memref_slice %arg4[%add3A_240, %dma_wait3A_248] : memref<81920x128xf32, #tpu.memory_space<hbm>> -> memref<128x128xf32, #tpu.memory_space<hbm>>
        %dma_wait3A_250 = arith.constant 0 : i32
        %dma_wait3A_251 = arith.constant 0 : i32
        %dma_wait3A_252 = tpu.memref_slice %arg6[%dma_wait3A_241, %dma_wait3A_250, %dma_wait3A_251] : memref<4x128x128xf32, #tpu.memory_space<vmem>> -> memref<1x128x128xf32, #tpu.memory_space<vmem>>
        %dma_wait3A_253 = tpu.memref_squeeze %dma_wait3A_252 : memref<1x128x128xf32, #tpu.memory_space<vmem>> -> memref<128x128xf32, #tpu.memory_space<vmem>>
        tpu.wait_dma2 semaphore(%arg8 : memref<!tpu.dma_semaphore, #tpu.memory_space<semaphore_mem>>) src(%dma_wait3A_253 : memref<128x128xf32, #tpu.memory_space<vmem>>) dst(%dma_wait3A_249 : memref<128x128xf32, #tpu.memory_space<hbm>>)
      } else {
      }
      %add3A_136 = arith.constant 4 : i32
      %add3A_137 = arith.addi %add3A_103, %add3A_136 : i32
      %sub3A_138 = arith.constant 1 : i32
      %sub3A_139 = arith.subi %add3A_137, %sub3A_138 : i32
      %lt3A_140 = arith.constant 20 : i32
      %lt3A_141 = arith.cmpi slt, %sub3A_139, %lt3A_140 : i32
      %convert_element_type3A_142 = arith.extui %lt3A_141 : i1 to i32
      %cond3A_143 = arith.constant 0 : i32
      %cond3A_144 = arith.cmpi ne, %convert_element_type3A_142, %cond3A_143 : i32
      scf.if %cond3A_144 {
        %add3A_236 = arith.constant 4 : i32
        %add3A_237 = arith.addi %add3A_103, %add3A_236 : i32
        %sub3A_238 = arith.constant 1 : i32
        %sub3A_239 = arith.subi %add3A_237, %sub3A_238 : i32
        %dma_start3A_240 = arith.constant 0 : i32
        %dma_start3A_241 = arith.constant 0 : i32
        %dma_start3A_242 = arith.constant 0 : i32
        %dma_start3A_243 = tpu.memref_slice %arg6[%dma_start3A_240, %dma_start3A_241, %dma_start3A_242] : memref<4x128x128xf32, #tpu.memory_space<vmem>> -> memref<1x128x128xf32, #tpu.memory_space<vmem>>
        %dma_start3A_244 = tpu.memref_squeeze %dma_start3A_243 : memref<1x128x128xf32, #tpu.memory_space<vmem>> -> memref<128x128xf32, #tpu.memory_space<vmem>>
        %dma_start3A_245 = arith.constant 0 : i32
        %dma_start3A_246 = tpu.memref_slice %arg5[%sub3A_239, %dma_start3A_245] : memref<20x128xi32, #tpu.memory_space<vmem>> -> memref<1x128xi32, #tpu.memory_space<vmem>>
        %dma_start3A_247 = tpu.memref_squeeze %dma_start3A_246 : memref<1x128xi32, #tpu.memory_space<vmem>> -> memref<128xi32, #tpu.memory_space<vmem>>
        %dma_start3A_248 = arith.constant 0 : i32
        %dma_start3A_249 = arith.constant 0 : i32
        %dma_start3A_250 = tpu.memref_slice %arg2[%dma_start3A_248, %dma_start3A_249] : memref<30000x128xf32, #tpu.memory_space<hbm>> -> memref<30000x128xf32, #tpu.memory_space<hbm>>
        tpu.enqueue_indirect_dma source(%dma_start3A_250 : memref<30000x128xf32, #tpu.memory_space<hbm>>) target(%dma_start3A_244 : memref<128x128xf32, #tpu.memory_space<vmem>>) offsets(%dma_start3A_247 : memref<128xi32, #tpu.memory_space<vmem>>) semaphore(%arg7 : memref<!tpu.dma_semaphore, #tpu.memory_space<semaphore_mem>>)
      } else {
      }
      %mul3A_145 = arith.constant 4 : i32
      %mul3A_146 = arith.muli %scan3A_58, %mul3A_145 : i32
      %add3A_147 = arith.constant 2 : i32
      %add3A_148 = arith.addi %mul3A_146, %add3A_147 : i32
      %dma_wait3A_149 = arith.constant 2 : i32
      %dma_wait3A_150 = arith.constant 0 : i32
      %dma_wait3A_151 = arith.constant 0 : i32
      %dma_wait3A_152 = tpu.memref_slice %arg6[%dma_wait3A_149, %dma_wait3A_150, %dma_wait3A_151] : memref<4x128x128xf32, #tpu.memory_space<vmem>> -> memref<1x128x128xf32, #tpu.memory_space<vmem>>
      %dma_wait3A_153 = tpu.memref_squeeze %dma_wait3A_152 : memref<1x128x128xf32, #tpu.memory_space<vmem>> -> memref<128x128xf32, #tpu.memory_space<vmem>>
      %dma_wait3A_154 = arith.constant 0 : i32
      %dma_wait3A_155 = tpu.memref_slice %arg5[%add3A_148, %dma_wait3A_154] : memref<20x128xi32, #tpu.memory_space<vmem>> -> memref<1x128xi32, #tpu.memory_space<vmem>>
      %dma_wait3A_156 = tpu.memref_squeeze %dma_wait3A_155 : memref<1x128xi32, #tpu.memory_space<vmem>> -> memref<128xi32, #tpu.memory_space<vmem>>
      %dma_wait3A_157 = arith.constant 0 : i32
      %dma_wait3A_158 = arith.constant 0 : i32
      %dma_wait3A_159 = tpu.memref_slice %arg2[%dma_wait3A_157, %dma_wait3A_158] : memref<30000x128xf32, #tpu.memory_space<hbm>> -> memref<30000x128xf32, #tpu.memory_space<hbm>>
      tpu.wait_indirect_dma semaphore(%arg7 : memref<!tpu.dma_semaphore, #tpu.memory_space<semaphore_mem>>) src(%dma_wait3A_159 : memref<30000x128xf32, #tpu.memory_space<hbm>>) dst(%dma_wait3A_153 : memref<128x128xf32, #tpu.memory_space<vmem>>)
      %mul3A_160 = arith.constant 128 : i32
      %mul3A_161 = arith.muli %add3A_148, %mul3A_160 : i32
      %add3A_162 = arith.addi %mul3A_2, %mul3A_161 : i32
      %dma_start3A_163 = arith.constant 2 : i32
      %dma_start3A_164 = arith.constant 0 : i32
      %dma_start3A_165 = arith.constant 0 : i32
      %dma_start3A_166 = tpu.memref_slice %arg6[%dma_start3A_163, %dma_start3A_164, %dma_start3A_165] : memref<4x128x128xf32, #tpu.memory_space<vmem>> -> memref<1x128x128xf32, #tpu.memory_space<vmem>>
      %dma_start3A_167 = tpu.memref_squeeze %dma_start3A_166 : memref<1x128x128xf32, #tpu.memory_space<vmem>> -> memref<128x128xf32, #tpu.memory_space<vmem>>
      %dma_start3A_168 = arith.constant 0 : i32
      %dma_start3A_169 = tpu.memref_slice %arg4[%add3A_162, %dma_start3A_168] : memref<81920x128xf32, #tpu.memory_space<hbm>> -> memref<128x128xf32, #tpu.memory_space<hbm>>
      %dma_start3A_170 = arith.constant 0 : i32
      %dma_start3A_171 = tpu.memref_slice %arg4[%add3A_162, %dma_start3A_170] : memref<81920x128xf32, #tpu.memory_space<hbm>> -> memref<128x128xf32, #tpu.memory_space<hbm>>
      %dma_start3A_172 = arith.constant 0 : i32
      %dma_start3A_173 = arith.constant 0 : i32
      %dma_start3A_174 = tpu.memref_slice %arg6[%dma_start3A_163, %dma_start3A_172, %dma_start3A_173] : memref<4x128x128xf32, #tpu.memory_space<vmem>> -> memref<1x128x128xf32, #tpu.memory_space<vmem>>
      %dma_start3A_175 = tpu.memref_squeeze %dma_start3A_174 : memref<1x128x128xf32, #tpu.memory_space<vmem>> -> memref<128x128xf32, #tpu.memory_space<vmem>>
      tpu.enqueue_dma source(%dma_start3A_175 : memref<128x128xf32, #tpu.memory_space<vmem>>) target(%dma_start3A_171 : memref<128x128xf32, #tpu.memory_space<hbm>>) target_semaphore(%arg8 : memref<!tpu.dma_semaphore, #tpu.memory_space<semaphore_mem>>)
      %gt3A_176 = arith.constant 0 : i32
      %gt3A_177 = arith.cmpi sgt, %add3A_148, %gt3A_176 : i32
      %convert_element_type3A_178 = arith.extui %gt3A_177 : i1 to i32
      %cond3A_179 = arith.constant 0 : i32
      %cond3A_180 = arith.cmpi ne, %convert_element_type3A_178, %cond3A_179 : i32
      scf.if %cond3A_180 {
        %sub3A_236 = arith.constant 1 : i32
        %sub3A_237 = arith.subi %add3A_148, %sub3A_236 : i32
        %mul3A_238 = arith.constant 128 : i32
        %mul3A_239 = arith.muli %sub3A_237, %mul3A_238 : i32
        %add3A_240 = arith.addi %mul3A_2, %mul3A_239 : i32
        %dma_wait3A_241 = arith.constant 1 : i32
        %dma_wait3A_242 = arith.constant 0 : i32
        %dma_wait3A_243 = arith.constant 0 : i32
        %dma_wait3A_244 = tpu.memref_slice %arg6[%dma_wait3A_241, %dma_wait3A_242, %dma_wait3A_243] : memref<4x128x128xf32, #tpu.memory_space<vmem>> -> memref<1x128x128xf32, #tpu.memory_space<vmem>>
        %dma_wait3A_245 = tpu.memref_squeeze %dma_wait3A_244 : memref<1x128x128xf32, #tpu.memory_space<vmem>> -> memref<128x128xf32, #tpu.memory_space<vmem>>
        %dma_wait3A_246 = arith.constant 0 : i32
        %dma_wait3A_247 = tpu.memref_slice %arg4[%add3A_240, %dma_wait3A_246] : memref<81920x128xf32, #tpu.memory_space<hbm>> -> memref<128x128xf32, #tpu.memory_space<hbm>>
        %dma_wait3A_248 = arith.constant 0 : i32
        %dma_wait3A_249 = tpu.memref_slice %arg4[%add3A_240, %dma_wait3A_248] : memref<81920x128xf32, #tpu.memory_space<hbm>> -> memref<128x128xf32, #tpu.memory_space<hbm>>
        %dma_wait3A_250 = arith.constant 0 : i32
        %dma_wait3A_251 = arith.constant 0 : i32
        %dma_wait3A_252 = tpu.memref_slice %arg6[%dma_wait3A_241, %dma_wait3A_250, %dma_wait3A_251] : memref<4x128x128xf32, #tpu.memory_space<vmem>> -> memref<1x128x128xf32, #tpu.memory_space<vmem>>
        %dma_wait3A_253 = tpu.memref_squeeze %dma_wait3A_252 : memref<1x128x128xf32, #tpu.memory_space<vmem>> -> memref<128x128xf32, #tpu.memory_space<vmem>>
        tpu.wait_dma2 semaphore(%arg8 : memref<!tpu.dma_semaphore, #tpu.memory_space<semaphore_mem>>) src(%dma_wait3A_253 : memref<128x128xf32, #tpu.memory_space<vmem>>) dst(%dma_wait3A_249 : memref<128x128xf32, #tpu.memory_space<hbm>>)
      } else {
      }
      %add3A_181 = arith.constant 4 : i32
      %add3A_182 = arith.addi %add3A_148, %add3A_181 : i32
      %sub3A_183 = arith.constant 1 : i32
      %sub3A_184 = arith.subi %add3A_182, %sub3A_183 : i32
      %lt3A_185 = arith.constant 20 : i32
      %lt3A_186 = arith.cmpi slt, %sub3A_184, %lt3A_185 : i32
      %convert_element_type3A_187 = arith.extui %lt3A_186 : i1 to i32
      %cond3A_188 = arith.constant 0 : i32
      %cond3A_189 = arith.cmpi ne, %convert_element_type3A_187, %cond3A_188 : i32
      scf.if %cond3A_189 {
        %add3A_236 = arith.constant 4 : i32
        %add3A_237 = arith.addi %add3A_148, %add3A_236 : i32
        %sub3A_238 = arith.constant 1 : i32
        %sub3A_239 = arith.subi %add3A_237, %sub3A_238 : i32
        %dma_start3A_240 = arith.constant 1 : i32
        %dma_start3A_241 = arith.constant 0 : i32
        %dma_start3A_242 = arith.constant 0 : i32
        %dma_start3A_243 = tpu.memref_slice %arg6[%dma_start3A_240, %dma_start3A_241, %dma_start3A_242] : memref<4x128x128xf32, #tpu.memory_space<vmem>> -> memref<1x128x128xf32, #tpu.memory_space<vmem>>
        %dma_start3A_244 = tpu.memref_squeeze %dma_start3A_243 : memref<1x128x128xf32, #tpu.memory_space<vmem>> -> memref<128x128xf32, #tpu.memory_space<vmem>>
        %dma_start3A_245 = arith.constant 0 : i32
        %dma_start3A_246 = tpu.memref_slice %arg5[%sub3A_239, %dma_start3A_245] : memref<20x128xi32, #tpu.memory_space<vmem>> -> memref<1x128xi32, #tpu.memory_space<vmem>>
        %dma_start3A_247 = tpu.memref_squeeze %dma_start3A_246 : memref<1x128xi32, #tpu.memory_space<vmem>> -> memref<128xi32, #tpu.memory_space<vmem>>
        %dma_start3A_248 = arith.constant 0 : i32
        %dma_start3A_249 = arith.constant 0 : i32
        %dma_start3A_250 = tpu.memref_slice %arg2[%dma_start3A_248, %dma_start3A_249] : memref<30000x128xf32, #tpu.memory_space<hbm>> -> memref<30000x128xf32, #tpu.memory_space<hbm>>
        tpu.enqueue_indirect_dma source(%dma_start3A_250 : memref<30000x128xf32, #tpu.memory_space<hbm>>) target(%dma_start3A_244 : memref<128x128xf32, #tpu.memory_space<vmem>>) offsets(%dma_start3A_247 : memref<128xi32, #tpu.memory_space<vmem>>) semaphore(%arg7 : memref<!tpu.dma_semaphore, #tpu.memory_space<semaphore_mem>>)
      } else {
      }
      %mul3A_190 = arith.constant 4 : i32
      %mul3A_191 = arith.muli %scan3A_58, %mul3A_190 : i32
      %add3A_192 = arith.constant 3 : i32
      %add3A_193 = arith.addi %mul3A_191, %add3A_192 : i32
      %dma_wait3A_194 = arith.constant 3 : i32
      %dma_wait3A_195 = arith.constant 0 : i32
      %dma_wait3A_196 = arith.constant 0 : i32
      %dma_wait3A_197 = tpu.memref_slice %arg6[%dma_wait3A_194, %dma_wait3A_195, %dma_wait3A_196] : memref<4x128x128xf32, #tpu.memory_space<vmem>> -> memref<1x128x128xf32, #tpu.memory_space<vmem>>
      %dma_wait3A_198 = tpu.memref_squeeze %dma_wait3A_197 : memref<1x128x128xf32, #tpu.memory_space<vmem>> -> memref<128x128xf32, #tpu.memory_space<vmem>>
      %dma_wait3A_199 = arith.constant 0 : i32
      %dma_wait3A_200 = tpu.memref_slice %arg5[%add3A_193, %dma_wait3A_199] : memref<20x128xi32, #tpu.memory_space<vmem>> -> memref<1x128xi32, #tpu.memory_space<vmem>>
      %dma_wait3A_201 = tpu.memref_squeeze %dma_wait3A_200 : memref<1x128xi32, #tpu.memory_space<vmem>> -> memref<128xi32, #tpu.memory_space<vmem>>
      %dma_wait3A_202 = arith.constant 0 : i32
      %dma_wait3A_203 = arith.constant 0 : i32
      %dma_wait3A_204 = tpu.memref_slice %arg2[%dma_wait3A_202, %dma_wait3A_203] : memref<30000x128xf32, #tpu.memory_space<hbm>> -> memref<30000x128xf32, #tpu.memory_space<hbm>>
      tpu.wait_indirect_dma semaphore(%arg7 : memref<!tpu.dma_semaphore, #tpu.memory_space<semaphore_mem>>) src(%dma_wait3A_204 : memref<30000x128xf32, #tpu.memory_space<hbm>>) dst(%dma_wait3A_198 : memref<128x128xf32, #tpu.memory_space<vmem>>)
      %mul3A_205 = arith.constant 128 : i32
      %mul3A_206 = arith.muli %add3A_193, %mul3A_205 : i32
      %add3A_207 = arith.addi %mul3A_2, %mul3A_206 : i32
      %dma_start3A_208 = arith.constant 3 : i32
      %dma_start3A_209 = arith.constant 0 : i32
      %dma_start3A_210 = arith.constant 0 : i32
      %dma_start3A_211 = tpu.memref_slice %arg6[%dma_start3A_208, %dma_start3A_209, %dma_start3A_210] : memref<4x128x128xf32, #tpu.memory_space<vmem>> -> memref<1x128x128xf32, #tpu.memory_space<vmem>>
      %dma_start3A_212 = tpu.memref_squeeze %dma_start3A_211 : memref<1x128x128xf32, #tpu.memory_space<vmem>> -> memref<128x128xf32, #tpu.memory_space<vmem>>
      %dma_start3A_213 = arith.constant 0 : i32
      %dma_start3A_214 = tpu.memref_slice %arg4[%add3A_207, %dma_start3A_213] : memref<81920x128xf32, #tpu.memory_space<hbm>> -> memref<128x128xf32, #tpu.memory_space<hbm>>
      %dma_start3A_215 = arith.constant 0 : i32
      %dma_start3A_216 = tpu.memref_slice %arg4[%add3A_207, %dma_start3A_215] : memref<81920x128xf32, #tpu.memory_space<hbm>> -> memref<128x128xf32, #tpu.memory_space<hbm>>
      %dma_start3A_217 = arith.constant 0 : i32
      %dma_start3A_218 = arith.constant 0 : i32
      %dma_start3A_219 = tpu.memref_slice %arg6[%dma_start3A_208, %dma_start3A_217, %dma_start3A_218] : memref<4x128x128xf32, #tpu.memory_space<vmem>> -> memref<1x128x128xf32, #tpu.memory_space<vmem>>
      %dma_start3A_220 = tpu.memref_squeeze %dma_start3A_219 : memref<1x128x128xf32, #tpu.memory_space<vmem>> -> memref<128x128xf32, #tpu.memory_space<vmem>>
      tpu.enqueue_dma source(%dma_start3A_220 : memref<128x128xf32, #tpu.memory_space<vmem>>) target(%dma_start3A_216 : memref<128x128xf32, #tpu.memory_space<hbm>>) target_semaphore(%arg8 : memref<!tpu.dma_semaphore, #tpu.memory_space<semaphore_mem>>)
      %gt3A_221 = arith.constant 0 : i32
      %gt3A_222 = arith.cmpi sgt, %add3A_193, %gt3A_221 : i32
      %convert_element_type3A_223 = arith.extui %gt3A_222 : i1 to i32
      %cond3A_224 = arith.constant 0 : i32
      %cond3A_225 = arith.cmpi ne, %convert_element_type3A_223, %cond3A_224 : i32
      scf.if %cond3A_225 {
        %sub3A_236 = arith.constant 1 : i32
        %sub3A_237 = arith.subi %add3A_193, %sub3A_236 : i32
        %mul3A_238 = arith.constant 128 : i32
        %mul3A_239 = arith.muli %sub3A_237, %mul3A_238 : i32
        %add3A_240 = arith.addi %mul3A_2, %mul3A_239 : i32
        %dma_wait3A_241 = arith.constant 2 : i32
        %dma_wait3A_242 = arith.constant 0 : i32
        %dma_wait3A_243 = arith.constant 0 : i32
        %dma_wait3A_244 = tpu.memref_slice %arg6[%dma_wait3A_241, %dma_wait3A_242, %dma_wait3A_243] : memref<4x128x128xf32, #tpu.memory_space<vmem>> -> memref<1x128x128xf32, #tpu.memory_space<vmem>>
        %dma_wait3A_245 = tpu.memref_squeeze %dma_wait3A_244 : memref<1x128x128xf32, #tpu.memory_space<vmem>> -> memref<128x128xf32, #tpu.memory_space<vmem>>
        %dma_wait3A_246 = arith.constant 0 : i32
        %dma_wait3A_247 = tpu.memref_slice %arg4[%add3A_240, %dma_wait3A_246] : memref<81920x128xf32, #tpu.memory_space<hbm>> -> memref<128x128xf32, #tpu.memory_space<hbm>>
        %dma_wait3A_248 = arith.constant 0 : i32
        %dma_wait3A_249 = tpu.memref_slice %arg4[%add3A_240, %dma_wait3A_248] : memref<81920x128xf32, #tpu.memory_space<hbm>> -> memref<128x128xf32, #tpu.memory_space<hbm>>
        %dma_wait3A_250 = arith.constant 0 : i32
        %dma_wait3A_251 = arith.constant 0 : i32
        %dma_wait3A_252 = tpu.memref_slice %arg6[%dma_wait3A_241, %dma_wait3A_250, %dma_wait3A_251] : memref<4x128x128xf32, #tpu.memory_space<vmem>> -> memref<1x128x128xf32, #tpu.memory_space<vmem>>
        %dma_wait3A_253 = tpu.memref_squeeze %dma_wait3A_252 : memref<1x128x128xf32, #tpu.memory_space<vmem>> -> memref<128x128xf32, #tpu.memory_space<vmem>>
        tpu.wait_dma2 semaphore(%arg8 : memref<!tpu.dma_semaphore, #tpu.memory_space<semaphore_mem>>) src(%dma_wait3A_253 : memref<128x128xf32, #tpu.memory_space<vmem>>) dst(%dma_wait3A_249 : memref<128x128xf32, #tpu.memory_space<hbm>>)
      } else {
      }
      %add3A_226 = arith.constant 4 : i32
      %add3A_227 = arith.addi %add3A_193, %add3A_226 : i32
      %sub3A_228 = arith.constant 1 : i32
      %sub3A_229 = arith.subi %add3A_227, %sub3A_228 : i32
      %lt3A_230 = arith.constant 20 : i32
      %lt3A_231 = arith.cmpi slt, %sub3A_229, %lt3A_230 : i32
      %convert_element_type3A_232 = arith.extui %lt3A_231 : i1 to i32
      %cond3A_233 = arith.constant 0 : i32
      %cond3A_234 = arith.cmpi ne, %convert_element_type3A_232, %cond3A_233 : i32
      scf.if %cond3A_234 {
        %add3A_236 = arith.constant 4 : i32
        %add3A_237 = arith.addi %add3A_193, %add3A_236 : i32
        %sub3A_238 = arith.constant 1 : i32
        %sub3A_239 = arith.subi %add3A_237, %sub3A_238 : i32
        %dma_start3A_240 = arith.constant 2 : i32
        %dma_start3A_241 = arith.constant 0 : i32
        %dma_start3A_242 = arith.constant 0 : i32
        %dma_start3A_243 = tpu.memref_slice %arg6[%dma_start3A_240, %dma_start3A_241, %dma_start3A_242] : memref<4x128x128xf32, #tpu.memory_space<vmem>> -> memref<1x128x128xf32, #tpu.memory_space<vmem>>
        %dma_start3A_244 = tpu.memref_squeeze %dma_start3A_243 : memref<1x128x128xf32, #tpu.memory_space<vmem>> -> memref<128x128xf32, #tpu.memory_space<vmem>>
        %dma_start3A_245 = arith.constant 0 : i32
        %dma_start3A_246 = tpu.memref_slice %arg5[%sub3A_239, %dma_start3A_245] : memref<20x128xi32, #tpu.memory_space<vmem>> -> memref<1x128xi32, #tpu.memory_space<vmem>>
        %dma_start3A_247 = tpu.memref_squeeze %dma_start3A_246 : memref<1x128xi32, #tpu.memory_space<vmem>> -> memref<128xi32, #tpu.memory_space<vmem>>
        %dma_start3A_248 = arith.constant 0 : i32
        %dma_start3A_249 = arith.constant 0 : i32
        %dma_start3A_250 = tpu.memref_slice %arg2[%dma_start3A_248, %dma_start3A_249] : memref<30000x128xf32, #tpu.memory_space<hbm>> -> memref<30000x128xf32, #tpu.memory_space<hbm>>
        tpu.enqueue_indirect_dma source(%dma_start3A_250 : memref<30000x128xf32, #tpu.memory_space<hbm>>) target(%dma_start3A_244 : memref<128x128xf32, #tpu.memory_space<vmem>>) offsets(%dma_start3A_247 : memref<128xi32, #tpu.memory_space<vmem>>) semaphore(%arg7 : memref<!tpu.dma_semaphore, #tpu.memory_space<semaphore_mem>>)
      } else {
      }
      %scan3A_235 = arith.constant 0 : i32
      scf.yield %scan3A_235 : i32
    }
    %scan3A_43 = arith.constant 5 : i32
    %add3A_44 = arith.constant 2432 : i32
    %add3A_45 = arith.addi %mul3A_2, %add3A_44 : i32
    %dma_wait3A = arith.constant 3 : i32
    %dma_wait3A_46 = arith.constant 0 : i32
    %dma_wait3A_47 = arith.constant 0 : i32
    %dma_wait3A_48 = tpu.memref_slice %arg6[%dma_wait3A, %dma_wait3A_46, %dma_wait3A_47] : memref<4x128x128xf32, #tpu.memory_space<vmem>> -> memref<1x128x128xf32, #tpu.memory_space<vmem>>
    %dma_wait3A_49 = tpu.memref_squeeze %dma_wait3A_48 : memref<1x128x128xf32, #tpu.memory_space<vmem>> -> memref<128x128xf32, #tpu.memory_space<vmem>>
    %dma_wait3A_50 = arith.constant 0 : i32
    %dma_wait3A_51 = tpu.memref_slice %arg4[%add3A_45, %dma_wait3A_50] : memref<81920x128xf32, #tpu.memory_space<hbm>> -> memref<128x128xf32, #tpu.memory_space<hbm>>
    %dma_wait3A_52 = arith.constant 0 : i32
    %dma_wait3A_53 = tpu.memref_slice %arg4[%add3A_45, %dma_wait3A_52] : memref<81920x128xf32, #tpu.memory_space<hbm>> -> memref<128x128xf32, #tpu.memory_space<hbm>>
    %dma_wait3A_54 = arith.constant 0 : i32
    %dma_wait3A_55 = arith.constant 0 : i32
    %dma_wait3A_56 = tpu.memref_slice %arg6[%dma_wait3A, %dma_wait3A_54, %dma_wait3A_55] : memref<4x128x128xf32, #tpu.memory_space<vmem>> -> memref<1x128x128xf32, #tpu.memory_space<vmem>>
    %dma_wait3A_57 = tpu.memref_squeeze %dma_wait3A_56 : memref<1x128x128xf32, #tpu.memory_space<vmem>> -> memref<128x128xf32, #tpu.memory_space<vmem>>
    tpu.wait_dma2 semaphore(%arg8 : memref<!tpu.dma_semaphore, #tpu.memory_space<semaphore_mem>>) src(%dma_wait3A_57 : memref<128x128xf32, #tpu.memory_space<vmem>>) dst(%dma_wait3A_53 : memref<128x128xf32, #tpu.memory_space<hbm>>)
    return
  }
}

module attributes {stable_mosaic.version = 14 : i64} {
  func.func @_dense_body(%arg0: i32, %arg1: i32, %arg2: memref<4096x128xf32, #tpu.memory_space<vmem>>, %arg3: memref<1x1x4096xi32, #tpu.memory_space<vmem>>, %arg4: memref<128x312xf32, #tpu.memory_space<vmem>>, %arg5: memref<64x312xf32, #tpu.memory_space<vmem>>, %arg6: memref<312x1xf32, #tpu.memory_space<vmem>>, %arg7: memref<312x1xf32, #tpu.memory_space<vmem>>, %arg8: memref<1x312x4096xf32, #tpu.memory_space<vmem>>) attributes {dimension_semantics = [#tpu.dimension_semantics<arbitrary>, #tpu.dimension_semantics<arbitrary>], iteration_bounds = array<i64: 20, 1>, scalar_prefetch = 0 : i64, scratch_operands = 0 : i64, tpu.core_type = #tpu.core_type<tc>, window_params = [{transform_indices = @transform_0, window_bounds = array<i64: 4096, 128>}, {transform_indices = @transform_1, window_bounds = array<i64: 1, 1, 4096>}, {pipeline_mode = #tpu.pipeline_mode<synchronous>, transform_indices = @transform_2, window_bounds = array<i64: 128, 312>}, {pipeline_mode = #tpu.pipeline_mode<synchronous>, transform_indices = @transform_3, window_bounds = array<i64: 64, 312>}, {pipeline_mode = #tpu.pipeline_mode<synchronous>, transform_indices = @transform_4, window_bounds = array<i64: 312, 1>}, {pipeline_mode = #tpu.pipeline_mode<synchronous>, transform_indices = @transform_5, window_bounds = array<i64: 312, 1>}, {transform_indices = @transform_6, window_bounds = array<i64: 1, 312, 4096>}]} {
    %get3A = arith.constant 0 : index
    %get3A_0 = arith.constant 0 : index
    %get3A_1 = vector.load %arg2[%get3A, %get3A_0] : memref<4096x128xf32, #tpu.memory_space<vmem>>, vector<4096x128xf32>
    %get3A_2 = arith.constant 0 : index
    %get3A_3 = arith.constant 0 : index
    %get3A_4 = vector.load %arg4[%get3A_2, %get3A_3] : memref<128x312xf32, #tpu.memory_space<vmem>>, vector<128x312xf32>
    %dot_general3A = arith.constant dense<0.000000e+00> : vector<312x4096xf32>
    %dot_general3A_5 = tpu.matmul %get3A_4, %get3A_1, %dot_general3A {dimension_numbers = #tpu.dot_dimension_numbers<[0], [1], [1], [0], [0, 1, 1, 0], [], []>, transpose_lhs_hint = false} : vector<128x312xf32>, vector<4096x128xf32>, vector<312x4096xf32> -> vector<312x4096xf32>
    %get3A_6 = arith.constant 0 : index
    %get3A_7 = arith.constant 0 : index
    %get3A_8 = arith.constant 0 : index
    %get3A_9 = vector.load %arg3[%get3A_6, %get3A_7, %get3A_8] : memref<1x1x4096xi32, #tpu.memory_space<vmem>>, vector<1x1x4096xi32>
    %reshape3A = vector.shape_cast %get3A_9 : vector<1x1x4096xi32> to vector<1x4096xi32>
    %mul3A = arith.constant 3 : i32
    %mul3A_10 = arith.muli %arg0, %mul3A : i32
    %add3A = vector.broadcast %mul3A_10 : i32 to vector<1x4096xi32>
    %add3A_11 = arith.addi %add3A, %reshape3A : vector<1x4096xi32>
    %broadcast_in_dim3A = vector.shape_cast %add3A_11 : vector<1x4096xi32> to vector<1x4096xi32>
    %broadcast_in_dim3A_12 = vector.broadcast %broadcast_in_dim3A : vector<1x4096xi32> to vector<64x4096xi32>
    %iota3A = tpu.iota {dimensions = array<i32: 0>} : vector<64x4096xi32>
    %eq3A = arith.cmpi eq, %broadcast_in_dim3A_12, %iota3A : vector<64x4096xi32>
    %jit3A = arith.constant 1.000000e+00 : f32
    %jit3A_13 = arith.constant 0.000000e+00 : f32
    %broadcast_in_dim3A_14 = vector.broadcast %jit3A : f32 to vector<64x4096xf32>
    %broadcast_in_dim3A_15 = vector.broadcast %jit3A_13 : f32 to vector<64x4096xf32>
    %select_n3A = arith.select %eq3A, %broadcast_in_dim3A_14, %broadcast_in_dim3A_15 : vector<64x4096xi1>, vector<64x4096xf32>
    %get3A_16 = arith.constant 0 : index
    %get3A_17 = arith.constant 0 : index
    %get3A_18 = vector.load %arg5[%get3A_16, %get3A_17] : memref<64x312xf32, #tpu.memory_space<vmem>>, vector<64x312xf32>
    %dot_general3A_19 = arith.constant dense<0.000000e+00> : vector<312x4096xf32>
    %dot_general3A_20 = tpu.matmul %get3A_18, %select_n3A, %dot_general3A_19 {dimension_numbers = #tpu.dot_dimension_numbers<[0], [0], [1], [1], [0, 1, 1, 1], [], []>, transpose_lhs_hint = false} : vector<64x312xf32>, vector<64x4096xf32>, vector<312x4096xf32> -> vector<312x4096xf32>
    %add3A_21 = arith.addf %dot_general3A_5, %dot_general3A_20 : vector<312x4096xf32>
    %reduce_sum3A = arith.constant dense<0.000000e+00> : vector<4096xf32>
    %reduce_sum3A_22 = vector.multi_reduction <add>, %add3A_21, %reduce_sum3A [0] : vector<312x4096xf32> to vector<4096xf32>
    %broadcast_in_dim3A_23 = vector.shape_cast %reduce_sum3A_22 : vector<4096xf32> to vector<1x4096xf32>
    %mul3A_24 = arith.constant 0.00320512825 : f32
    %mul3A_25 = vector.broadcast %mul3A_24 : f32 to vector<1x4096xf32>
    %mul3A_26 = arith.mulf %broadcast_in_dim3A_23, %mul3A_25 : vector<1x4096xf32>
    %sub3A = vector.broadcast %mul3A_26 : vector<1x4096xf32> to vector<312x4096xf32>
    %sub3A_27 = arith.subf %add3A_21, %sub3A : vector<312x4096xf32>
    %mul3A_28 = arith.mulf %sub3A_27, %sub3A_27 : vector<312x4096xf32>
    %reduce_sum3A_29 = arith.constant dense<0.000000e+00> : vector<4096xf32>
    %reduce_sum3A_30 = vector.multi_reduction <add>, %mul3A_28, %reduce_sum3A_29 [0] : vector<312x4096xf32> to vector<4096xf32>
    %broadcast_in_dim3A_31 = vector.shape_cast %reduce_sum3A_30 : vector<4096xf32> to vector<1x4096xf32>
    %mul3A_32 = arith.constant 0.00320512825 : f32
    %mul3A_33 = vector.broadcast %mul3A_32 : f32 to vector<1x4096xf32>
    %mul3A_34 = arith.mulf %broadcast_in_dim3A_31, %mul3A_33 : vector<1x4096xf32>
    %add3A_35 = arith.constant 9.99999996E-13 : f32
    %add3A_36 = vector.broadcast %add3A_35 : f32 to vector<1x4096xf32>
    %add3A_37 = arith.addf %mul3A_34, %add3A_36 : vector<1x4096xf32>
    %rsqrt3A = math.rsqrt %add3A_37 : vector<1x4096xf32>
    %mul3A_38 = vector.broadcast %rsqrt3A : vector<1x4096xf32> to vector<312x4096xf32>
    %mul3A_39 = arith.mulf %sub3A_27, %mul3A_38 : vector<312x4096xf32>
    %get3A_40 = arith.constant 0 : index
    %get3A_41 = arith.constant 0 : index
    %get3A_42 = vector.load %arg6[%get3A_40, %get3A_41] : memref<312x1xf32, #tpu.memory_space<vmem>>, vector<312x1xf32>
    %mul3A_43 = vector.broadcast %get3A_42 : vector<312x1xf32> to vector<312x4096xf32>
    %mul3A_44 = arith.mulf %mul3A_39, %mul3A_43 : vector<312x4096xf32>
    %get3A_45 = arith.constant 0 : index
    %get3A_46 = arith.constant 0 : index
    %get3A_47 = vector.load %arg7[%get3A_45, %get3A_46] : memref<312x1xf32, #tpu.memory_space<vmem>>, vector<312x1xf32>
    %add3A_48 = vector.broadcast %get3A_47 : vector<312x1xf32> to vector<312x4096xf32>
    %add3A_49 = arith.addf %mul3A_44, %add3A_48 : vector<312x4096xf32>
    %reshape3A_50 = vector.shape_cast %add3A_49 : vector<312x4096xf32> to vector<1x312x4096xf32>
    %swap3A = arith.constant 0 : index
    %swap3A_51 = arith.constant 0 : index
    %swap3A_52 = arith.constant 0 : index
    %swap3A_53 = vector.load %arg8[%swap3A, %swap3A_51, %swap3A_52] : memref<1x312x4096xf32, #tpu.memory_space<vmem>>, vector<1x312x4096xf32>
    tpu.vector_store %arg8[%swap3A, %swap3A_51, %swap3A_52], %reshape3A_50 {strides = array<i32>} : memref<1x312x4096xf32, #tpu.memory_space<vmem>>, vector<1x312x4096xf32>,
    return
  }
  func.func @transform_0(%arg0: i32, %arg1: i32) -> (i32, i32) {
    %mul3A = arith.constant 1 : i32
    %mul3A_0 = arith.muli %arg0, %mul3A : i32
    %add3A = arith.addi %mul3A_0, %arg1 : i32
    %c0_i32 = arith.constant 0 : i32
    %c0_i32_1 = arith.constant 0 : i32
    return %add3A, %c0_i32 : i32, i32
  }
  func.func @transform_1(%arg0: i32, %arg1: i32) -> (i32, i32, i32) {
    %add3A = arith.constant 0 : i32
    %add3A_0 = arith.addi %arg1, %add3A : i32
    %c0_i32 = arith.constant 0 : i32
    %c0_i32_1 = arith.constant 0 : i32
    return %arg0, %c0_i32, %add3A_0 : i32, i32, i32
  }
  func.func @transform_2(%arg0: i32, %arg1: i32) -> (i32, i32) {
    %c0_i32 = arith.constant 0 : i32
    %c0_i32_0 = arith.constant 0 : i32
    %c0_i32_1 = arith.constant 0 : i32
    return %c0_i32, %c0_i32_0 : i32, i32
  }
  func.func @transform_3(%arg0: i32, %arg1: i32) -> (i32, i32) {
    %c0_i32 = arith.constant 0 : i32
    %c0_i32_0 = arith.constant 0 : i32
    %c0_i32_1 = arith.constant 0 : i32
    return %c0_i32, %c0_i32_0 : i32, i32
  }
  func.func @transform_4(%arg0: i32, %arg1: i32) -> (i32, i32) {
    %c0_i32 = arith.constant 0 : i32
    %c0_i32_0 = arith.constant 0 : i32
    %c0_i32_1 = arith.constant 0 : i32
    return %c0_i32, %c0_i32_0 : i32, i32
  }
  func.func @transform_5(%arg0: i32, %arg1: i32) -> (i32, i32) {
    %c0_i32 = arith.constant 0 : i32
    %c0_i32_0 = arith.constant 0 : i32
    %c0_i32_1 = arith.constant 0 : i32
    return %c0_i32, %c0_i32_0 : i32, i32
  }
  func.func @transform_6(%arg0: i32, %arg1: i32) -> (i32, i32, i32) {
    %add3A = arith.constant 0 : i32
    %add3A_0 = arith.addi %arg1, %add3A : i32
    %c0_i32 = arith.constant 0 : i32
    %c0_i32_1 = arith.constant 0 : i32
    return %arg0, %c0_i32, %add3A_0 : i32, i32, i32
  }
}

module attributes {stable_mosaic.version = 14 : i64} {
  func.func @_dense_body_acc(%arg0: i32, %arg1: i32, %arg2: memref<20x312x16384xf32, #tpu.memory_space<any>>, %arg3: memref<4096x128xf32, #tpu.memory_space<vmem>>, %arg4: memref<1x1x4096xi32, #tpu.memory_space<vmem>>, %arg5: memref<128x312xf32, #tpu.memory_space<vmem>>, %arg6: memref<64x312xf32, #tpu.memory_space<vmem>>, %arg7: memref<312x1xf32, #tpu.memory_space<vmem>>, %arg8: memref<312x1xf32, #tpu.memory_space<vmem>>, %arg9: memref<1x312x4096xf32, #tpu.memory_space<vmem>>) attributes {dimension_semantics = [#tpu.dimension_semantics<arbitrary>, #tpu.dimension_semantics<arbitrary>], iteration_bounds = array<i64: 20, 1>, scalar_prefetch = 0 : i64, scratch_operands = 0 : i64, tpu.core_type = #tpu.core_type<tc>, window_params = [{}, {transform_indices = @transform_1, window_bounds = array<i64: 4096, 128>}, {transform_indices = @transform_2, window_bounds = array<i64: 1, 1, 4096>}, {pipeline_mode = #tpu.pipeline_mode<synchronous>, transform_indices = @transform_3, window_bounds = array<i64: 128, 312>}, {pipeline_mode = #tpu.pipeline_mode<synchronous>, transform_indices = @transform_4, window_bounds = array<i64: 64, 312>}, {pipeline_mode = #tpu.pipeline_mode<synchronous>, transform_indices = @transform_5, window_bounds = array<i64: 312, 1>}, {pipeline_mode = #tpu.pipeline_mode<synchronous>, transform_indices = @transform_6, window_bounds = array<i64: 312, 1>}, {transform_indices = @transform_7, window_bounds = array<i64: 1, 312, 4096>}]} {
    %get3A = arith.constant 0 : index
    %get3A_0 = arith.constant 0 : index
    %get3A_1 = vector.load %arg3[%get3A, %get3A_0] : memref<4096x128xf32, #tpu.memory_space<vmem>>, vector<4096x128xf32>
    %get3A_2 = arith.constant 0 : index
    %get3A_3 = arith.constant 0 : index
    %get3A_4 = vector.load %arg5[%get3A_2, %get3A_3] : memref<128x312xf32, #tpu.memory_space<vmem>>, vector<128x312xf32>
    %dot_general3A = arith.constant dense<0.000000e+00> : vector<312x4096xf32>
    %dot_general3A_5 = tpu.matmul %get3A_4, %get3A_1, %dot_general3A {dimension_numbers = #tpu.dot_dimension_numbers<[0], [1], [1], [0], [0, 1, 1, 0], [], []>, transpose_lhs_hint = false} : vector<128x312xf32>, vector<4096x128xf32>, vector<312x4096xf32> -> vector<312x4096xf32>
    %get3A_6 = arith.constant 0 : index
    %get3A_7 = arith.constant 0 : index
    %get3A_8 = arith.constant 0 : index
    %get3A_9 = vector.load %arg4[%get3A_6, %get3A_7, %get3A_8] : memref<1x1x4096xi32, #tpu.memory_space<vmem>>, vector<1x1x4096xi32>
    %reshape3A = vector.shape_cast %get3A_9 : vector<1x1x4096xi32> to vector<1x4096xi32>
    %mul3A = arith.constant 3 : i32
    %mul3A_10 = arith.muli %arg0, %mul3A : i32
    %add3A = vector.broadcast %mul3A_10 : i32 to vector<1x4096xi32>
    %add3A_11 = arith.addi %add3A, %reshape3A : vector<1x4096xi32>
    %broadcast_in_dim3A = vector.shape_cast %add3A_11 : vector<1x4096xi32> to vector<1x4096xi32>
    %broadcast_in_dim3A_12 = vector.broadcast %broadcast_in_dim3A : vector<1x4096xi32> to vector<64x4096xi32>
    %iota3A = tpu.iota {dimensions = array<i32: 0>} : vector<64x4096xi32>
    %eq3A = arith.cmpi eq, %broadcast_in_dim3A_12, %iota3A : vector<64x4096xi32>
    %jit3A = arith.constant 1.000000e+00 : f32
    %jit3A_13 = arith.constant 0.000000e+00 : f32
    %broadcast_in_dim3A_14 = vector.broadcast %jit3A : f32 to vector<64x4096xf32>
    %broadcast_in_dim3A_15 = vector.broadcast %jit3A_13 : f32 to vector<64x4096xf32>
    %select_n3A = arith.select %eq3A, %broadcast_in_dim3A_14, %broadcast_in_dim3A_15 : vector<64x4096xi1>, vector<64x4096xf32>
    %get3A_16 = arith.constant 0 : index
    %get3A_17 = arith.constant 0 : index
    %get3A_18 = vector.load %arg6[%get3A_16, %get3A_17] : memref<64x312xf32, #tpu.memory_space<vmem>>, vector<64x312xf32>
    %dot_general3A_19 = arith.constant dense<0.000000e+00> : vector<312x4096xf32>
    %dot_general3A_20 = tpu.matmul %get3A_18, %select_n3A, %dot_general3A_19 {dimension_numbers = #tpu.dot_dimension_numbers<[0], [0], [1], [1], [0, 1, 1, 1], [], []>, transpose_lhs_hint = false} : vector<64x312xf32>, vector<64x4096xf32>, vector<312x4096xf32> -> vector<312x4096xf32>
    %add3A_21 = arith.addf %dot_general3A_5, %dot_general3A_20 : vector<312x4096xf32>
    %reduce_sum3A = arith.constant dense<0.000000e+00> : vector<4096xf32>
    %reduce_sum3A_22 = vector.multi_reduction <add>, %add3A_21, %reduce_sum3A [0] : vector<312x4096xf32> to vector<4096xf32>
    %broadcast_in_dim3A_23 = vector.shape_cast %reduce_sum3A_22 : vector<4096xf32> to vector<1x4096xf32>
    %mul3A_24 = arith.constant 0.00320512825 : f32
    %mul3A_25 = vector.broadcast %mul3A_24 : f32 to vector<1x4096xf32>
    %mul3A_26 = arith.mulf %broadcast_in_dim3A_23, %mul3A_25 : vector<1x4096xf32>
    %sub3A = vector.broadcast %mul3A_26 : vector<1x4096xf32> to vector<312x4096xf32>
    %sub3A_27 = arith.subf %add3A_21, %sub3A : vector<312x4096xf32>
    %mul3A_28 = arith.mulf %sub3A_27, %sub3A_27 : vector<312x4096xf32>
    %reduce_sum3A_29 = arith.constant dense<0.000000e+00> : vector<4096xf32>
    %reduce_sum3A_30 = vector.multi_reduction <add>, %mul3A_28, %reduce_sum3A_29 [0] : vector<312x4096xf32> to vector<4096xf32>
    %broadcast_in_dim3A_31 = vector.shape_cast %reduce_sum3A_30 : vector<4096xf32> to vector<1x4096xf32>
    %mul3A_32 = arith.constant 0.00320512825 : f32
    %mul3A_33 = vector.broadcast %mul3A_32 : f32 to vector<1x4096xf32>
    %mul3A_34 = arith.mulf %broadcast_in_dim3A_31, %mul3A_33 : vector<1x4096xf32>
    %add3A_35 = arith.constant 9.99999996E-13 : f32
    %add3A_36 = vector.broadcast %add3A_35 : f32 to vector<1x4096xf32>
    %add3A_37 = arith.addf %mul3A_34, %add3A_36 : vector<1x4096xf32>
    %rsqrt3A = math.rsqrt %add3A_37 : vector<1x4096xf32>
    %mul3A_38 = vector.broadcast %rsqrt3A : vector<1x4096xf32> to vector<312x4096xf32>
    %mul3A_39 = arith.mulf %sub3A_27, %mul3A_38 : vector<312x4096xf32>
    %get3A_40 = arith.constant 0 : index
    %get3A_41 = arith.constant 0 : index
    %get3A_42 = vector.load %arg7[%get3A_40, %get3A_41] : memref<312x1xf32, #tpu.memory_space<vmem>>, vector<312x1xf32>
    %mul3A_43 = vector.broadcast %get3A_42 : vector<312x1xf32> to vector<312x4096xf32>
    %mul3A_44 = arith.mulf %mul3A_39, %mul3A_43 : vector<312x4096xf32>
    %get3A_45 = arith.constant 0 : index
    %get3A_46 = arith.constant 0 : index
    %get3A_47 = vector.load %arg8[%get3A_45, %get3A_46] : memref<312x1xf32, #tpu.memory_space<vmem>>, vector<312x1xf32>
    %add3A_48 = vector.broadcast %get3A_47 : vector<312x1xf32> to vector<312x4096xf32>
    %add3A_49 = arith.addf %mul3A_44, %add3A_48 : vector<312x4096xf32>
    %reshape3A_50 = vector.shape_cast %add3A_49 : vector<312x4096xf32> to vector<1x312x4096xf32>
    %swap3A = arith.constant 0 : index
    %swap3A_51 = arith.constant 0 : index
    %swap3A_52 = arith.constant 0 : index
    %swap3A_53 = vector.load %arg9[%swap3A, %swap3A_51, %swap3A_52] : memref<1x312x4096xf32, #tpu.memory_space<vmem>>, vector<1x312x4096xf32>
    tpu.vector_store %arg9[%swap3A, %swap3A_51, %swap3A_52], %reshape3A_50 {strides = array<i32>} : memref<1x312x4096xf32, #tpu.memory_space<vmem>>, vector<1x312x4096xf32>,
    return
  }
  func.func @transform_1(%arg0: i32, %arg1: i32) -> (i32, i32) {
    %mul3A = arith.constant 1 : i32
    %mul3A_0 = arith.muli %arg0, %mul3A : i32
    %add3A = arith.addi %mul3A_0, %arg1 : i32
    %c0_i32 = arith.constant 0 : i32
    %c0_i32_1 = arith.constant 0 : i32
    return %add3A, %c0_i32 : i32, i32
  }
  func.func @transform_2(%arg0: i32, %arg1: i32) -> (i32, i32, i32) {
    %add3A = arith.constant 1 : i32
    %add3A_0 = arith.addi %arg1, %add3A : i32
    %c0_i32 = arith.constant 0 : i32
    %c0_i32_1 = arith.constant 0 : i32
    return %arg0, %c0_i32, %add3A_0 : i32, i32, i32
  }
  func.func @transform_3(%arg0: i32, %arg1: i32) -> (i32, i32) {
    %c0_i32 = arith.constant 0 : i32
    %c0_i32_0 = arith.constant 0 : i32
    %c0_i32_1 = arith.constant 0 : i32
    return %c0_i32, %c0_i32_0 : i32, i32
  }
  func.func @transform_4(%arg0: i32, %arg1: i32) -> (i32, i32) {
    %c0_i32 = arith.constant 0 : i32
    %c0_i32_0 = arith.constant 0 : i32
    %c0_i32_1 = arith.constant 0 : i32
    return %c0_i32, %c0_i32_0 : i32, i32
  }
  func.func @transform_5(%arg0: i32, %arg1: i32) -> (i32, i32) {
    %c0_i32 = arith.constant 0 : i32
    %c0_i32_0 = arith.constant 0 : i32
    %c0_i32_1 = arith.constant 0 : i32
    return %c0_i32, %c0_i32_0 : i32, i32
  }
  func.func @transform_6(%arg0: i32, %arg1: i32) -> (i32, i32) {
    %c0_i32 = arith.constant 0 : i32
    %c0_i32_0 = arith.constant 0 : i32
    %c0_i32_1 = arith.constant 0 : i32
    return %c0_i32, %c0_i32_0 : i32, i32
  }
  func.func @transform_7(%arg0: i32, %arg1: i32) -> (i32, i32, i32) {
    %add3A = arith.constant 1 : i32
    %add3A_0 = arith.addi %arg1, %add3A : i32
    %c0_i32 = arith.constant 0 : i32
    %c0_i32_1 = arith.constant 0 : i32
    return %arg0, %c0_i32, %add3A_0 : i32, i32, i32
  }
}

module attributes {stable_mosaic.version = 14 : i64} {
  func.func @_dense_body_acc(%arg0: i32, %arg1: i32, %arg2: memref<20x312x16384xf32, #tpu.memory_space<any>>, %arg3: memref<4096x128xf32, #tpu.memory_space<vmem>>, %arg4: memref<1x1x4096xi32, #tpu.memory_space<vmem>>, %arg5: memref<128x312xf32, #tpu.memory_space<vmem>>, %arg6: memref<64x312xf32, #tpu.memory_space<vmem>>, %arg7: memref<312x1xf32, #tpu.memory_space<vmem>>, %arg8: memref<312x1xf32, #tpu.memory_space<vmem>>, %arg9: memref<1x312x4096xf32, #tpu.memory_space<vmem>>) attributes {dimension_semantics = [#tpu.dimension_semantics<arbitrary>, #tpu.dimension_semantics<arbitrary>], iteration_bounds = array<i64: 20, 1>, scalar_prefetch = 0 : i64, scratch_operands = 0 : i64, tpu.core_type = #tpu.core_type<tc>, window_params = [{}, {transform_indices = @transform_1, window_bounds = array<i64: 4096, 128>}, {transform_indices = @transform_2, window_bounds = array<i64: 1, 1, 4096>}, {pipeline_mode = #tpu.pipeline_mode<synchronous>, transform_indices = @transform_3, window_bounds = array<i64: 128, 312>}, {pipeline_mode = #tpu.pipeline_mode<synchronous>, transform_indices = @transform_4, window_bounds = array<i64: 64, 312>}, {pipeline_mode = #tpu.pipeline_mode<synchronous>, transform_indices = @transform_5, window_bounds = array<i64: 312, 1>}, {pipeline_mode = #tpu.pipeline_mode<synchronous>, transform_indices = @transform_6, window_bounds = array<i64: 312, 1>}, {transform_indices = @transform_7, window_bounds = array<i64: 1, 312, 4096>}]} {
    %get3A = arith.constant 0 : index
    %get3A_0 = arith.constant 0 : index
    %get3A_1 = vector.load %arg3[%get3A, %get3A_0] : memref<4096x128xf32, #tpu.memory_space<vmem>>, vector<4096x128xf32>
    %get3A_2 = arith.constant 0 : index
    %get3A_3 = arith.constant 0 : index
    %get3A_4 = vector.load %arg5[%get3A_2, %get3A_3] : memref<128x312xf32, #tpu.memory_space<vmem>>, vector<128x312xf32>
    %dot_general3A = arith.constant dense<0.000000e+00> : vector<312x4096xf32>
    %dot_general3A_5 = tpu.matmul %get3A_4, %get3A_1, %dot_general3A {dimension_numbers = #tpu.dot_dimension_numbers<[0], [1], [1], [0], [0, 1, 1, 0], [], []>, transpose_lhs_hint = false} : vector<128x312xf32>, vector<4096x128xf32>, vector<312x4096xf32> -> vector<312x4096xf32>
    %get3A_6 = arith.constant 0 : index
    %get3A_7 = arith.constant 0 : index
    %get3A_8 = arith.constant 0 : index
    %get3A_9 = vector.load %arg4[%get3A_6, %get3A_7, %get3A_8] : memref<1x1x4096xi32, #tpu.memory_space<vmem>>, vector<1x1x4096xi32>
    %reshape3A = vector.shape_cast %get3A_9 : vector<1x1x4096xi32> to vector<1x4096xi32>
    %mul3A = arith.constant 3 : i32
    %mul3A_10 = arith.muli %arg0, %mul3A : i32
    %add3A = vector.broadcast %mul3A_10 : i32 to vector<1x4096xi32>
    %add3A_11 = arith.addi %add3A, %reshape3A : vector<1x4096xi32>
    %broadcast_in_dim3A = vector.shape_cast %add3A_11 : vector<1x4096xi32> to vector<1x4096xi32>
    %broadcast_in_dim3A_12 = vector.broadcast %broadcast_in_dim3A : vector<1x4096xi32> to vector<64x4096xi32>
    %iota3A = tpu.iota {dimensions = array<i32: 0>} : vector<64x4096xi32>
    %eq3A = arith.cmpi eq, %broadcast_in_dim3A_12, %iota3A : vector<64x4096xi32>
    %jit3A = arith.constant 1.000000e+00 : f32
    %jit3A_13 = arith.constant 0.000000e+00 : f32
    %broadcast_in_dim3A_14 = vector.broadcast %jit3A : f32 to vector<64x4096xf32>
    %broadcast_in_dim3A_15 = vector.broadcast %jit3A_13 : f32 to vector<64x4096xf32>
    %select_n3A = arith.select %eq3A, %broadcast_in_dim3A_14, %broadcast_in_dim3A_15 : vector<64x4096xi1>, vector<64x4096xf32>
    %get3A_16 = arith.constant 0 : index
    %get3A_17 = arith.constant 0 : index
    %get3A_18 = vector.load %arg6[%get3A_16, %get3A_17] : memref<64x312xf32, #tpu.memory_space<vmem>>, vector<64x312xf32>
    %dot_general3A_19 = arith.constant dense<0.000000e+00> : vector<312x4096xf32>
    %dot_general3A_20 = tpu.matmul %get3A_18, %select_n3A, %dot_general3A_19 {dimension_numbers = #tpu.dot_dimension_numbers<[0], [0], [1], [1], [0, 1, 1, 1], [], []>, transpose_lhs_hint = false} : vector<64x312xf32>, vector<64x4096xf32>, vector<312x4096xf32> -> vector<312x4096xf32>
    %add3A_21 = arith.addf %dot_general3A_5, %dot_general3A_20 : vector<312x4096xf32>
    %reduce_sum3A = arith.constant dense<0.000000e+00> : vector<4096xf32>
    %reduce_sum3A_22 = vector.multi_reduction <add>, %add3A_21, %reduce_sum3A [0] : vector<312x4096xf32> to vector<4096xf32>
    %broadcast_in_dim3A_23 = vector.shape_cast %reduce_sum3A_22 : vector<4096xf32> to vector<1x4096xf32>
    %mul3A_24 = arith.constant 0.00320512825 : f32
    %mul3A_25 = vector.broadcast %mul3A_24 : f32 to vector<1x4096xf32>
    %mul3A_26 = arith.mulf %broadcast_in_dim3A_23, %mul3A_25 : vector<1x4096xf32>
    %sub3A = vector.broadcast %mul3A_26 : vector<1x4096xf32> to vector<312x4096xf32>
    %sub3A_27 = arith.subf %add3A_21, %sub3A : vector<312x4096xf32>
    %mul3A_28 = arith.mulf %sub3A_27, %sub3A_27 : vector<312x4096xf32>
    %reduce_sum3A_29 = arith.constant dense<0.000000e+00> : vector<4096xf32>
    %reduce_sum3A_30 = vector.multi_reduction <add>, %mul3A_28, %reduce_sum3A_29 [0] : vector<312x4096xf32> to vector<4096xf32>
    %broadcast_in_dim3A_31 = vector.shape_cast %reduce_sum3A_30 : vector<4096xf32> to vector<1x4096xf32>
    %mul3A_32 = arith.constant 0.00320512825 : f32
    %mul3A_33 = vector.broadcast %mul3A_32 : f32 to vector<1x4096xf32>
    %mul3A_34 = arith.mulf %broadcast_in_dim3A_31, %mul3A_33 : vector<1x4096xf32>
    %add3A_35 = arith.constant 9.99999996E-13 : f32
    %add3A_36 = vector.broadcast %add3A_35 : f32 to vector<1x4096xf32>
    %add3A_37 = arith.addf %mul3A_34, %add3A_36 : vector<1x4096xf32>
    %rsqrt3A = math.rsqrt %add3A_37 : vector<1x4096xf32>
    %mul3A_38 = vector.broadcast %rsqrt3A : vector<1x4096xf32> to vector<312x4096xf32>
    %mul3A_39 = arith.mulf %sub3A_27, %mul3A_38 : vector<312x4096xf32>
    %get3A_40 = arith.constant 0 : index
    %get3A_41 = arith.constant 0 : index
    %get3A_42 = vector.load %arg7[%get3A_40, %get3A_41] : memref<312x1xf32, #tpu.memory_space<vmem>>, vector<312x1xf32>
    %mul3A_43 = vector.broadcast %get3A_42 : vector<312x1xf32> to vector<312x4096xf32>
    %mul3A_44 = arith.mulf %mul3A_39, %mul3A_43 : vector<312x4096xf32>
    %get3A_45 = arith.constant 0 : index
    %get3A_46 = arith.constant 0 : index
    %get3A_47 = vector.load %arg8[%get3A_45, %get3A_46] : memref<312x1xf32, #tpu.memory_space<vmem>>, vector<312x1xf32>
    %add3A_48 = vector.broadcast %get3A_47 : vector<312x1xf32> to vector<312x4096xf32>
    %add3A_49 = arith.addf %mul3A_44, %add3A_48 : vector<312x4096xf32>
    %reshape3A_50 = vector.shape_cast %add3A_49 : vector<312x4096xf32> to vector<1x312x4096xf32>
    %swap3A = arith.constant 0 : index
    %swap3A_51 = arith.constant 0 : index
    %swap3A_52 = arith.constant 0 : index
    %swap3A_53 = vector.load %arg9[%swap3A, %swap3A_51, %swap3A_52] : memref<1x312x4096xf32, #tpu.memory_space<vmem>>, vector<1x312x4096xf32>
    tpu.vector_store %arg9[%swap3A, %swap3A_51, %swap3A_52], %reshape3A_50 {strides = array<i32>} : memref<1x312x4096xf32, #tpu.memory_space<vmem>>, vector<1x312x4096xf32>,
    return
  }
  func.func @transform_1(%arg0: i32, %arg1: i32) -> (i32, i32) {
    %mul3A = arith.constant 1 : i32
    %mul3A_0 = arith.muli %arg0, %mul3A : i32
    %add3A = arith.addi %mul3A_0, %arg1 : i32
    %c0_i32 = arith.constant 0 : i32
    %c0_i32_1 = arith.constant 0 : i32
    return %add3A, %c0_i32 : i32, i32
  }
  func.func @transform_2(%arg0: i32, %arg1: i32) -> (i32, i32, i32) {
    %add3A = arith.constant 2 : i32
    %add3A_0 = arith.addi %arg1, %add3A : i32
    %c0_i32 = arith.constant 0 : i32
    %c0_i32_1 = arith.constant 0 : i32
    return %arg0, %c0_i32, %add3A_0 : i32, i32, i32
  }
  func.func @transform_3(%arg0: i32, %arg1: i32) -> (i32, i32) {
    %c0_i32 = arith.constant 0 : i32
    %c0_i32_0 = arith.constant 0 : i32
    %c0_i32_1 = arith.constant 0 : i32
    return %c0_i32, %c0_i32_0 : i32, i32
  }
  func.func @transform_4(%arg0: i32, %arg1: i32) -> (i32, i32) {
    %c0_i32 = arith.constant 0 : i32
    %c0_i32_0 = arith.constant 0 : i32
    %c0_i32_1 = arith.constant 0 : i32
    return %c0_i32, %c0_i32_0 : i32, i32
  }
  func.func @transform_5(%arg0: i32, %arg1: i32) -> (i32, i32) {
    %c0_i32 = arith.constant 0 : i32
    %c0_i32_0 = arith.constant 0 : i32
    %c0_i32_1 = arith.constant 0 : i32
    return %c0_i32, %c0_i32_0 : i32, i32
  }
  func.func @transform_6(%arg0: i32, %arg1: i32) -> (i32, i32) {
    %c0_i32 = arith.constant 0 : i32
    %c0_i32_0 = arith.constant 0 : i32
    %c0_i32_1 = arith.constant 0 : i32
    return %c0_i32, %c0_i32_0 : i32, i32
  }
  func.func @transform_7(%arg0: i32, %arg1: i32) -> (i32, i32, i32) {
    %add3A = arith.constant 2 : i32
    %add3A_0 = arith.addi %arg1, %add3A : i32
    %c0_i32 = arith.constant 0 : i32
    %c0_i32_1 = arith.constant 0 : i32
    return %arg0, %c0_i32, %add3A_0 : i32, i32, i32
  }
}

module attributes {stable_mosaic.version = 14 : i64} {
  func.func @_dense_body_acc(%arg0: i32, %arg1: i32, %arg2: memref<20x312x16384xf32, #tpu.memory_space<any>>, %arg3: memref<4096x128xf32, #tpu.memory_space<vmem>>, %arg4: memref<1x1x4096xi32, #tpu.memory_space<vmem>>, %arg5: memref<128x312xf32, #tpu.memory_space<vmem>>, %arg6: memref<64x312xf32, #tpu.memory_space<vmem>>, %arg7: memref<312x1xf32, #tpu.memory_space<vmem>>, %arg8: memref<312x1xf32, #tpu.memory_space<vmem>>, %arg9: memref<1x312x4096xf32, #tpu.memory_space<vmem>>) attributes {dimension_semantics = [#tpu.dimension_semantics<arbitrary>, #tpu.dimension_semantics<arbitrary>], iteration_bounds = array<i64: 20, 1>, scalar_prefetch = 0 : i64, scratch_operands = 0 : i64, tpu.core_type = #tpu.core_type<tc>, window_params = [{}, {transform_indices = @transform_1, window_bounds = array<i64: 4096, 128>}, {transform_indices = @transform_2, window_bounds = array<i64: 1, 1, 4096>}, {pipeline_mode = #tpu.pipeline_mode<synchronous>, transform_indices = @transform_3, window_bounds = array<i64: 128, 312>}, {pipeline_mode = #tpu.pipeline_mode<synchronous>, transform_indices = @transform_4, window_bounds = array<i64: 64, 312>}, {pipeline_mode = #tpu.pipeline_mode<synchronous>, transform_indices = @transform_5, window_bounds = array<i64: 312, 1>}, {pipeline_mode = #tpu.pipeline_mode<synchronous>, transform_indices = @transform_6, window_bounds = array<i64: 312, 1>}, {transform_indices = @transform_7, window_bounds = array<i64: 1, 312, 4096>}]} {
    %get3A = arith.constant 0 : index
    %get3A_0 = arith.constant 0 : index
    %get3A_1 = vector.load %arg3[%get3A, %get3A_0] : memref<4096x128xf32, #tpu.memory_space<vmem>>, vector<4096x128xf32>
    %get3A_2 = arith.constant 0 : index
    %get3A_3 = arith.constant 0 : index
    %get3A_4 = vector.load %arg5[%get3A_2, %get3A_3] : memref<128x312xf32, #tpu.memory_space<vmem>>, vector<128x312xf32>
    %dot_general3A = arith.constant dense<0.000000e+00> : vector<312x4096xf32>
    %dot_general3A_5 = tpu.matmul %get3A_4, %get3A_1, %dot_general3A {dimension_numbers = #tpu.dot_dimension_numbers<[0], [1], [1], [0], [0, 1, 1, 0], [], []>, transpose_lhs_hint = false} : vector<128x312xf32>, vector<4096x128xf32>, vector<312x4096xf32> -> vector<312x4096xf32>
    %get3A_6 = arith.constant 0 : index
    %get3A_7 = arith.constant 0 : index
    %get3A_8 = arith.constant 0 : index
    %get3A_9 = vector.load %arg4[%get3A_6, %get3A_7, %get3A_8] : memref<1x1x4096xi32, #tpu.memory_space<vmem>>, vector<1x1x4096xi32>
    %reshape3A = vector.shape_cast %get3A_9 : vector<1x1x4096xi32> to vector<1x4096xi32>
    %mul3A = arith.constant 3 : i32
    %mul3A_10 = arith.muli %arg0, %mul3A : i32
    %add3A = vector.broadcast %mul3A_10 : i32 to vector<1x4096xi32>
    %add3A_11 = arith.addi %add3A, %reshape3A : vector<1x4096xi32>
    %broadcast_in_dim3A = vector.shape_cast %add3A_11 : vector<1x4096xi32> to vector<1x4096xi32>
    %broadcast_in_dim3A_12 = vector.broadcast %broadcast_in_dim3A : vector<1x4096xi32> to vector<64x4096xi32>
    %iota3A = tpu.iota {dimensions = array<i32: 0>} : vector<64x4096xi32>
    %eq3A = arith.cmpi eq, %broadcast_in_dim3A_12, %iota3A : vector<64x4096xi32>
    %jit3A = arith.constant 1.000000e+00 : f32
    %jit3A_13 = arith.constant 0.000000e+00 : f32
    %broadcast_in_dim3A_14 = vector.broadcast %jit3A : f32 to vector<64x4096xf32>
    %broadcast_in_dim3A_15 = vector.broadcast %jit3A_13 : f32 to vector<64x4096xf32>
    %select_n3A = arith.select %eq3A, %broadcast_in_dim3A_14, %broadcast_in_dim3A_15 : vector<64x4096xi1>, vector<64x4096xf32>
    %get3A_16 = arith.constant 0 : index
    %get3A_17 = arith.constant 0 : index
    %get3A_18 = vector.load %arg6[%get3A_16, %get3A_17] : memref<64x312xf32, #tpu.memory_space<vmem>>, vector<64x312xf32>
    %dot_general3A_19 = arith.constant dense<0.000000e+00> : vector<312x4096xf32>
    %dot_general3A_20 = tpu.matmul %get3A_18, %select_n3A, %dot_general3A_19 {dimension_numbers = #tpu.dot_dimension_numbers<[0], [0], [1], [1], [0, 1, 1, 1], [], []>, transpose_lhs_hint = false} : vector<64x312xf32>, vector<64x4096xf32>, vector<312x4096xf32> -> vector<312x4096xf32>
    %add3A_21 = arith.addf %dot_general3A_5, %dot_general3A_20 : vector<312x4096xf32>
    %reduce_sum3A = arith.constant dense<0.000000e+00> : vector<4096xf32>
    %reduce_sum3A_22 = vector.multi_reduction <add>, %add3A_21, %reduce_sum3A [0] : vector<312x4096xf32> to vector<4096xf32>
    %broadcast_in_dim3A_23 = vector.shape_cast %reduce_sum3A_22 : vector<4096xf32> to vector<1x4096xf32>
    %mul3A_24 = arith.constant 0.00320512825 : f32
    %mul3A_25 = vector.broadcast %mul3A_24 : f32 to vector<1x4096xf32>
    %mul3A_26 = arith.mulf %broadcast_in_dim3A_23, %mul3A_25 : vector<1x4096xf32>
    %sub3A = vector.broadcast %mul3A_26 : vector<1x4096xf32> to vector<312x4096xf32>
    %sub3A_27 = arith.subf %add3A_21, %sub3A : vector<312x4096xf32>
    %mul3A_28 = arith.mulf %sub3A_27, %sub3A_27 : vector<312x4096xf32>
    %reduce_sum3A_29 = arith.constant dense<0.000000e+00> : vector<4096xf32>
    %reduce_sum3A_30 = vector.multi_reduction <add>, %mul3A_28, %reduce_sum3A_29 [0] : vector<312x4096xf32> to vector<4096xf32>
    %broadcast_in_dim3A_31 = vector.shape_cast %reduce_sum3A_30 : vector<4096xf32> to vector<1x4096xf32>
    %mul3A_32 = arith.constant 0.00320512825 : f32
    %mul3A_33 = vector.broadcast %mul3A_32 : f32 to vector<1x4096xf32>
    %mul3A_34 = arith.mulf %broadcast_in_dim3A_31, %mul3A_33 : vector<1x4096xf32>
    %add3A_35 = arith.constant 9.99999996E-13 : f32
    %add3A_36 = vector.broadcast %add3A_35 : f32 to vector<1x4096xf32>
    %add3A_37 = arith.addf %mul3A_34, %add3A_36 : vector<1x4096xf32>
    %rsqrt3A = math.rsqrt %add3A_37 : vector<1x4096xf32>
    %mul3A_38 = vector.broadcast %rsqrt3A : vector<1x4096xf32> to vector<312x4096xf32>
    %mul3A_39 = arith.mulf %sub3A_27, %mul3A_38 : vector<312x4096xf32>
    %get3A_40 = arith.constant 0 : index
    %get3A_41 = arith.constant 0 : index
    %get3A_42 = vector.load %arg7[%get3A_40, %get3A_41] : memref<312x1xf32, #tpu.memory_space<vmem>>, vector<312x1xf32>
    %mul3A_43 = vector.broadcast %get3A_42 : vector<312x1xf32> to vector<312x4096xf32>
    %mul3A_44 = arith.mulf %mul3A_39, %mul3A_43 : vector<312x4096xf32>
    %get3A_45 = arith.constant 0 : index
    %get3A_46 = arith.constant 0 : index
    %get3A_47 = vector.load %arg8[%get3A_45, %get3A_46] : memref<312x1xf32, #tpu.memory_space<vmem>>, vector<312x1xf32>
    %add3A_48 = vector.broadcast %get3A_47 : vector<312x1xf32> to vector<312x4096xf32>
    %add3A_49 = arith.addf %mul3A_44, %add3A_48 : vector<312x4096xf32>
    %reshape3A_50 = vector.shape_cast %add3A_49 : vector<312x4096xf32> to vector<1x312x4096xf32>
    %swap3A = arith.constant 0 : index
    %swap3A_51 = arith.constant 0 : index
    %swap3A_52 = arith.constant 0 : index
    %swap3A_53 = vector.load %arg9[%swap3A, %swap3A_51, %swap3A_52] : memref<1x312x4096xf32, #tpu.memory_space<vmem>>, vector<1x312x4096xf32>
    tpu.vector_store %arg9[%swap3A, %swap3A_51, %swap3A_52], %reshape3A_50 {strides = array<i32>} : memref<1x312x4096xf32, #tpu.memory_space<vmem>>, vector<1x312x4096xf32>,
    return
  }
  func.func @transform_1(%arg0: i32, %arg1: i32) -> (i32, i32) {
    %mul3A = arith.constant 1 : i32
    %mul3A_0 = arith.muli %arg0, %mul3A : i32
    %add3A = arith.addi %mul3A_0, %arg1 : i32
    %c0_i32 = arith.constant 0 : i32
    %c0_i32_1 = arith.constant 0 : i32
    return %add3A, %c0_i32 : i32, i32
  }
  func.func @transform_2(%arg0: i32, %arg1: i32) -> (i32, i32, i32) {
    %add3A = arith.constant 3 : i32
    %add3A_0 = arith.addi %arg1, %add3A : i32
    %c0_i32 = arith.constant 0 : i32
    %c0_i32_1 = arith.constant 0 : i32
    return %arg0, %c0_i32, %add3A_0 : i32, i32, i32
  }
  func.func @transform_3(%arg0: i32, %arg1: i32) -> (i32, i32) {
    %c0_i32 = arith.constant 0 : i32
    %c0_i32_0 = arith.constant 0 : i32
    %c0_i32_1 = arith.constant 0 : i32
    return %c0_i32, %c0_i32_0 : i32, i32
  }
  func.func @transform_4(%arg0: i32, %arg1: i32) -> (i32, i32) {
    %c0_i32 = arith.constant 0 : i32
    %c0_i32_0 = arith.constant 0 : i32
    %c0_i32_1 = arith.constant 0 : i32
    return %c0_i32, %c0_i32_0 : i32, i32
  }
  func.func @transform_5(%arg0: i32, %arg1: i32) -> (i32, i32) {
    %c0_i32 = arith.constant 0 : i32
    %c0_i32_0 = arith.constant 0 : i32
    %c0_i32_1 = arith.constant 0 : i32
    return %c0_i32, %c0_i32_0 : i32, i32
  }
  func.func @transform_6(%arg0: i32, %arg1: i32) -> (i32, i32) {
    %c0_i32 = arith.constant 0 : i32
    %c0_i32_0 = arith.constant 0 : i32
    %c0_i32_1 = arith.constant 0 : i32
    return %c0_i32, %c0_i32_0 : i32, i32
  }
  func.func @transform_7(%arg0: i32, %arg1: i32) -> (i32, i32, i32) {
    %add3A = arith.constant 3 : i32
    %add3A_0 = arith.addi %arg1, %add3A : i32
    %c0_i32 = arith.constant 0 : i32
    %c0_i32_1 = arith.constant 0 : i32
    return %arg0, %c0_i32, %add3A_0 : i32, i32, i32
  }
}

</mosaic_0001>

<sc_bundles>
// kernel: kernel.10.cloned.1.call-start
scs
__scs_entry_jumppad:
0x0: {  	(pc) =	sbr.rel $0x88, $3  }
0x1: {  	(tag) =	ssettag $0x0;
	lr =	simm.s32 $0x1  }
0x2: {  	[smem:$0x3F99] =	sst lr;
	_ =	strace $0xD0000000  }
0x3: {  	_ = 	snop  }
0x4: {  	_ = 	snop  }
0x5: {  	_ = 	snop  }
0x6: {  	_ = 	snop  }
0x7: {  	_ = 	snop  }
__scs_overlays_trampoline_lowered:
0x8: {  	[smem:$0x3FA8] =	sst s0  }
0x9: {  	[smem:$0x3FA9] =	sst s1  }
0xa: {  	[smem:$0x3FAA] =	sst s2  }
0xb: {  	[smem:$0x3FAB] =	sst s3  }
0xc: {  	[smem:$0x3FAC] =	sst s4  }
0xd: {  	[smem:$0x3FAD] =	sst s5  }
0xe: {  	[smem:$0x3FAE] =	sst s6  }
0xf: {  	[smem:$0x3FAF] =	sst s7  }
0x10: {  	[smem:$0x3FB0] =	sst s8  }
0x11: {  	[smem:$0x3FB1] =	sst s9;
	s0 =	simm.s32 @!p0 $0x0  }
0x12: {  	s1 =	sld [smem:$0x3F97];
	s0 =	simm.s32 @p0 $0x1  }
0x13: {  	[smem:$0x3FB2] =	sst s0;
	s0 =	simm.s32 @!p1 $0x0  }
0x14: {  	s2 =	sld [smem:$0x3F96];
	s0 =	simm.s32 @p1 $0x1  }
0x15: {  	[smem:$0x3FB3] =	sst s0;
	s0 =	simm.s32 @!p2 $0x0  }
0x16: {  	s3 =	sld [smem:$0x3FDB];
	s0 =	simm.s32 @p2 $0x1  }
0x17: {  	s4 =	simm.s32 $0x1BF5;
	[smem:$0x3FB5] =	sst s0  }
0x18: {  	s0 =	sld [smem:$0x3F98];
	_ =	swait.ge [sflag:s4], $0x0  }
0x19: {  	s7 =	sld [smem:$0x3F99]  }
0x1a: {  	s8 =	sadd.s32 $0xFFFFE003, lr  }
0x1b: {  	s9 =	sadd.s32 $0xFFFFFEF7, lr;
	s5 =	simm.s32 $0xFFFFFFFF;
	p2 =	slt.u32 s8, $0xFFFFF086  }
0x1c: {  	p1 =	slt.u32 s9, $0xF7A;
	s5 =	simm.s32 @!p2 $0x0  }
0x1d: {  	s5 =	simm.s32 @p1 $0x1;
	p0 =	seq.s32 s7, s2  }
0x1e: {  	s7 =	smul.u32 @!p0 $0xF7A, s2;
	p2 =	seq.s32 @!p0 s5, $0x0  }
0x1f: {  	s9 =	smul.u32 $0xF7A, s1;
	s8 =	simm.s32 @!p0 $0x1BF5;
	p2 =	por !p2, p0  }
0x20: {  	[sflag:s8] =	ssyncset.s32 @!p0 $0xFFFFF086;
	s6 =	sadd.s32 @!p0 s3, s7;
	s7 =	simm.s32 @!p0 $0x108  }
0x21: {  	s3 =	sadd.s32 s3, s9;
	s6 =	sadd.s32 @!p0 $0x88, s6;
	s7 =	simm.s32 @p2 $0x1082  }
0x22: {  	[simem:s7], [sflag:s8] =	dma.local @!p0 [hbm:s6], $0xF7A  }
0x23: {  	s9 =	sor.u32 $0xD0000000, s2;
	s6 =	simm.s32 $0x108;
	_ =	swait.ge @!p0 [sflag:s8], $0x0  }
0x24: {  	s3 =	sadd.s32 $0x88, s3;
	s6 =	simm.s32 @!p1 $0x1082;
	[sflag:s4] =	ssyncset.s32 $0xFFFFF086  }
0x25: {  	[simem:s6], [sflag:s4] =	dma.local [hbm:s3], $0xF7A  }
0x26: {  	[smem:$0x3F99] =	sst s1;
	(tag) =	ssettag s2;
	_ =	strace s9  }
0x27: {  	s1 =	sld [smem:$0x3FA9]  }
0x28: {  	s2 =	sld [smem:$0x3FAA]  }
0x29: {  	s4 =	sld [smem:$0x3FAC]  }
0x2a: {  	p0 =	seq.s32 s5, $0x0;
	s5 =	sld [smem:$0x3FAD]  }
0x2b: {  	s6 =	sld [smem:$0x3FAE]  }
0x2c: {  	s7 =	sld [smem:$0x3FAF]  }
0x2d: {  	s3 =	simm.s32 $0x108;
	s8 =	sld [smem:$0x3FB0]  }
0x2e: {  	s3 =	simm.s32 @!p0 $0x1082;
	s9 =	sld [smem:$0x3FB1]  }
0x2f: {  	lr =	sadd.s32 s0, s3;
	s0 =	sld [smem:$0x3FA8]  }
0x30: {  	s3 =	sld [smem:$0x3FAB]  }
0x31: {  	[smem:$0x3FB4] =	sst s10  }
0x32: {  	s10 =	sld [smem:$0x3FB2];
	_ =	sdelay $0x3  }
0x33: {  	p0 =	seq.s32 s10, $0x1;
	s10 =	sld [smem:$0x3FB4];
	_ =	sdelay $0x3  }
0x34: {  	[smem:$0x3FB4] =	sst s10  }
0x35: {  	s10 =	sld [smem:$0x3FB3];
	_ =	sdelay $0x3  }
0x36: {  	p1 =	seq.s32 s10, $0x1;
	s10 =	sld [smem:$0x3FB4];
	_ =	sdelay $0x3  }
0x37: {  	[smem:$0x3FB4] =	sst s10  }
0x38: {  	s10 =	sld [smem:$0x3FB5]  }
0x39: {  	_ = 	snop;
	(pc) =	sbr.ind lr, $3  }
0x3a: {  	_ = 	snop  }
0x3b: {  	_ = 	snop  }
0x3c: {  	p2 =	seq.s32 s10, $0x1;
	s10 =	sld [smem:$0x3FB4]  }
0x3d: {  	_ =	shalt  }
0x3e: {  	_ =	shalt  }
0x3f: {  	_ =	shalt  }
0x40: {  	_ =	shalt  }
0x41: {  	_ =	shalt  }
0x42: {  	_ =	shalt  }
0x43: {  	_ =	shalt  }
0x44: {  	_ =	shalt  }
0x45: {  	_ =	shalt  }
0x46: {  	_ =	shalt  }
0x47: {  	_ =	shalt  }
0x48: {  	_ =	shalt  }
0x49: {  	_ =	shalt  }
0x4a: {  	_ =	shalt  }
0x4b: {  	_ =	shalt  }
0x4c: {  	_ =	shalt  }
0x4d: {  	_ =	shalt  }
0x4e: {  	_ =	shalt  }
0x4f: {  	_ =	shalt  }
0x50: {  	_ =	shalt  }
0x51: {  	_ =	shalt  }
0x52: {  	_ =	shalt  }
0x53: {  	_ =	shalt  }
0x54: {  	_ =	shalt  }
0x55: {  	_ =	shalt  }
0x56: {  	_ =	shalt  }
0x57: {  	_ =	shalt  }
0x58: {  	_ =	shalt  }
0x59: {  	_ =	shalt  }
0x5a: {  	_ =	shalt  }
0x5b: {  	_ =	shalt  }
0x5c: {  	_ =	shalt  }
0x5d: {  	_ =	shalt  }
0x5e: {  	_ =	shalt  }
0x5f: {  	_ =	shalt  }
0x60: {  	_ =	shalt  }
0x61: {  	_ =	shalt  }
0x62: {  	_ =	shalt  }
0x63: {  	_ =	shalt  }
0x64: {  	_ =	shalt  }
0x65: {  	_ =	shalt  }
0x66: {  	_ =	shalt  }
0x67: {  	_ =	shalt  }
0x68: {  	_ =	shalt  }
0x69: {  	_ =	shalt  }
0x6a: {  	_ =	shalt  }
0x6b: {  	_ =	shalt  }
0x6c: {  	_ =	shalt  }
0x6d: {  	_ =	shalt  }
0x6e: {  	_ =	shalt  }
0x6f: {  	_ =	shalt  }
0x70: {  	_ =	shalt  }
0x71: {  	_ =	shalt  }
0x72: {  	_ =	shalt  }
0x73: {  	_ =	shalt  }
0x74: {  	_ =	shalt  }
0x75: {  	_ =	shalt  }
0x76: {  	_ =	shalt  }
0x77: {  	_ =	shalt  }
0x78: {  	_ =	shalt  }
0x79: {  	_ =	shalt  }
0x7a: {  	_ =	shalt  }
0x7b: {  	_ =	shalt  }
0x7c: {  	_ =	shalt  }
0x7d: {  	_ =	shalt  }
0x7e: {  	_ =	shalt  }
0x7f: {  	_ =	shalt  }
0x80: {  	_ =	shalt  }
0x81: {  	_ =	shalt  }
0x82: {  	_ =	shalt  }
0x83: {  	_ =	shalt  }
0x84: {  	_ =	shalt  }
0x85: {  	_ =	shalt  }
0x86: {  	_ =	shalt  }
0x87: {  	_ =	shalt  }
.Lfunc_end0:
.L_simem_size_0:
called_computation_lowered:
.L_overlay_start_0:
0x88: {  	s2 =	sld [smem:$0x3FD9]  }
0x89: {  	s3 =	sld [smem:$0x3FFE];
	_ =	sdelay $0x1  }
0x8a: {  	s1 =	srdreg.scid  }
0x8b: {  	s0 =	sand.u32 $0x1, s1  }
0x8c: {  	s17 =	sshll.u32 s0, $0xA;
	s2 =	sadd.s32 s3, s2  }
0x8d: {  	s2 =	sadd.s32 s2, s17  }
0x8e: {  	[smem:$0x3FC0] =	sst s2  }
0x8f: {  	_ = 	snop  }
0x90: {  	s2 =	sld [smem:$0x3FC7];
	(tm) =	ssettm $0x1  }
0x91: {  	s18 =	sld [smem:$0x3FFB];
	_ =	sdelay $0x3  }
0x92: {  	_ =	strace s18  }
0x93: {  	s3 =	sld [smem:$0x3FFC];
	_ =	sdelay $0x3  }
0x94: {  	_ =	strace s3  }
0x95: {  	s3 =	sld [smem:$0x3FFD];
	_ =	sdelay $0x3  }
0x96: {  	_ =	strace s3  }
0x97: {  	_ =	strace $0x8FFFFFFF  }
0x98: {  	s19 =	sld [smem:$0x3FDB];
	_ =	sdelay $0x1  }
0x99: {  	s4 =	simm.s32 $_scs_section_size  }
0x9a: {  	s5 =	simm.s32 $_size__tile_overlayer_lowered;
	s6 =	simm.s32 $_tile_overlayer_lowered  }
0x9b: {  	s22 =	simm.s32 $0x1BFF;
	s21 =	sshll.u32 s6, $0x1;
	s3 =	sadd.s32 s4, s19  }
0x9c: {  	s7 =	simm.s32 $0x0;
	s20 =	sshll.u32 s5, $0x1;
	s5 =	sadd.s32 s21, s3  }
0x9d: {  	[timem:s7], [sflag:s22] =	dma.local [hbm:s5], s20  }
0x9e: {  	_ =	swait.ge [sflag:s22], s20  }
0x9f: {  	s4 =	ssub.s32 $0x0, s20;
	[sflag:s22] =	ssyncset.done $0x0  }
0xa0: {  	[sflag:s22] =	ssyncadd.s32 s4;
	_ =	sdelay $0x1  }
0xa1: {  	s23 =	simm.s32 $0x1B8B  }
0xa2: {  	_ =	swait.ge [sflag:s23], $0x1  }
0xa3: {  	[sflag:s23] =	ssyncset.done $0x0  }
0xa4: {  	s25 =	simm.s32 $0x1B8E;
	s24 =	sld [smem:$0x3FFE];
	[sflag:s23] =	ssyncadd.s32 $0xFFFFFFFF  }
0xa5: {  	s26 =	simm.s32 $execute0_lowered;
	[smem:$0x3FD2] =	sst s25  }
0xa6: {  	s5 =	sshll.u32 s26, $0x1;
	_ =	strace $0x80000046;
	[dreg:$0x1] =	wrdreg $0xFFFFFFFF  }
0xa7: {  	s28 =	simm.s32 $_size_execute0_lowered;
	s3 =	sadd.s32 s3, s5;
	[dreg:$0x0] =	wrdreg $0x0  }
0xa8: {  	s5 =	sshll.u32 s28, $0x1;
	[dreg:$0x2] =	wrdreg s3  }
0xa9: {  	[dreg:$0x3] =	wrdreg s5  }
0xaa: {  	[dreg:$0x4] =	wrdreg $0xC0  }
0xab: {  	_ =	task [dreg:s7], $0x5FFFF  }
0xac: {  	[dreg:$0x1] =	wrdreg $0xFFFFFFFF  }
0xad: {  	[dreg:$0x0] =	wrdreg $0x60  }
0xae: {  	[dreg:$0x2] =	wrdreg s2  }
0xaf: {  	[dreg:$0x3] =	wrdreg s24  }
0xb0: {  	[dreg:$0x4] =	wrdreg $0x9  }
0xb1: {  	_ =	task.clear_ibuf [dreg:s7], $0x5FFFF;
	_ =	strace $0x90000046  }
0xb2: {  	s29 =	simm.s32 $0x9;
	_ =	strace $0x80000048  }
0xb3: {  	_ =	swait.ge [sflag:s29], $0x1  }
0xb4: {  	[sflag:s29] =	ssyncadd.s32 $0xFFFFFFFF  }
0xb5: {  	_ =	strace $0x90000048  }
0xb6: {  	_ =	sfence  }
0xb7: {  	s30 =	sld [smem:$0x0];
	_ =	sdelay $0x2  }
0xb8: {  	s31 =	sshll.u32 s1, $0xD;
	s1 =	sshrl.u32 s1, $0x2  }
0xb9: {  	s3 =	sand.u32 $0x4000, s31;
	s1 =	sadd.s32 s1, s30  }
0xba: {  	s0 =	sor.u32 s3, s0;
	s1 =	sshll.u32 s1, $0x11  }
0xbb: {  	s0 =	sor.u32 s1, s0  }
0xbc: {  	s0 =	sadd.s32 $0x8F2B, s0  }
0xbd: {  	[sflag:s0] =	ssyncadd.remote.s32 $0x1  }
0xbe: {  	_ =	sfence.sel $0xFFFF  }
0xbf: {  	[dreg:$0x0] =	wrdreg $0xFFFFFFFF;
	(pc) =	sbr.abs _section_cstart, $3  }
0xc0: {  	[dreg:$0x1] =	wrdreg $0xFFFFFFFF  }
0xc1: {  	_ =	task.clear_ibuf [dreg:s7], $0x2FFFF;
	_ =	strace $0x9FFFFFFF  }
0xc2: {  	(tm) =	ssettm $0x7FFFFFFF  }
0xc3: {  	_ =	shalt  }
tec
execute0_lowered:
.L_overlay_start_1:
0x0: {  	(tag) =	ssettag $0x1  }
0x1: {  	s0 =	srdreg.scid;
	s2 =	rddreg [dreg:$0x0]  }
0x2: {  	s8 =	stileid.u32;
	s4 =	rddreg [dreg:$0x1]  }
0x3: {  	s3 =	simm.s32 $0x0;
	s15 =	simm.s32 $0x3;
	s16 =	simm.s32 $0x80  }
0x4: {  	s17 =	simm.s32 $0xC00;
	s18 =	simm.s32 $0x4C00;
	s20 =	simm.s32 $0x8C00  }
0x5: {  	s21 =	simm.s32 $0x1;
	s23 =	simm.s32 $0xCC00;
	s24 =	simm.s32 $0x2  }
0x6: {  	s0 =	sand.u32 $0x1, s0;
	s1 =	sshll.u32 s8, $0x1;
	s8 =	smul.u32 $0xA0000, s8  }
0x7: {  	s1 =	sor.u32 s0, s1;
	s6 =	ssub.s32 $0x2, s0;
	s0 =	smul.u32 $0x50000, s0  }
0x8: {  	s29 =	simm.s32 $0x0;
	[smem:$0x7FF] =	sst s3;
	s5 =	smul.u32 $0x180, s1  }
0x9: {  	_ =	strace $0x80000047;
	s7 =	sshrl.u32 s6, $0x1;
	s1 =	smul.u32 $0x50000, s1  }
0xa: {  	s6 =	ssub.s32 s6, s7;
	s11 =	sadd.s32 s0, s8;
	s5 =	sadd.s32 s5, s4  }
0xb: {  	s4 =	sadd.s32 $0x5000, s4;
	s9 =	sor.u32 $0x4000, s1;
	s28 =	sshrl.u32 s1, $0x3  }
0xc: {  	s1 =	sor.u32 $0x8000, s1;
	s6 =	smax.u32 s6, $0x1;
	s0 =	sadd.s32 $0x18000, s11  }
0xd: {  	s30 =	sadd.s32 $0x14000, s11;
	s12 =	sadd.s32 $0x1C000, s11;
	s13 =	sadd.s32 $0x10000, s11  }
.Ltmp0:
0xe: {  	s5 =	sadd.s32 $0x2000, s5;
	s7 =	sadd.s32 s4, s28;
	(pc) =	sbr.rel .LBB2_1-.Ltmp0, $4  }
0xf: {  	s9 =	sshrl.u32 s9, $0x3;
	s1 =	sshrl.u32 s1, $0x3;
	s0 =	sshrl.u32 s0, $0x3  }
0x10: {  	s31 =	sshrl.u32 s12, $0x3;
	[dreg:$0x3] =	wrdreg s5;
	s8 =	sadd.s32 s4, s9  }
0x11: {  	s9 =	sadd.s32 s4, s1;
	s10 =	sadd.s32 $0x1800, s7;
	s1 =	sshrl.u32 s30, $0x3  }
0x12: {  	s0 =	sadd.s32 s0, s4;
	s14 =	sadd.s32 s31, s4;
	s1 =	sadd.s32 s1, s4  }
.LBB2_4:
0x13: {  	s29 =	sadd.s32 $0x1, s29  }
0x14: {  	p0 =	sne.s32 s29, s6  }
.Ltmp1:
0x15: {  	_ = 	snop;
	(pc) =	sbr.rel @!p0 .LBB2_5-.Ltmp1, $4  }
0x16: {  	_ = 	snop  }
0x17: {  	_ =	swait.ge [sflag:s24], $0x4000  }
0x18: {  	[sflag:s24] =	ssyncset.done $0x0  }
0x19: {  	[sflag:s24] =	ssyncadd.s32 $0xFFFFC000  }
.LBB2_1:
0x1a: {  	s5 =	rddreg [dreg:$0x3]  }
0x1b: {  	[tilespmem:s3], [sflag:$0x3] =	stream.linear.gather [hbm4b:s5+s3], $0xA00, $0x38;
	[tilespmem:$0x10C00] =	vst v63  }
0x1c: {  	_ =	swait.ge [sflag:s15], $0xA00  }
0x1d: {  	[sflag:s15] =	ssyncset.done $0x0  }
0x1e: {  	[sflag:s15] =	ssyncadd.s32 $0xFFFFF600  }
0x1f: {  	[tilespmem:s17], [sflag:$0x1] =	stream.indirect.gather [hbm4b:s2+s16], $0x80, s3, s16, $0xb8;
	[tilespmem:$0x10C00] =	vst v63  }
0x20: {  	_ = 	snop  }
0x21: {  	[tilespmem:s18], [sflag:$0x1] =	stream.indirect.gather [hbm4b:s2+s16], $0x80, s16, s16, $0xb8;
	[tilespmem:$0x10C00] =	vst v63  }
0x22: {  	s19 =	simm.s32 $0x100  }
0x23: {  	[tilespmem:s20], [sflag:$0x1] =	stream.indirect.gather [hbm4b:s2+s16], $0x80, s19, s16, $0xb8;
	[tilespmem:$0x10C00] =	vst v63  }
0x24: {  	_ =	swait.ge [sflag:s21], $0x4000  }
0x25: {  	[sflag:s21] =	ssyncset.done $0x0  }
0x26: {  	[sflag:s21] =	ssyncadd.s32 $0xFFFFC000  }
0x27: {  	[hbm4b:s7+s3] =	stream.linear.scatter [tilespmem:s17], [sflag:$0x2], $0x4000, $0x38;
	[tilespmem:$0x10C00] =	vst v63  }
0x28: {  	s22 =	simm.s32 $0x180  }
0x29: {  	[tilespmem:s23], [sflag:$0x1] =	stream.indirect.gather [hbm4b:s2+s16], $0x80, s22, s16, $0xb8;
	[tilespmem:$0x10C00] =	vst v63  }
0x2a: {  	_ =	swait.ge [sflag:s21], $0x4000  }
0x2b: {  	[sflag:s21] =	ssyncset.done $0x0  }
0x2c: {  	[sflag:s21] =	ssyncadd.s32 $0xFFFFC000  }
0x2d: {  	[hbm4b:s8+s3] =	stream.linear.scatter [tilespmem:s18], [sflag:$0x2], $0x4000, $0x38;
	[tilespmem:$0x10C00] =	vst v63  }
0x2e: {  	_ =	swait.ge [sflag:s24], $0x4000  }
0x2f: {  	[sflag:s24] =	ssyncset.done $0x0  }
0x30: {  	s25 =	simm.s32 $0x200;
	[sflag:s24] =	ssyncadd.s32 $0xFFFFC000  }
0x31: {  	[tilespmem:s17], [sflag:$0x1] =	stream.indirect.gather [hbm4b:s2+s16], $0x80, s25, s16, $0xb8;
	[tilespmem:$0x10C00] =	vst v63  }
0x32: {  	_ =	swait.ge [sflag:s21], $0x4000  }
0x33: {  	[sflag:s21] =	ssyncset.done $0x0  }
0x34: {  	[sflag:s21] =	ssyncadd.s32 $0xFFFFC000  }
0x35: {  	[hbm4b:s9+s3] =	stream.linear.scatter [tilespmem:s20], [sflag:$0x2], $0x4000, $0x38;
	[tilespmem:$0x10C00] =	vst v63  }
0x36: {  	_ =	swait.ge [sflag:s24], $0x4000  }
0x37: {  	[sflag:s24] =	ssyncset.done $0x0  }
0x38: {  	s26 =	simm.s32 $0x280;
	[sflag:s24] =	ssyncadd.s32 $0xFFFFC000  }
0x39: {  	[tilespmem:s18], [sflag:$0x1] =	stream.indirect.gather [hbm4b:s2+s16], $0x80, s26, s16, $0xb8;
	[tilespmem:$0x10C00] =	vst v63  }
0x3a: {  	_ =	swait.ge [sflag:s21], $0x4000  }
0x3b: {  	[sflag:s21] =	ssyncset.done $0x0  }
0x3c: {  	[sflag:s21] =	ssyncadd.s32 $0xFFFFC000  }
0x3d: {  	[hbm4b:s10+s3] =	stream.linear.scatter [tilespmem:s23], [sflag:$0x2], $0x4000, $0x38;
	[tilespmem:$0x10C00] =	vst v63  }
0x3e: {  	s28 =	simm.s32 $0x300;
	s30 =	smov.u32 s14;
	_ =	swait.ge [sflag:s24], $0x4000  }
0x3f: {  	s31 =	smov.u32 s13;
	s12 =	smov.u32 s1;
	[sflag:s24] =	ssyncset.done $0x0  }
0x40: {  	s11 =	smov.u32 s0;
	s19 =	simm.s32 $0x0;
	[sflag:s24] =	ssyncadd.s32 $0xFFFFC000  }
0x41: {  	[tilespmem:s20], [sflag:$0x1] =	stream.indirect.gather [hbm4b:s2+s16], $0x80, s28, s16, $0xb8;
	[tilespmem:$0x10C00] =	vst v63  }
.LBB2_2:
0x42: {  	_ =	swait.ge [sflag:s21], $0x4000  }
0x43: {  	s22 =	sshrl.u32 s31, $0x3;
	[sflag:s21] =	ssyncset.done $0x0  }
0x44: {  	s22 =	sadd.s32 s4, s22;
	[sflag:s21] =	ssyncadd.s32 $0xFFFFC000  }
0x45: {  	[hbm4b:s22+s3] =	stream.linear.scatter [tilespmem:s17], [sflag:$0x2], $0x4000, $0x38;
	[tilespmem:$0x10C00] =	vst v63  }
0x46: {  	_ =	swait.ge [sflag:s24], $0x4000  }
0x47: {  	s22 =	sshra.s32 s19, $0x2;
	[sflag:s24] =	ssyncset.done $0x0  }
0x48: {  	s25 =	sadd.s32 $0x380, s22;
	[sflag:s24] =	ssyncadd.s32 $0xFFFFC000  }
0x49: {  	[tilespmem:s23], [sflag:$0x1] =	stream.indirect.gather [hbm4b:s2+s16], $0x80, s25, s16, $0xb8;
	[tilespmem:$0x10C00] =	vst v63  }
0x4a: {  	_ =	swait.ge [sflag:s21], $0x4000  }
0x4b: {  	[sflag:s21] =	ssyncset.done $0x0  }
0x4c: {  	[sflag:s21] =	ssyncadd.s32 $0xFFFFC000  }
0x4d: {  	[hbm4b:s12+s3] =	stream.linear.scatter [tilespmem:s18], [sflag:$0x2], $0x4000, $0x38;
	[tilespmem:$0x10C00] =	vst v63  }
0x4e: {  	p0 =	seq.s32 s19, $0x1800;
	_ =	swait.ge [sflag:s24], $0x4000  }
0x4f: {  	s28 =	simm.s32 @!p0 $0x80;
	s25 =	sshra.s32 @!p0 s19, $0x2;
	[sflag:s24] =	ssyncset.done $0x0  }
0x50: {  	s5 =	simm.s32 @!p0 $0xC00;
	s26 =	sadd.s32 @!p0 $0x400, s25;
	[sflag:s24] =	ssyncadd.s32 $0xFFFFC000  }
0x51: {  	[tilespmem:s5], [sflag:$0x1] =	stream.indirect.gather @!p0 [hbm4b:s2+s28], $0x80, s26, s28, $0xb8;
	[tilespmem:$0x10C00] =	vst v63  }
0x52: {  	_ =	swait.ge [sflag:s21], $0x4000  }
0x53: {  	[sflag:s21] =	ssyncset.done $0x0  }
0x54: {  	[sflag:s21] =	ssyncadd.s32 $0xFFFFC000  }
0x55: {  	[hbm4b:s11+s3] =	stream.linear.scatter [tilespmem:s20], [sflag:$0x2], $0x4000, $0x38;
	[tilespmem:$0x10C00] =	vst v63  }
0x56: {  	_ =	swait.ge [sflag:s24], $0x4000  }
0x57: {  	[sflag:s24] =	ssyncset.done $0x0  }
0x58: {  	s5 =	sadd.s32 @!p0 $0x480, s25;
	s25 =	simm.s32 @!p0 $0x4C00;
	[sflag:s24] =	ssyncadd.s32 $0xFFFFC000  }
0x59: {  	[tilespmem:s25], [sflag:$0x1] =	stream.indirect.gather @!p0 [hbm4b:s2+s28], $0x80, s5, s28, $0xb8;
	[tilespmem:$0x10C00] =	vst v63  }
0x5a: {  	_ =	swait.ge [sflag:s21], $0x4000  }
0x5b: {  	[sflag:s21] =	ssyncset.done $0x0  }
.Ltmp2:
0x5c: {  	[sflag:s21] =	ssyncadd.s32 $0xFFFFC000;
	(pc) =	sbr.rel @p0 .LBB2_4-.Ltmp2, $4  }
0x5d: {  	[hbm4b:s30+s3] =	stream.linear.scatter [tilespmem:s23], [sflag:$0x2], $0x4000, $0x38;
	[tilespmem:$0x10C00] =	vst v63  }
0x5e: {  	_ =	swait.ge [sflag:s24], $0x4000  }
0x5f: {  	[sflag:s24] =	ssyncset.done $0x0  }
0x60: {  	[sflag:s24] =	ssyncadd.s32 $0xFFFFC000  }
.Ltmp3:
0x61: {  	(pc) =	sbr.rel .LBB2_2-.Ltmp3, $4  }
0x62: {  	_ = 	snop  }
0x63: {  	s5 =	sadd.s32 $0x500, s22;
	s19 =	sadd.s32 $0x800, s19;
	s11 =	sadd.s32 $0x2000, s11  }
0x64: {  	s12 =	sadd.s32 $0x2000, s12;
	s31 =	sadd.s32 $0x10000, s31;
	s30 =	sadd.s32 $0x2000, s30  }
0x65: {  	[tilespmem:s20], [sflag:$0x1] =	stream.indirect.gather [hbm4b:s2+s16], $0x80, s5, s16, $0xb8;
	[tilespmem:$0x10C00] =	vst v63  }
.LBB2_5:
0x66: {  	_ =	sfence.sel $0x180000  }
0x67: {  	[bflag:$0x0] =	sbarrier.arrive $0xFFFF  }
0x68: {  	_ =	strace $0x90000047  }
0x69: {  	s0 =	stileid.u32;
	[bflag:$0x2] =	sbarrier.arrive $0xFFFF  }
0x6a: {  	p0 =	sne.s32 s0, $0x0;
	s0 =	rddreg [dreg:$0x2]  }
0x6b: {  	s0 =	sadd.s32 @!p0 $0x100000, s0  }
0x6c: {  	[sflag:s0] =	ssyncadd.tile.s32 @!p0 $0x1;
	_ =	shalt  }
.Lfunc_end2:
_tile_overlayer_lowered:
.L_overlay_start_2:
0x6d: {  	(tag) =	ssettag $0x2  }
0x6e: {  	s0 =	rddreg [dreg:$0x0];
	s2 =	stileid.u32  }
0x6f: {  	s1 =	rddreg [dreg:$0x1];
	p0 =	sne.s32 s2, $0x0  }
0x70: {  	s3 =	rddreg [dreg:$0x2];
	[bflag:$0x3] =	sbarrier.arrive $0xFFFF;
	s2 =	simm.s32 @!p0 $0x1C03  }
0x71: {  	[timem:s3], [sflag:s2] =	dma.local @!p0 [hbm:s0], s1  }
0x72: {  	s0 =	simm.s32 @!p0 $0x3  }
0x73: {  	_ =	swait.ge @!p0 [sflag:s0], s1  }
0x74: {  	s1 =	ssub.s32 @!p0 $0x0, s1;
	[sflag:s0] =	ssyncset.done @!p0 $0x0  }
0x75: {  	[sflag:s0] =	ssyncadd.s32 @!p0 s1  }
0x76: {  	[bflag:$0x3] =	sbarrier.arrive $0xFFFF  }
0x77: {  	_ =	shalt  }

// kernel: kernel.13.cloned.1.call-start
scs
__scs_entry_jumppad:
0x0: {  	(pc) =	sbr.rel $0x88, $3  }
0x1: {  	(tag) =	ssettag $0x0;
	lr =	simm.s32 $0x1  }
0x2: {  	[smem:$0x3F99] =	sst lr;
	_ =	strace $0xD0000000  }
0x3: {  	_ = 	snop  }
0x4: {  	_ = 	snop  }
0x5: {  	_ = 	snop  }
0x6: {  	_ = 	snop  }
0x7: {  	_ = 	snop  }
__scs_overlays_trampoline_lowered:
0x8: {  	[smem:$0x3FA8] =	sst s0  }
0x9: {  	[smem:$0x3FA9] =	sst s1  }
0xa: {  	[smem:$0x3FAA] =	sst s2  }
0xb: {  	[smem:$0x3FAB] =	sst s3  }
0xc: {  	[smem:$0x3FAC] =	sst s4  }
0xd: {  	[smem:$0x3FAD] =	sst s5  }
0xe: {  	[smem:$0x3FAE] =	sst s6  }
0xf: {  	[smem:$0x3FAF] =	sst s7  }
0x10: {  	[smem:$0x3FB0] =	sst s8  }
0x11: {  	[smem:$0x3FB1] =	sst s9;
	s0 =	simm.s32 @!p0 $0x0  }
0x12: {  	s1 =	sld [smem:$0x3F97];
	s0 =	simm.s32 @p0 $0x1  }
0x13: {  	[smem:$0x3FB2] =	sst s0;
	s0 =	simm.s32 @!p1 $0x0  }
0x14: {  	s2 =	sld [smem:$0x3F96];
	s0 =	simm.s32 @p1 $0x1  }
0x15: {  	[smem:$0x3FB3] =	sst s0;
	s0 =	simm.s32 @!p2 $0x0  }
0x16: {  	s3 =	sld [smem:$0x3FDB];
	s0 =	simm.s32 @p2 $0x1  }
0x17: {  	s4 =	simm.s32 $0x1BF5;
	[smem:$0x3FB5] =	sst s0  }
0x18: {  	s0 =	sld [smem:$0x3F98];
	_ =	swait.ge [sflag:s4], $0x0  }
0x19: {  	s7 =	sld [smem:$0x3F99]  }
0x1a: {  	s8 =	sadd.s32 $0xFFFFE003, lr  }
0x1b: {  	s9 =	sadd.s32 $0xFFFFFEF7, lr;
	s5 =	simm.s32 $0xFFFFFFFF;
	p2 =	slt.u32 s8, $0xFFFFF086  }
0x1c: {  	p1 =	slt.u32 s9, $0xF7A;
	s5 =	simm.s32 @!p2 $0x0  }
0x1d: {  	s5 =	simm.s32 @p1 $0x1;
	p0 =	seq.s32 s7, s2  }
0x1e: {  	s7 =	smul.u32 @!p0 $0xF7A, s2;
	p2 =	seq.s32 @!p0 s5, $0x0  }
0x1f: {  	s9 =	smul.u32 $0xF7A, s1;
	s8 =	simm.s32 @!p0 $0x1BF5;
	p2 =	por !p2, p0  }
0x20: {  	[sflag:s8] =	ssyncset.s32 @!p0 $0xFFFFF086;
	s6 =	sadd.s32 @!p0 s3, s7;
	s7 =	simm.s32 @!p0 $0x108  }
0x21: {  	s3 =	sadd.s32 s3, s9;
	s6 =	sadd.s32 @!p0 $0x88, s6;
	s7 =	simm.s32 @p2 $0x1082  }
0x22: {  	[simem:s7], [sflag:s8] =	dma.local @!p0 [hbm:s6], $0xF7A  }
0x23: {  	s9 =	sor.u32 $0xD0000000, s2;
	s6 =	simm.s32 $0x108;
	_ =	swait.ge @!p0 [sflag:s8], $0x0  }
0x24: {  	s3 =	sadd.s32 $0x88, s3;
	s6 =	simm.s32 @!p1 $0x1082;
	[sflag:s4] =	ssyncset.s32 $0xFFFFF086  }
0x25: {  	[simem:s6], [sflag:s4] =	dma.local [hbm:s3], $0xF7A  }
0x26: {  	[smem:$0x3F99] =	sst s1;
	(tag) =	ssettag s2;
	_ =	strace s9  }
0x27: {  	s1 =	sld [smem:$0x3FA9]  }
0x28: {  	s2 =	sld [smem:$0x3FAA]  }
0x29: {  	s4 =	sld [smem:$0x3FAC]  }
0x2a: {  	p0 =	seq.s32 s5, $0x0;
	s5 =	sld [smem:$0x3FAD]  }
0x2b: {  	s6 =	sld [smem:$0x3FAE]  }
0x2c: {  	s7 =	sld [smem:$0x3FAF]  }
0x2d: {  	s3 =	simm.s32 $0x108;
	s8 =	sld [smem:$0x3FB0]  }
0x2e: {  	s3 =	simm.s32 @!p0 $0x1082;
	s9 =	sld [smem:$0x3FB1]  }
0x2f: {  	lr =	sadd.s32 s0, s3;
	s0 =	sld [smem:$0x3FA8]  }
0x30: {  	s3 =	sld [smem:$0x3FAB]  }
0x31: {  	[smem:$0x3FB4] =	sst s10  }
0x32: {  	s10 =	sld [smem:$0x3FB2];
	_ =	sdelay $0x3  }
0x33: {  	p0 =	seq.s32 s10, $0x1;
	s10 =	sld [smem:$0x3FB4];
	_ =	sdelay $0x3  }
0x34: {  	[smem:$0x3FB4] =	sst s10  }
0x35: {  	s10 =	sld [smem:$0x3FB3];
	_ =	sdelay $0x3  }
0x36: {  	p1 =	seq.s32 s10, $0x1;
	s10 =	sld [smem:$0x3FB4];
	_ =	sdelay $0x3  }
0x37: {  	[smem:$0x3FB4] =	sst s10  }
0x38: {  	s10 =	sld [smem:$0x3FB5]  }
0x39: {  	_ = 	snop;
	(pc) =	sbr.ind lr, $3  }
0x3a: {  	_ = 	snop  }
0x3b: {  	_ = 	snop  }
0x3c: {  	p2 =	seq.s32 s10, $0x1;
	s10 =	sld [smem:$0x3FB4]  }
0x3d: {  	_ =	shalt  }
0x3e: {  	_ =	shalt  }
0x3f: {  	_ =	shalt  }
0x40: {  	_ =	shalt  }
0x41: {  	_ =	shalt  }
0x42: {  	_ =	shalt  }
0x43: {  	_ =	shalt  }
0x44: {  	_ =	shalt  }
0x45: {  	_ =	shalt  }
0x46: {  	_ =	shalt  }
0x47: {  	_ =	shalt  }
0x48: {  	_ =	shalt  }
0x49: {  	_ =	shalt  }
0x4a: {  	_ =	shalt  }
0x4b: {  	_ =	shalt  }
0x4c: {  	_ =	shalt  }
0x4d: {  	_ =	shalt  }
0x4e: {  	_ =	shalt  }
0x4f: {  	_ =	shalt  }
0x50: {  	_ =	shalt  }
0x51: {  	_ =	shalt  }
0x52: {  	_ =	shalt  }
0x53: {  	_ =	shalt  }
0x54: {  	_ =	shalt  }
0x55: {  	_ =	shalt  }
0x56: {  	_ =	shalt  }
0x57: {  	_ =	shalt  }
0x58: {  	_ =	shalt  }
0x59: {  	_ =	shalt  }
0x5a: {  	_ =	shalt  }
0x5b: {  	_ =	shalt  }
0x5c: {  	_ =	shalt  }
0x5d: {  	_ =	shalt  }
0x5e: {  	_ =	shalt  }
0x5f: {  	_ =	shalt  }
0x60: {  	_ =	shalt  }
0x61: {  	_ =	shalt  }
0x62: {  	_ =	shalt  }
0x63: {  	_ =	shalt  }
0x64: {  	_ =	shalt  }
0x65: {  	_ =	shalt  }
0x66: {  	_ =	shalt  }
0x67: {  	_ =	shalt  }
0x68: {  	_ =	shalt  }
0x69: {  	_ =	shalt  }
0x6a: {  	_ =	shalt  }
0x6b: {  	_ =	shalt  }
0x6c: {  	_ =	shalt  }
0x6d: {  	_ =	shalt  }
0x6e: {  	_ =	shalt  }
0x6f: {  	_ =	shalt  }
0x70: {  	_ =	shalt  }
0x71: {  	_ =	shalt  }
0x72: {  	_ =	shalt  }
0x73: {  	_ =	shalt  }
0x74: {  	_ =	shalt  }
0x75: {  	_ =	shalt  }
0x76: {  	_ =	shalt  }
0x77: {  	_ =	shalt  }
0x78: {  	_ =	shalt  }
0x79: {  	_ =	shalt  }
0x7a: {  	_ =	shalt  }
0x7b: {  	_ =	shalt  }
0x7c: {  	_ =	shalt  }
0x7d: {  	_ =	shalt  }
0x7e: {  	_ =	shalt  }
0x7f: {  	_ =	shalt  }
0x80: {  	_ =	shalt  }
0x81: {  	_ =	shalt  }
0x82: {  	_ =	shalt  }
0x83: {  	_ =	shalt  }
0x84: {  	_ =	shalt  }
0x85: {  	_ =	shalt  }
0x86: {  	_ =	shalt  }
0x87: {  	_ =	shalt  }
.Lfunc_end0:
.L_simem_size_0:
called_computation.1_lowered:
.L_overlay_start_0:
0x88: {  	s2 =	sld [smem:$0x3FD9]  }
0x89: {  	s3 =	sld [smem:$0x3FFE];
	_ =	sdelay $0x1  }
0x8a: {  	s1 =	srdreg.scid  }
0x8b: {  	s0 =	sand.u32 $0x1, s1  }
0x8c: {  	s17 =	sshll.u32 s0, $0xA;
	s2 =	sadd.s32 s3, s2  }
0x8d: {  	s2 =	sadd.s32 s2, s17  }
0x8e: {  	[smem:$0x3FC0] =	sst s2  }
0x8f: {  	_ = 	snop  }
0x90: {  	s18 =	sld [smem:$0x3FC7];
	(tm) =	ssettm $0x1  }
0x91: {  	s19 =	sld [smem:$0x3FFB];
	_ =	sdelay $0x3  }
0x92: {  	_ =	strace s19  }
0x93: {  	s2 =	sld [smem:$0x3FFC];
	_ =	sdelay $0x3  }
0x94: {  	_ =	strace s2  }
0x95: {  	s2 =	sld [smem:$0x3FFD];
	_ =	sdelay $0x3  }
0x96: {  	_ =	strace s2  }
0x97: {  	_ =	strace $0x8FFFFFFF  }
0x98: {  	s20 =	sld [smem:$0x3FDB];
	_ =	sdelay $0x1  }
0x99: {  	s4 =	simm.s32 $_scs_section_size  }
0x9a: {  	s5 =	simm.s32 $_size__tile_overlayer_lowered;
	s6 =	simm.s32 $_tile_overlayer_lowered  }
0x9b: {  	s7 =	simm.s32 $0x1BFF;
	s21 =	sshll.u32 s6, $0x1;
	s4 =	sadd.s32 s4, s20  }
0x9c: {  	s22 =	simm.s32 $0x0;
	s5 =	sshll.u32 s5, $0x1;
	s6 =	sadd.s32 s21, s4  }
0x9d: {  	[timem:s22], [sflag:s7] =	dma.local [hbm:s6], s5  }
0x9e: {  	_ =	swait.ge [sflag:s7], s5  }
0x9f: {  	s5 =	ssub.s32 $0x0, s5;
	[sflag:s7] =	ssyncset.done $0x0  }
0xa0: {  	[sflag:s7] =	ssyncadd.s32 s5;
	_ =	sdelay $0x1  }
0xa1: {  	s23 =	simm.s32 $0x1B8B  }
0xa2: {  	_ =	swait.ge [sflag:s23], $0x1  }
0xa3: {  	[sflag:s23] =	ssyncset.done $0x0  }
0xa4: {  	[sflag:s23] =	ssyncadd.s32 $0xFFFFFFFF  }
0xa5: {  	s5 =	sld [smem:$0x0]  }
0xa6: {  	s6 =	sand.u32 $0xFFFFFFFE, s1  }
0xa7: {  	p0 =	sne.s32 s1, s6  }
0xa8: {  	s6 =	sshll.u32 @p0 s6, $0xE  }
0xa9: {  	s6 =	sadd.s32 @p0 $0x11B8D, s6;
	s7 =	sshll.u32 @p0 s5, $0x11  }
0xaa: {  	s6 =	sor.u32 @p0 s7, s6  }
0xab: {  	[sflag:s6] =	ssyncadd.remote.s32 @p0 $0x1;
	_ =	sdelay $0x1  }
0xac: {  	s6 =	simm.s32 @p0 $0x1B8D  }
0xad: {  	_ =	swait.eq @p0 [sflag:s6], $0x1  }
0xae: {  	[sflag:s6] =	ssyncadd.s32 @p0 $0xFFFFFFFF  }
0xaf: {  	s7 =	sshll.u32 @!p0 s1, $0xE  }
0xb0: {  	s7 =	sor.u32 @!p0 $0x4000, s7;
	s6 =	simm.s32 @!p0 $0x1B8D  }
0xb1: {  	s5 =	sshll.u32 @!p0 s5, $0x11;
	s7 =	sadd.s32 @!p0 $0x11B8D, s7;
	_ =	swait.eq @!p0 [sflag:s6], $0x1  }
0xb2: {  	s5 =	sor.u32 @!p0 s5, s7;
	[sflag:s6] =	ssyncadd.s32 @!p0 $0xFFFFFFFF  }
0xb3: {  	s25 =	simm.s32 $0x1B8E;
	s24 =	sld [smem:$0x3FFE];
	[sflag:s5] =	ssyncadd.remote.s32 @!p0 $0x1  }
0xb4: {  	s26 =	simm.s32 $execute0_lowered;
	[smem:$0x3FD2] =	sst s25  }
0xb5: {  	s6 =	sshll.u32 s26, $0x1;
	_ =	strace $0x80000049;
	[dreg:$0x1] =	wrdreg $0xFFFFFFFF  }
0xb6: {  	s28 =	simm.s32 $_size_execute0_lowered;
	s4 =	sadd.s32 s4, s6;
	[dreg:$0x0] =	wrdreg $0x0  }
0xb7: {  	s6 =	sshll.u32 s28, $0x1;
	[dreg:$0x2] =	wrdreg s4  }
0xb8: {  	[dreg:$0x3] =	wrdreg s6  }
0xb9: {  	[dreg:$0x4] =	wrdreg $0xC0  }
0xba: {  	_ =	task [dreg:s22], $0x5FFFF  }
0xbb: {  	[dreg:$0x1] =	wrdreg $0xFFFFFFFF  }
0xbc: {  	[dreg:$0x0] =	wrdreg $0x60  }
0xbd: {  	[dreg:$0x2] =	wrdreg s18  }
0xbe: {  	[dreg:$0x3] =	wrdreg s24  }
0xbf: {  	[dreg:$0x4] =	wrdreg $0xA  }
0xc0: {  	_ =	task.clear_ibuf [dreg:s22], $0x5FFFF;
	_ =	strace $0x90000049  }
0xc1: {  	s29 =	simm.s32 $0xA;
	_ =	strace $0x8000004B  }
0xc2: {  	_ =	swait.ge [sflag:s29], $0x1  }
0xc3: {  	[sflag:s29] =	ssyncadd.s32 $0xFFFFFFFF  }
0xc4: {  	_ =	strace $0x9000004B  }
0xc5: {  	_ =	sfence  }
0xc6: {  	s30 =	sld [smem:$0x0];
	_ =	sdelay $0x2  }
0xc7: {  	s31 =	sshll.u32 s1, $0xD;
	s1 =	sshrl.u32 s1, $0x2  }
0xc8: {  	s4 =	sand.u32 $0x4000, s31;
	s1 =	sadd.s32 s1, s30  }
0xc9: {  	s0 =	sor.u32 s4, s0;
	s1 =	sshll.u32 s1, $0x11  }
0xca: {  	s0 =	sor.u32 s1, s0  }
0xcb: {  	s0 =	sadd.s32 $0x8F2B, s0  }
0xcc: {  	[sflag:s0] =	ssyncadd.remote.s32 $0x1  }
0xcd: {  	_ =	sfence.sel $0xFFFF  }
0xce: {  	[dreg:$0x0] =	wrdreg $0xFFFFFFFF;
	(pc) =	sbr.abs _section_cstart, $3  }
0xcf: {  	[dreg:$0x1] =	wrdreg $0xFFFFFFFF  }
0xd0: {  	_ =	task.clear_ibuf [dreg:s22], $0x2FFFF;
	_ =	strace $0x9FFFFFFF  }
0xd1: {  	(tm) =	ssettm $0x7FFFFFFF  }
tec
execute0_lowered:
.L_overlay_start_1:
0x0: {  	(tag) =	ssettag $0x1  }
0x1: {  	s0 =	srdreg.scid;
	s2 =	rddreg [dreg:$0x0]  }
0x2: {  	s8 =	stileid.u32;
	s4 =	rddreg [dreg:$0x1]  }
0x3: {  	s3 =	simm.s32 $0x0;
	s15 =	simm.s32 $0x3;
	s16 =	simm.s32 $0x80  }
0x4: {  	s17 =	simm.s32 $0xC00;
	s18 =	simm.s32 $0x4C00;
	s20 =	simm.s32 $0x8C00  }
0x5: {  	s21 =	simm.s32 $0x1;
	s23 =	simm.s32 $0xCC00;
	s24 =	simm.s32 $0x2  }
0x6: {  	s0 =	sand.u32 $0x1, s0;
	s1 =	sshll.u32 s8, $0x1;
	s8 =	smul.u32 $0xA0000, s8  }
0x7: {  	s1 =	sor.u32 s0, s1;
	s6 =	ssub.s32 $0x2, s0;
	s0 =	smul.u32 $0x50000, s0  }
0x8: {  	s29 =	simm.s32 $0x0;
	[smem:$0x7FF] =	sst s3;
	s5 =	smul.u32 $0x180, s1  }
0x9: {  	_ =	strace $0x8000004A;
	s7 =	sshrl.u32 s6, $0x1;
	s1 =	smul.u32 $0x50000, s1  }
0xa: {  	s6 =	ssub.s32 s6, s7;
	s11 =	sadd.s32 s0, s8;
	s5 =	sadd.s32 s5, s4  }
0xb: {  	s4 =	sadd.s32 $0x148000, s4;
	s9 =	sor.u32 $0x4000, s1;
	s28 =	sshrl.u32 s1, $0x3  }
0xc: {  	s1 =	sor.u32 $0x8000, s1;
	s6 =	smax.u32 s6, $0x1;
	s0 =	sadd.s32 $0x18000, s11  }
0xd: {  	s30 =	sadd.s32 $0x14000, s11;
	s12 =	sadd.s32 $0x1C000, s11;
	s13 =	sadd.s32 $0x10000, s11  }
.Ltmp0:
0xe: {  	s5 =	sadd.s32 $0x145000, s5;
	s7 =	sadd.s32 s4, s28;
	(pc) =	sbr.rel .LBB2_1-.Ltmp0, $4  }
0xf: {  	s9 =	sshrl.u32 s9, $0x3;
	s1 =	sshrl.u32 s1, $0x3;
	s0 =	sshrl.u32 s0, $0x3  }
0x10: {  	s31 =	sshrl.u32 s12, $0x3;
	[dreg:$0x3] =	wrdreg s5;
	s8 =	sadd.s32 s4, s9  }
0x11: {  	s9 =	sadd.s32 s4, s1;
	s10 =	sadd.s32 $0x1800, s7;
	s1 =	sshrl.u32 s30, $0x3  }
0x12: {  	s0 =	sadd.s32 s0, s4;
	s14 =	sadd.s32 s31, s4;
	s1 =	sadd.s32 s1, s4  }
.LBB2_4:
0x13: {  	s29 =	sadd.s32 $0x1, s29  }
0x14: {  	p0 =	sne.s32 s29, s6  }
.Ltmp1:
0x15: {  	_ = 	snop;
	(pc) =	sbr.rel @!p0 .LBB2_5-.Ltmp1, $4  }
0x16: {  	_ = 	snop  }
0x17: {  	_ =	swait.ge [sflag:s24], $0x4000  }
0x18: {  	[sflag:s24] =	ssyncset.done $0x0  }
0x19: {  	[sflag:s24] =	ssyncadd.s32 $0xFFFFC000  }
.LBB2_1:
0x1a: {  	s5 =	rddreg [dreg:$0x3]  }
0x1b: {  	[tilespmem:s3], [sflag:$0x3] =	stream.linear.gather [hbm4b:s5+s3], $0xA00, $0x38;
	[tilespmem:$0x10C00] =	vst v63  }
0x1c: {  	_ =	swait.ge [sflag:s15], $0xA00  }
0x1d: {  	[sflag:s15] =	ssyncset.done $0x0  }
0x1e: {  	[sflag:s15] =	ssyncadd.s32 $0xFFFFF600  }
0x1f: {  	[tilespmem:s17], [sflag:$0x1] =	stream.indirect.gather [hbm4b:s2+s16], $0x80, s3, s16, $0xb8;
	[tilespmem:$0x10C00] =	vst v63  }
0x20: {  	_ = 	snop  }
0x21: {  	[tilespmem:s18], [sflag:$0x1] =	stream.indirect.gather [hbm4b:s2+s16], $0x80, s16, s16, $0xb8;
	[tilespmem:$0x10C00] =	vst v63  }
0x22: {  	s19 =	simm.s32 $0x100  }
0x23: {  	[tilespmem:s20], [sflag:$0x1] =	stream.indirect.gather [hbm4b:s2+s16], $0x80, s19, s16, $0xb8;
	[tilespmem:$0x10C00] =	vst v63  }
0x24: {  	_ =	swait.ge [sflag:s21], $0x4000  }
0x25: {  	[sflag:s21] =	ssyncset.done $0x0  }
0x26: {  	[sflag:s21] =	ssyncadd.s32 $0xFFFFC000  }
0x27: {  	[hbm4b:s7+s3] =	stream.linear.scatter [tilespmem:s17], [sflag:$0x2], $0x4000, $0x38;
	[tilespmem:$0x10C00] =	vst v63  }
0x28: {  	s22 =	simm.s32 $0x180  }
0x29: {  	[tilespmem:s23], [sflag:$0x1] =	stream.indirect.gather [hbm4b:s2+s16], $0x80, s22, s16, $0xb8;
	[tilespmem:$0x10C00] =	vst v63  }
0x2a: {  	_ =	swait.ge [sflag:s21], $0x4000  }
0x2b: {  	[sflag:s21] =	ssyncset.done $0x0  }
0x2c: {  	[sflag:s21] =	ssyncadd.s32 $0xFFFFC000  }
0x2d: {  	[hbm4b:s8+s3] =	stream.linear.scatter [tilespmem:s18], [sflag:$0x2], $0x4000, $0x38;
	[tilespmem:$0x10C00] =	vst v63  }
0x2e: {  	_ =	swait.ge [sflag:s24], $0x4000  }
0x2f: {  	[sflag:s24] =	ssyncset.done $0x0  }
0x30: {  	s25 =	simm.s32 $0x200;
	[sflag:s24] =	ssyncadd.s32 $0xFFFFC000  }
0x31: {  	[tilespmem:s17], [sflag:$0x1] =	stream.indirect.gather [hbm4b:s2+s16], $0x80, s25, s16, $0xb8;
	[tilespmem:$0x10C00] =	vst v63  }
0x32: {  	_ =	swait.ge [sflag:s21], $0x4000  }
0x33: {  	[sflag:s21] =	ssyncset.done $0x0  }
0x34: {  	[sflag:s21] =	ssyncadd.s32 $0xFFFFC000  }
0x35: {  	[hbm4b:s9+s3] =	stream.linear.scatter [tilespmem:s20], [sflag:$0x2], $0x4000, $0x38;
	[tilespmem:$0x10C00] =	vst v63  }
0x36: {  	_ =	swait.ge [sflag:s24], $0x4000  }
0x37: {  	[sflag:s24] =	ssyncset.done $0x0  }
0x38: {  	s26 =	simm.s32 $0x280;
	[sflag:s24] =	ssyncadd.s32 $0xFFFFC000  }
0x39: {  	[tilespmem:s18], [sflag:$0x1] =	stream.indirect.gather [hbm4b:s2+s16], $0x80, s26, s16, $0xb8;
	[tilespmem:$0x10C00] =	vst v63  }
0x3a: {  	_ =	swait.ge [sflag:s21], $0x4000  }
0x3b: {  	[sflag:s21] =	ssyncset.done $0x0  }
0x3c: {  	[sflag:s21] =	ssyncadd.s32 $0xFFFFC000  }
0x3d: {  	[hbm4b:s10+s3] =	stream.linear.scatter [tilespmem:s23], [sflag:$0x2], $0x4000, $0x38;
	[tilespmem:$0x10C00] =	vst v63  }
0x3e: {  	s28 =	simm.s32 $0x300;
	s30 =	smov.u32 s14;
	_ =	swait.ge [sflag:s24], $0x4000  }
0x3f: {  	s31 =	smov.u32 s13;
	s12 =	smov.u32 s1;
	[sflag:s24] =	ssyncset.done $0x0  }
0x40: {  	s11 =	smov.u32 s0;
	s19 =	simm.s32 $0x0;
	[sflag:s24] =	ssyncadd.s32 $0xFFFFC000  }
0x41: {  	[tilespmem:s20], [sflag:$0x1] =	stream.indirect.gather [hbm4b:s2+s16], $0x80, s28, s16, $0xb8;
	[tilespmem:$0x10C00] =	vst v63  }
.LBB2_2:
0x42: {  	_ =	swait.ge [sflag:s21], $0x4000  }
0x43: {  	s22 =	sshrl.u32 s31, $0x3;
	[sflag:s21] =	ssyncset.done $0x0  }
0x44: {  	s22 =	sadd.s32 s4, s22;
	[sflag:s21] =	ssyncadd.s32 $0xFFFFC000  }
0x45: {  	[hbm4b:s22+s3] =	stream.linear.scatter [tilespmem:s17], [sflag:$0x2], $0x4000, $0x38;
	[tilespmem:$0x10C00] =	vst v63  }
0x46: {  	_ =	swait.ge [sflag:s24], $0x4000  }
0x47: {  	s22 =	sshra.s32 s19, $0x2;
	[sflag:s24] =	ssyncset.done $0x0  }
0x48: {  	s25 =	sadd.s32 $0x380, s22;
	[sflag:s24] =	ssyncadd.s32 $0xFFFFC000  }
0x49: {  	[tilespmem:s23], [sflag:$0x1] =	stream.indirect.gather [hbm4b:s2+s16], $0x80, s25, s16, $0xb8;
	[tilespmem:$0x10C00] =	vst v63  }
0x4a: {  	_ =	swait.ge [sflag:s21], $0x4000  }
0x4b: {  	[sflag:s21] =	ssyncset.done $0x0  }
0x4c: {  	[sflag:s21] =	ssyncadd.s32 $0xFFFFC000  }
0x4d: {  	[hbm4b:s12+s3] =	stream.linear.scatter [tilespmem:s18], [sflag:$0x2], $0x4000, $0x38;
	[tilespmem:$0x10C00] =	vst v63  }
0x4e: {  	p0 =	seq.s32 s19, $0x1800;
	_ =	swait.ge [sflag:s24], $0x4000  }
0x4f: {  	s28 =	simm.s32 @!p0 $0x80;
	s25 =	sshra.s32 @!p0 s19, $0x2;
	[sflag:s24] =	ssyncset.done $0x0  }
0x50: {  	s5 =	simm.s32 @!p0 $0xC00;
	s26 =	sadd.s32 @!p0 $0x400, s25;
	[sflag:s24] =	ssyncadd.s32 $0xFFFFC000  }
0x51: {  	[tilespmem:s5], [sflag:$0x1] =	stream.indirect.gather @!p0 [hbm4b:s2+s28], $0x80, s26, s28, $0xb8;
	[tilespmem:$0x10C00] =	vst v63  }
0x52: {  	_ =	swait.ge [sflag:s21], $0x4000  }
0x53: {  	[sflag:s21] =	ssyncset.done $0x0  }
0x54: {  	[sflag:s21] =	ssyncadd.s32 $0xFFFFC000  }
0x55: {  	[hbm4b:s11+s3] =	stream.linear.scatter [tilespmem:s20], [sflag:$0x2], $0x4000, $0x38;
	[tilespmem:$0x10C00] =	vst v63  }
0x56: {  	_ =	swait.ge [sflag:s24], $0x4000  }
0x57: {  	[sflag:s24] =	ssyncset.done $0x0  }
0x58: {  	s5 =	sadd.s32 @!p0 $0x480, s25;
	s25 =	simm.s32 @!p0 $0x4C00;
	[sflag:s24] =	ssyncadd.s32 $0xFFFFC000  }
0x59: {  	[tilespmem:s25], [sflag:$0x1] =	stream.indirect.gather @!p0 [hbm4b:s2+s28], $0x80, s5, s28, $0xb8;
	[tilespmem:$0x10C00] =	vst v63  }
0x5a: {  	_ =	swait.ge [sflag:s21], $0x4000  }
0x5b: {  	[sflag:s21] =	ssyncset.done $0x0  }
.Ltmp2:
0x5c: {  	[sflag:s21] =	ssyncadd.s32 $0xFFFFC000;
	(pc) =	sbr.rel @p0 .LBB2_4-.Ltmp2, $4  }
0x5d: {  	[hbm4b:s30+s3] =	stream.linear.scatter [tilespmem:s23], [sflag:$0x2], $0x4000, $0x38;
	[tilespmem:$0x10C00] =	vst v63  }
0x5e: {  	_ =	swait.ge [sflag:s24], $0x4000  }
0x5f: {  	[sflag:s24] =	ssyncset.done $0x0  }
0x60: {  	[sflag:s24] =	ssyncadd.s32 $0xFFFFC000  }
.Ltmp3:
0x61: {  	(pc) =	sbr.rel .LBB2_2-.Ltmp3, $4  }
0x62: {  	_ = 	snop  }
0x63: {  	s5 =	sadd.s32 $0x500, s22;
	s19 =	sadd.s32 $0x800, s19;
	s11 =	sadd.s32 $0x2000, s11  }
0x64: {  	s12 =	sadd.s32 $0x2000, s12;
	s31 =	sadd.s32 $0x10000, s31;
	s30 =	sadd.s32 $0x2000, s30  }
0x65: {  	[tilespmem:s20], [sflag:$0x1] =	stream.indirect.gather [hbm4b:s2+s16], $0x80, s5, s16, $0xb8;
	[tilespmem:$0x10C00] =	vst v63  }
.LBB2_5:
0x66: {  	_ =	sfence.sel $0x180000  }
0x67: {  	[bflag:$0x0] =	sbarrier.arrive $0xFFFF  }
0x68: {  	_ =	strace $0x9000004A  }
0x69: {  	s0 =	stileid.u32;
	[bflag:$0x2] =	sbarrier.arrive $0xFFFF  }
0x6a: {  	p0 =	sne.s32 s0, $0x0;
	s0 =	rddreg [dreg:$0x2]  }
0x6b: {  	s0 =	sadd.s32 @!p0 $0x100000, s0  }
0x6c: {  	[sflag:s0] =	ssyncadd.tile.s32 @!p0 $0x1;
	_ =	shalt  }
.Lfunc_end2:
_tile_overlayer_lowered:
.L_overlay_start_2:
0x6d: {  	(tag) =	ssettag $0x2  }
0x6e: {  	s0 =	rddreg [dreg:$0x0];
	s2 =	stileid.u32  }
0x6f: {  	s1 =	rddreg [dreg:$0x1];
	p0 =	sne.s32 s2, $0x0  }
0x70: {  	s3 =	rddreg [dreg:$0x2];
	[bflag:$0x3] =	sbarrier.arrive $0xFFFF;
	s2 =	simm.s32 @!p0 $0x1C03  }
0x71: {  	[timem:s3], [sflag:s2] =	dma.local @!p0 [hbm:s0], s1  }
0x72: {  	s0 =	simm.s32 @!p0 $0x3  }
0x73: {  	_ =	swait.ge @!p0 [sflag:s0], s1  }
0x74: {  	s1 =	ssub.s32 @!p0 $0x0, s1;
	[sflag:s0] =	ssyncset.done @!p0 $0x0  }
0x75: {  	[sflag:s0] =	ssyncadd.s32 @!p0 s1  }
0x76: {  	[bflag:$0x3] =	sbarrier.arrive $0xFFFF  }
0x77: {  	_ =	shalt  }

// kernel: kernel.16.cloned.1.call-start
scs
__scs_entry_jumppad:
0x0: {  	(pc) =	sbr.rel $0x88, $3  }
0x1: {  	(tag) =	ssettag $0x0;
	lr =	simm.s32 $0x1  }
0x2: {  	[smem:$0x3F99] =	sst lr;
	_ =	strace $0xD0000000  }
0x3: {  	_ = 	snop  }
0x4: {  	_ = 	snop  }
0x5: {  	_ = 	snop  }
0x6: {  	_ = 	snop  }
0x7: {  	_ = 	snop  }
__scs_overlays_trampoline_lowered:
0x8: {  	[smem:$0x3FA8] =	sst s0  }
0x9: {  	[smem:$0x3FA9] =	sst s1  }
0xa: {  	[smem:$0x3FAA] =	sst s2  }
0xb: {  	[smem:$0x3FAB] =	sst s3  }
0xc: {  	[smem:$0x3FAC] =	sst s4  }
0xd: {  	[smem:$0x3FAD] =	sst s5  }
0xe: {  	[smem:$0x3FAE] =	sst s6  }
0xf: {  	[smem:$0x3FAF] =	sst s7  }
0x10: {  	[smem:$0x3FB0] =	sst s8  }
0x11: {  	[smem:$0x3FB1] =	sst s9;
	s0 =	simm.s32 @!p0 $0x0  }
0x12: {  	s1 =	sld [smem:$0x3F97];
	s0 =	simm.s32 @p0 $0x1  }
0x13: {  	[smem:$0x3FB2] =	sst s0;
	s0 =	simm.s32 @!p1 $0x0  }
0x14: {  	s2 =	sld [smem:$0x3F96];
	s0 =	simm.s32 @p1 $0x1  }
0x15: {  	[smem:$0x3FB3] =	sst s0;
	s0 =	simm.s32 @!p2 $0x0  }
0x16: {  	s3 =	sld [smem:$0x3FDB];
	s0 =	simm.s32 @p2 $0x1  }
0x17: {  	s4 =	simm.s32 $0x1BF5;
	[smem:$0x3FB5] =	sst s0  }
0x18: {  	s0 =	sld [smem:$0x3F98];
	_ =	swait.ge [sflag:s4], $0x0  }
0x19: {  	s7 =	sld [smem:$0x3F99]  }
0x1a: {  	s8 =	sadd.s32 $0xFFFFE003, lr  }
0x1b: {  	s9 =	sadd.s32 $0xFFFFFEF7, lr;
	s5 =	simm.s32 $0xFFFFFFFF;
	p2 =	slt.u32 s8, $0xFFFFF086  }
0x1c: {  	p1 =	slt.u32 s9, $0xF7A;
	s5 =	simm.s32 @!p2 $0x0  }
0x1d: {  	s5 =	simm.s32 @p1 $0x1;
	p0 =	seq.s32 s7, s2  }
0x1e: {  	s7 =	smul.u32 @!p0 $0xF7A, s2;
	p2 =	seq.s32 @!p0 s5, $0x0  }
0x1f: {  	s9 =	smul.u32 $0xF7A, s1;
	s8 =	simm.s32 @!p0 $0x1BF5;
	p2 =	por !p2, p0  }
0x20: {  	[sflag:s8] =	ssyncset.s32 @!p0 $0xFFFFF086;
	s6 =	sadd.s32 @!p0 s3, s7;
	s7 =	simm.s32 @!p0 $0x108  }
0x21: {  	s3 =	sadd.s32 s3, s9;
	s6 =	sadd.s32 @!p0 $0x88, s6;
	s7 =	simm.s32 @p2 $0x1082  }
0x22: {  	[simem:s7], [sflag:s8] =	dma.local @!p0 [hbm:s6], $0xF7A  }
0x23: {  	s9 =	sor.u32 $0xD0000000, s2;
	s6 =	simm.s32 $0x108;
	_ =	swait.ge @!p0 [sflag:s8], $0x0  }
0x24: {  	s3 =	sadd.s32 $0x88, s3;
	s6 =	simm.s32 @!p1 $0x1082;
	[sflag:s4] =	ssyncset.s32 $0xFFFFF086  }
0x25: {  	[simem:s6], [sflag:s4] =	dma.local [hbm:s3], $0xF7A  }
0x26: {  	[smem:$0x3F99] =	sst s1;
	(tag) =	ssettag s2;
	_ =	strace s9  }
0x27: {  	s1 =	sld [smem:$0x3FA9]  }
0x28: {  	s2 =	sld [smem:$0x3FAA]  }
0x29: {  	s4 =	sld [smem:$0x3FAC]  }
0x2a: {  	p0 =	seq.s32 s5, $0x0;
	s5 =	sld [smem:$0x3FAD]  }
0x2b: {  	s6 =	sld [smem:$0x3FAE]  }
0x2c: {  	s7 =	sld [smem:$0x3FAF]  }
0x2d: {  	s3 =	simm.s32 $0x108;
	s8 =	sld [smem:$0x3FB0]  }
0x2e: {  	s3 =	simm.s32 @!p0 $0x1082;
	s9 =	sld [smem:$0x3FB1]  }
0x2f: {  	lr =	sadd.s32 s0, s3;
	s0 =	sld [smem:$0x3FA8]  }
0x30: {  	s3 =	sld [smem:$0x3FAB]  }
0x31: {  	[smem:$0x3FB4] =	sst s10  }
0x32: {  	s10 =	sld [smem:$0x3FB2];
	_ =	sdelay $0x3  }
0x33: {  	p0 =	seq.s32 s10, $0x1;
	s10 =	sld [smem:$0x3FB4];
	_ =	sdelay $0x3  }
0x34: {  	[smem:$0x3FB4] =	sst s10  }
0x35: {  	s10 =	sld [smem:$0x3FB3];
	_ =	sdelay $0x3  }
0x36: {  	p1 =	seq.s32 s10, $0x1;
	s10 =	sld [smem:$0x3FB4];
	_ =	sdelay $0x3  }
0x37: {  	[smem:$0x3FB4] =	sst s10  }
0x38: {  	s10 =	sld [smem:$0x3FB5]  }
0x39: {  	_ = 	snop;
	(pc) =	sbr.ind lr, $3  }
0x3a: {  	_ = 	snop  }
0x3b: {  	_ = 	snop  }
0x3c: {  	p2 =	seq.s32 s10, $0x1;
	s10 =	sld [smem:$0x3FB4]  }
0x3d: {  	_ =	shalt  }
0x3e: {  	_ =	shalt  }
0x3f: {  	_ =	shalt  }
0x40: {  	_ =	shalt  }
0x41: {  	_ =	shalt  }
0x42: {  	_ =	shalt  }
0x43: {  	_ =	shalt  }
0x44: {  	_ =	shalt  }
0x45: {  	_ =	shalt  }
0x46: {  	_ =	shalt  }
0x47: {  	_ =	shalt  }
0x48: {  	_ =	shalt  }
0x49: {  	_ =	shalt  }
0x4a: {  	_ =	shalt  }
0x4b: {  	_ =	shalt  }
0x4c: {  	_ =	shalt  }
0x4d: {  	_ =	shalt  }
0x4e: {  	_ =	shalt  }
0x4f: {  	_ =	shalt  }
0x50: {  	_ =	shalt  }
0x51: {  	_ =	shalt  }
0x52: {  	_ =	shalt  }
0x53: {  	_ =	shalt  }
0x54: {  	_ =	shalt  }
0x55: {  	_ =	shalt  }
0x56: {  	_ =	shalt  }
0x57: {  	_ =	shalt  }
0x58: {  	_ =	shalt  }
0x59: {  	_ =	shalt  }
0x5a: {  	_ =	shalt  }
0x5b: {  	_ =	shalt  }
0x5c: {  	_ =	shalt  }
0x5d: {  	_ =	shalt  }
0x5e: {  	_ =	shalt  }
0x5f: {  	_ =	shalt  }
0x60: {  	_ =	shalt  }
0x61: {  	_ =	shalt  }
0x62: {  	_ =	shalt  }
0x63: {  	_ =	shalt  }
0x64: {  	_ =	shalt  }
0x65: {  	_ =	shalt  }
0x66: {  	_ =	shalt  }
0x67: {  	_ =	shalt  }
0x68: {  	_ =	shalt  }
0x69: {  	_ =	shalt  }
0x6a: {  	_ =	shalt  }
0x6b: {  	_ =	shalt  }
0x6c: {  	_ =	shalt  }
0x6d: {  	_ =	shalt  }
0x6e: {  	_ =	shalt  }
0x6f: {  	_ =	shalt  }
0x70: {  	_ =	shalt  }
0x71: {  	_ =	shalt  }
0x72: {  	_ =	shalt  }
0x73: {  	_ =	shalt  }
0x74: {  	_ =	shalt  }
0x75: {  	_ =	shalt  }
0x76: {  	_ =	shalt  }
0x77: {  	_ =	shalt  }
0x78: {  	_ =	shalt  }
0x79: {  	_ =	shalt  }
0x7a: {  	_ =	shalt  }
0x7b: {  	_ =	shalt  }
0x7c: {  	_ =	shalt  }
0x7d: {  	_ =	shalt  }
0x7e: {  	_ =	shalt  }
0x7f: {  	_ =	shalt  }
0x80: {  	_ =	shalt  }
0x81: {  	_ =	shalt  }
0x82: {  	_ =	shalt  }
0x83: {  	_ =	shalt  }
0x84: {  	_ =	shalt  }
0x85: {  	_ =	shalt  }
0x86: {  	_ =	shalt  }
0x87: {  	_ =	shalt  }
.Lfunc_end0:
.L_simem_size_0:
called_computation.2_lowered:
.L_overlay_start_0:
0x88: {  	s2 =	sld [smem:$0x3FD9]  }
0x89: {  	s3 =	sld [smem:$0x3FFE];
	_ =	sdelay $0x1  }
0x8a: {  	s1 =	srdreg.scid  }
0x8b: {  	s0 =	sand.u32 $0x1, s1  }
0x8c: {  	s17 =	sshll.u32 s0, $0xA;
	s2 =	sadd.s32 s3, s2  }
0x8d: {  	s2 =	sadd.s32 s2, s17  }
0x8e: {  	[smem:$0x3FC0] =	sst s2  }
0x8f: {  	_ = 	snop  }
0x90: {  	s18 =	sld [smem:$0x3FC7];
	(tm) =	ssettm $0x1  }
0x91: {  	s19 =	sld [smem:$0x3FFB];
	_ =	sdelay $0x3  }
0x92: {  	_ =	strace s19  }
0x93: {  	s2 =	sld [smem:$0x3FFC];
	_ =	sdelay $0x3  }
0x94: {  	_ =	strace s2  }
0x95: {  	s2 =	sld [smem:$0x3FFD];
	_ =	sdelay $0x3  }
0x96: {  	_ =	strace s2  }
0x97: {  	_ =	strace $0x8FFFFFFF  }
0x98: {  	s20 =	sld [smem:$0x3FDB];
	_ =	sdelay $0x1  }
0x99: {  	s4 =	simm.s32 $_scs_section_size  }
0x9a: {  	s5 =	simm.s32 $_size__tile_overlayer_lowered;
	s6 =	simm.s32 $_tile_overlayer_lowered  }
0x9b: {  	s7 =	simm.s32 $0x1BFF;
	s21 =	sshll.u32 s6, $0x1;
	s4 =	sadd.s32 s4, s20  }
0x9c: {  	s22 =	simm.s32 $0x0;
	s5 =	sshll.u32 s5, $0x1;
	s6 =	sadd.s32 s21, s4  }
0x9d: {  	[timem:s22], [sflag:s7] =	dma.local [hbm:s6], s5  }
0x9e: {  	_ =	swait.ge [sflag:s7], s5  }
0x9f: {  	s5 =	ssub.s32 $0x0, s5;
	[sflag:s7] =	ssyncset.done $0x0  }
0xa0: {  	[sflag:s7] =	ssyncadd.s32 s5;
	_ =	sdelay $0x1  }
0xa1: {  	s23 =	simm.s32 $0x1B8B  }
0xa2: {  	_ =	swait.ge [sflag:s23], $0x1  }
0xa3: {  	[sflag:s23] =	ssyncset.done $0x0  }
0xa4: {  	[sflag:s23] =	ssyncadd.s32 $0xFFFFFFFF  }
0xa5: {  	s5 =	sld [smem:$0x0]  }
0xa6: {  	s6 =	sand.u32 $0xFFFFFFFE, s1  }
0xa7: {  	p0 =	sne.s32 s1, s6  }
0xa8: {  	s6 =	sshll.u32 @p0 s6, $0xE  }
0xa9: {  	s6 =	sadd.s32 @p0 $0x11B8D, s6;
	s7 =	sshll.u32 @p0 s5, $0x11  }
0xaa: {  	s6 =	sor.u32 @p0 s7, s6  }
0xab: {  	[sflag:s6] =	ssyncadd.remote.s32 @p0 $0x1;
	_ =	sdelay $0x1  }
0xac: {  	s6 =	simm.s32 @p0 $0x1B8D  }
0xad: {  	_ =	swait.eq @p0 [sflag:s6], $0x1  }
0xae: {  	[sflag:s6] =	ssyncadd.s32 @p0 $0xFFFFFFFF  }
0xaf: {  	s7 =	sshll.u32 @!p0 s1, $0xE  }
0xb0: {  	s7 =	sor.u32 @!p0 $0x4000, s7;
	s6 =	simm.s32 @!p0 $0x1B8D  }
0xb1: {  	s5 =	sshll.u32 @!p0 s5, $0x11;
	s7 =	sadd.s32 @!p0 $0x11B8D, s7;
	_ =	swait.eq @!p0 [sflag:s6], $0x1  }
0xb2: {  	s5 =	sor.u32 @!p0 s5, s7;
	[sflag:s6] =	ssyncadd.s32 @!p0 $0xFFFFFFFF  }
0xb3: {  	s25 =	simm.s32 $0x1B8E;
	s24 =	sld [smem:$0x3FFE];
	[sflag:s5] =	ssyncadd.remote.s32 @!p0 $0x1  }
0xb4: {  	s26 =	simm.s32 $execute0_lowered;
	[smem:$0x3FD2] =	sst s25  }
0xb5: {  	s6 =	sshll.u32 s26, $0x1;
	_ =	strace $0x8000004C;
	[dreg:$0x1] =	wrdreg $0xFFFFFFFF  }
0xb6: {  	s28 =	simm.s32 $_size_execute0_lowered;
	s4 =	sadd.s32 s4, s6;
	[dreg:$0x0] =	wrdreg $0x0  }
0xb7: {  	s6 =	sshll.u32 s28, $0x1;
	[dreg:$0x2] =	wrdreg s4  }
0xb8: {  	[dreg:$0x3] =	wrdreg s6  }
0xb9: {  	[dreg:$0x4] =	wrdreg $0xC0  }
0xba: {  	_ =	task [dreg:s22], $0x5FFFF  }
0xbb: {  	[dreg:$0x1] =	wrdreg $0xFFFFFFFF  }
0xbc: {  	[dreg:$0x0] =	wrdreg $0x60  }
0xbd: {  	[dreg:$0x2] =	wrdreg s18  }
0xbe: {  	[dreg:$0x3] =	wrdreg s24  }
0xbf: {  	[dreg:$0x4] =	wrdreg $0xB  }
0xc0: {  	_ =	task.clear_ibuf [dreg:s22], $0x5FFFF;
	_ =	strace $0x9000004C  }
0xc1: {  	s29 =	simm.s32 $0xB;
	_ =	strace $0x8000004E  }
0xc2: {  	_ =	swait.ge [sflag:s29], $0x1  }
0xc3: {  	[sflag:s29] =	ssyncadd.s32 $0xFFFFFFFF  }
0xc4: {  	_ =	strace $0x9000004E  }
0xc5: {  	_ =	sfence  }
0xc6: {  	s30 =	sld [smem:$0x0];
	_ =	sdelay $0x2  }
0xc7: {  	s31 =	sshll.u32 s1, $0xD;
	s1 =	sshrl.u32 s1, $0x2  }
0xc8: {  	s4 =	sand.u32 $0x4000, s31;
	s1 =	sadd.s32 s1, s30  }
0xc9: {  	s0 =	sor.u32 s4, s0;
	s1 =	sshll.u32 s1, $0x11  }
0xca: {  	s0 =	sor.u32 s1, s0  }
0xcb: {  	s0 =	sadd.s32 $0x8F2B, s0  }
0xcc: {  	[sflag:s0] =	ssyncadd.remote.s32 $0x1  }
0xcd: {  	_ =	sfence.sel $0xFFFF  }
0xce: {  	[dreg:$0x0] =	wrdreg $0xFFFFFFFF;
	(pc) =	sbr.abs _section_cstart, $3  }
0xcf: {  	[dreg:$0x1] =	wrdreg $0xFFFFFFFF  }
0xd0: {  	_ =	task.clear_ibuf [dreg:s22], $0x2FFFF;
	_ =	strace $0x9FFFFFFF  }
0xd1: {  	(tm) =	ssettm $0x7FFFFFFF  }
tec
execute0_lowered:
.L_overlay_start_1:
0x0: {  	(tag) =	ssettag $0x1  }
0x1: {  	s0 =	srdreg.scid;
	s2 =	rddreg [dreg:$0x0]  }
0x2: {  	s8 =	stileid.u32;
	s4 =	rddreg [dreg:$0x1]  }
0x3: {  	s3 =	simm.s32 $0x0;
	s15 =	simm.s32 $0x3;
	s16 =	simm.s32 $0x80  }
0x4: {  	s17 =	simm.s32 $0xC00;
	s18 =	simm.s32 $0x4C00;
	s20 =	simm.s32 $0x8C00  }
0x5: {  	s21 =	simm.s32 $0x1;
	s23 =	simm.s32 $0xCC00;
	s24 =	simm.s32 $0x2  }
0x6: {  	s0 =	sand.u32 $0x1, s0;
	s1 =	sshll.u32 s8, $0x1;
	s8 =	smul.u32 $0xA0000, s8  }
0x7: {  	s1 =	sor.u32 s0, s1;
	s6 =	ssub.s32 $0x2, s0;
	s0 =	smul.u32 $0x50000, s0  }
0x8: {  	s29 =	simm.s32 $0x0;
	[smem:$0x7FF] =	sst s3;
	s5 =	smul.u32 $0x180, s1  }
0x9: {  	_ =	strace $0x8000004D;
	s7 =	sshrl.u32 s6, $0x1;
	s1 =	smul.u32 $0x50000, s1  }
0xa: {  	s6 =	ssub.s32 s6, s7;
	s11 =	sadd.s32 s0, s8;
	s5 =	sadd.s32 s5, s4  }
0xb: {  	s4 =	sadd.s32 $0x28B000, s4;
	s9 =	sor.u32 $0x4000, s1;
	s28 =	sshrl.u32 s1, $0x3  }
0xc: {  	s1 =	sor.u32 $0x8000, s1;
	s6 =	smax.u32 s6, $0x1;
	s0 =	sadd.s32 $0x18000, s11  }
0xd: {  	s30 =	sadd.s32 $0x14000, s11;
	s12 =	sadd.s32 $0x1C000, s11;
	s13 =	sadd.s32 $0x10000, s11  }
.Ltmp0:
0xe: {  	s5 =	sadd.s32 $0x288000, s5;
	s7 =	sadd.s32 s4, s28;
	(pc) =	sbr.rel .LBB2_1-.Ltmp0, $4  }
0xf: {  	s9 =	sshrl.u32 s9, $0x3;
	s1 =	sshrl.u32 s1, $0x3;
	s0 =	sshrl.u32 s0, $0x3  }
0x10: {  	s31 =	sshrl.u32 s12, $0x3;
	[dreg:$0x3] =	wrdreg s5;
	s8 =	sadd.s32 s4, s9  }
0x11: {  	s9 =	sadd.s32 s4, s1;
	s10 =	sadd.s32 $0x1800, s7;
	s1 =	sshrl.u32 s30, $0x3  }
0x12: {  	s0 =	sadd.s32 s0, s4;
	s14 =	sadd.s32 s31, s4;
	s1 =	sadd.s32 s1, s4  }
.LBB2_4:
0x13: {  	s29 =	sadd.s32 $0x1, s29  }
0x14: {  	p0 =	sne.s32 s29, s6  }
.Ltmp1:
0x15: {  	_ = 	snop;
	(pc) =	sbr.rel @!p0 .LBB2_5-.Ltmp1, $4  }
0x16: {  	_ = 	snop  }
0x17: {  	_ =	swait.ge [sflag:s24], $0x4000  }
0x18: {  	[sflag:s24] =	ssyncset.done $0x0  }
0x19: {  	[sflag:s24] =	ssyncadd.s32 $0xFFFFC000  }
.LBB2_1:
0x1a: {  	s5 =	rddreg [dreg:$0x3]  }
0x1b: {  	[tilespmem:s3], [sflag:$0x3] =	stream.linear.gather [hbm4b:s5+s3], $0xA00, $0x38;
	[tilespmem:$0x10C00] =	vst v63  }
0x1c: {  	_ =	swait.ge [sflag:s15], $0xA00  }
0x1d: {  	[sflag:s15] =	ssyncset.done $0x0  }
0x1e: {  	[sflag:s15] =	ssyncadd.s32 $0xFFFFF600  }
0x1f: {  	[tilespmem:s17], [sflag:$0x1] =	stream.indirect.gather [hbm4b:s2+s16], $0x80, s3, s16, $0xb8;
	[tilespmem:$0x10C00] =	vst v63  }
0x20: {  	_ = 	snop  }
0x21: {  	[tilespmem:s18], [sflag:$0x1] =	stream.indirect.gather [hbm4b:s2+s16], $0x80, s16, s16, $0xb8;
	[tilespmem:$0x10C00] =	vst v63  }
0x22: {  	s19 =	simm.s32 $0x100  }
0x23: {  	[tilespmem:s20], [sflag:$0x1] =	stream.indirect.gather [hbm4b:s2+s16], $0x80, s19, s16, $0xb8;
	[tilespmem:$0x10C00] =	vst v63  }
0x24: {  	_ =	swait.ge [sflag:s21], $0x4000  }
0x25: {  	[sflag:s21] =	ssyncset.done $0x0  }
0x26: {  	[sflag:s21] =	ssyncadd.s32 $0xFFFFC000  }
0x27: {  	[hbm4b:s7+s3] =	stream.linear.scatter [tilespmem:s17], [sflag:$0x2], $0x4000, $0x38;
	[tilespmem:$0x10C00] =	vst v63  }
0x28: {  	s22 =	simm.s32 $0x180  }
0x29: {  	[tilespmem:s23], [sflag:$0x1] =	stream.indirect.gather [hbm4b:s2+s16], $0x80, s22, s16, $0xb8;
	[tilespmem:$0x10C00] =	vst v63  }
0x2a: {  	_ =	swait.ge [sflag:s21], $0x4000  }
0x2b: {  	[sflag:s21] =	ssyncset.done $0x0  }
0x2c: {  	[sflag:s21] =	ssyncadd.s32 $0xFFFFC000  }
0x2d: {  	[hbm4b:s8+s3] =	stream.linear.scatter [tilespmem:s18], [sflag:$0x2], $0x4000, $0x38;
	[tilespmem:$0x10C00] =	vst v63  }
0x2e: {  	_ =	swait.ge [sflag:s24], $0x4000  }
0x2f: {  	[sflag:s24] =	ssyncset.done $0x0  }
0x30: {  	s25 =	simm.s32 $0x200;
	[sflag:s24] =	ssyncadd.s32 $0xFFFFC000  }
0x31: {  	[tilespmem:s17], [sflag:$0x1] =	stream.indirect.gather [hbm4b:s2+s16], $0x80, s25, s16, $0xb8;
	[tilespmem:$0x10C00] =	vst v63  }
0x32: {  	_ =	swait.ge [sflag:s21], $0x4000  }
0x33: {  	[sflag:s21] =	ssyncset.done $0x0  }
0x34: {  	[sflag:s21] =	ssyncadd.s32 $0xFFFFC000  }
0x35: {  	[hbm4b:s9+s3] =	stream.linear.scatter [tilespmem:s20], [sflag:$0x2], $0x4000, $0x38;
	[tilespmem:$0x10C00] =	vst v63  }
0x36: {  	_ =	swait.ge [sflag:s24], $0x4000  }
0x37: {  	[sflag:s24] =	ssyncset.done $0x0  }
0x38: {  	s26 =	simm.s32 $0x280;
	[sflag:s24] =	ssyncadd.s32 $0xFFFFC000  }
0x39: {  	[tilespmem:s18], [sflag:$0x1] =	stream.indirect.gather [hbm4b:s2+s16], $0x80, s26, s16, $0xb8;
	[tilespmem:$0x10C00] =	vst v63  }
0x3a: {  	_ =	swait.ge [sflag:s21], $0x4000  }
0x3b: {  	[sflag:s21] =	ssyncset.done $0x0  }
0x3c: {  	[sflag:s21] =	ssyncadd.s32 $0xFFFFC000  }
0x3d: {  	[hbm4b:s10+s3] =	stream.linear.scatter [tilespmem:s23], [sflag:$0x2], $0x4000, $0x38;
	[tilespmem:$0x10C00] =	vst v63  }
0x3e: {  	s28 =	simm.s32 $0x300;
	s30 =	smov.u32 s14;
	_ =	swait.ge [sflag:s24], $0x4000  }
0x3f: {  	s31 =	smov.u32 s13;
	s12 =	smov.u32 s1;
	[sflag:s24] =	ssyncset.done $0x0  }
0x40: {  	s11 =	smov.u32 s0;
	s19 =	simm.s32 $0x0;
	[sflag:s24] =	ssyncadd.s32 $0xFFFFC000  }
0x41: {  	[tilespmem:s20], [sflag:$0x1] =	stream.indirect.gather [hbm4b:s2+s16], $0x80, s28, s16, $0xb8;
	[tilespmem:$0x10C00] =	vst v63  }
.LBB2_2:
0x42: {  	_ =	swait.ge [sflag:s21], $0x4000  }
0x43: {  	s22 =	sshrl.u32 s31, $0x3;
	[sflag:s21] =	ssyncset.done $0x0  }
0x44: {  	s22 =	sadd.s32 s4, s22;
	[sflag:s21] =	ssyncadd.s32 $0xFFFFC000  }
0x45: {  	[hbm4b:s22+s3] =	stream.linear.scatter [tilespmem:s17], [sflag:$0x2], $0x4000, $0x38;
	[tilespmem:$0x10C00] =	vst v63  }
0x46: {  	_ =	swait.ge [sflag:s24], $0x4000  }
0x47: {  	s22 =	sshra.s32 s19, $0x2;
	[sflag:s24] =	ssyncset.done $0x0  }
0x48: {  	s25 =	sadd.s32 $0x380, s22;
	[sflag:s24] =	ssyncadd.s32 $0xFFFFC000  }
0x49: {  	[tilespmem:s23], [sflag:$0x1] =	stream.indirect.gather [hbm4b:s2+s16], $0x80, s25, s16, $0xb8;
	[tilespmem:$0x10C00] =	vst v63  }
0x4a: {  	_ =	swait.ge [sflag:s21], $0x4000  }
0x4b: {  	[sflag:s21] =	ssyncset.done $0x0  }
0x4c: {  	[sflag:s21] =	ssyncadd.s32 $0xFFFFC000  }
0x4d: {  	[hbm4b:s12+s3] =	stream.linear.scatter [tilespmem:s18], [sflag:$0x2], $0x4000, $0x38;
	[tilespmem:$0x10C00] =	vst v63  }
0x4e: {  	p0 =	seq.s32 s19, $0x1800;
	_ =	swait.ge [sflag:s24], $0x4000  }
0x4f: {  	s28 =	simm.s32 @!p0 $0x80;
	s25 =	sshra.s32 @!p0 s19, $0x2;
	[sflag:s24] =	ssyncset.done $0x0  }
0x50: {  	s5 =	simm.s32 @!p0 $0xC00;
	s26 =	sadd.s32 @!p0 $0x400, s25;
	[sflag:s24] =	ssyncadd.s32 $0xFFFFC000  }
0x51: {  	[tilespmem:s5], [sflag:$0x1] =	stream.indirect.gather @!p0 [hbm4b:s2+s28], $0x80, s26, s28, $0xb8;
	[tilespmem:$0x10C00] =	vst v63  }
0x52: {  	_ =	swait.ge [sflag:s21], $0x4000  }
0x53: {  	[sflag:s21] =	ssyncset.done $0x0  }
0x54: {  	[sflag:s21] =	ssyncadd.s32 $0xFFFFC000  }
0x55: {  	[hbm4b:s11+s3] =	stream.linear.scatter [tilespmem:s20], [sflag:$0x2], $0x4000, $0x38;
	[tilespmem:$0x10C00] =	vst v63  }
0x56: {  	_ =	swait.ge [sflag:s24], $0x4000  }
0x57: {  	[sflag:s24] =	ssyncset.done $0x0  }
0x58: {  	s5 =	sadd.s32 @!p0 $0x480, s25;
	s25 =	simm.s32 @!p0 $0x4C00;
	[sflag:s24] =	ssyncadd.s32 $0xFFFFC000  }
0x59: {  	[tilespmem:s25], [sflag:$0x1] =	stream.indirect.gather @!p0 [hbm4b:s2+s28], $0x80, s5, s28, $0xb8;
	[tilespmem:$0x10C00] =	vst v63  }
0x5a: {  	_ =	swait.ge [sflag:s21], $0x4000  }
0x5b: {  	[sflag:s21] =	ssyncset.done $0x0  }
.Ltmp2:
0x5c: {  	[sflag:s21] =	ssyncadd.s32 $0xFFFFC000;
	(pc) =	sbr.rel @p0 .LBB2_4-.Ltmp2, $4  }
0x5d: {  	[hbm4b:s30+s3] =	stream.linear.scatter [tilespmem:s23], [sflag:$0x2], $0x4000, $0x38;
	[tilespmem:$0x10C00] =	vst v63  }
0x5e: {  	_ =	swait.ge [sflag:s24], $0x4000  }
0x5f: {  	[sflag:s24] =	ssyncset.done $0x0  }
0x60: {  	[sflag:s24] =	ssyncadd.s32 $0xFFFFC000  }
.Ltmp3:
0x61: {  	(pc) =	sbr.rel .LBB2_2-.Ltmp3, $4  }
0x62: {  	_ = 	snop  }
0x63: {  	s5 =	sadd.s32 $0x500, s22;
	s19 =	sadd.s32 $0x800, s19;
	s11 =	sadd.s32 $0x2000, s11  }
0x64: {  	s12 =	sadd.s32 $0x2000, s12;
	s31 =	sadd.s32 $0x10000, s31;
	s30 =	sadd.s32 $0x2000, s30  }
0x65: {  	[tilespmem:s20], [sflag:$0x1] =	stream.indirect.gather [hbm4b:s2+s16], $0x80, s5, s16, $0xb8;
	[tilespmem:$0x10C00] =	vst v63  }
.LBB2_5:
0x66: {  	_ =	sfence.sel $0x180000  }
0x67: {  	[bflag:$0x0] =	sbarrier.arrive $0xFFFF  }
0x68: {  	_ =	strace $0x9000004D  }
0x69: {  	s0 =	stileid.u32;
	[bflag:$0x2] =	sbarrier.arrive $0xFFFF  }
0x6a: {  	p0 =	sne.s32 s0, $0x0;
	s0 =	rddreg [dreg:$0x2]  }
0x6b: {  	s0 =	sadd.s32 @!p0 $0x100000, s0  }
0x6c: {  	[sflag:s0] =	ssyncadd.tile.s32 @!p0 $0x1;
	_ =	shalt  }
.Lfunc_end2:
_tile_overlayer_lowered:
.L_overlay_start_2:
0x6d: {  	(tag) =	ssettag $0x2  }
0x6e: {  	s0 =	rddreg [dreg:$0x0];
	s2 =	stileid.u32  }
0x6f: {  	s1 =	rddreg [dreg:$0x1];
	p0 =	sne.s32 s2, $0x0  }
0x70: {  	s3 =	rddreg [dreg:$0x2];
	[bflag:$0x3] =	sbarrier.arrive $0xFFFF;
	s2 =	simm.s32 @!p0 $0x1C03  }
0x71: {  	[timem:s3], [sflag:s2] =	dma.local @!p0 [hbm:s0], s1  }
0x72: {  	s0 =	simm.s32 @!p0 $0x3  }
0x73: {  	_ =	swait.ge @!p0 [sflag:s0], s1  }
0x74: {  	s1 =	ssub.s32 @!p0 $0x0, s1;
	[sflag:s0] =	ssyncset.done @!p0 $0x0  }
0x75: {  	[sflag:s0] =	ssyncadd.s32 @!p0 s1  }
0x76: {  	[bflag:$0x3] =	sbarrier.arrive $0xFFFF  }
0x77: {  	_ =	shalt  }

// kernel: kernel.19.cloned.1.call-start
scs
__scs_entry_jumppad:
0x0: {  	(pc) =	sbr.rel $0x88, $3  }
0x1: {  	(tag) =	ssettag $0x0;
	lr =	simm.s32 $0x1  }
0x2: {  	[smem:$0x3F99] =	sst lr;
	_ =	strace $0xD0000000  }
0x3: {  	_ = 	snop  }
0x4: {  	_ = 	snop  }
0x5: {  	_ = 	snop  }
0x6: {  	_ = 	snop  }
0x7: {  	_ = 	snop  }
__scs_overlays_trampoline_lowered:
0x8: {  	[smem:$0x3FA8] =	sst s0  }
0x9: {  	[smem:$0x3FA9] =	sst s1  }
0xa: {  	[smem:$0x3FAA] =	sst s2  }
0xb: {  	[smem:$0x3FAB] =	sst s3  }
0xc: {  	[smem:$0x3FAC] =	sst s4  }
0xd: {  	[smem:$0x3FAD] =	sst s5  }
0xe: {  	[smem:$0x3FAE] =	sst s6  }
0xf: {  	[smem:$0x3FAF] =	sst s7  }
0x10: {  	[smem:$0x3FB0] =	sst s8  }
0x11: {  	[smem:$0x3FB1] =	sst s9;
	s0 =	simm.s32 @!p0 $0x0  }
0x12: {  	s1 =	sld [smem:$0x3F97];
	s0 =	simm.s32 @p0 $0x1  }
0x13: {  	[smem:$0x3FB2] =	sst s0;
	s0 =	simm.s32 @!p1 $0x0  }
0x14: {  	s2 =	sld [smem:$0x3F96];
	s0 =	simm.s32 @p1 $0x1  }
0x15: {  	[smem:$0x3FB3] =	sst s0;
	s0 =	simm.s32 @!p2 $0x0  }
0x16: {  	s3 =	sld [smem:$0x3FDB];
	s0 =	simm.s32 @p2 $0x1  }
0x17: {  	s4 =	simm.s32 $0x1BF5;
	[smem:$0x3FB5] =	sst s0  }
0x18: {  	s0 =	sld [smem:$0x3F98];
	_ =	swait.ge [sflag:s4], $0x0  }
0x19: {  	s7 =	sld [smem:$0x3F99]  }
0x1a: {  	s8 =	sadd.s32 $0xFFFFE003, lr  }
0x1b: {  	s9 =	sadd.s32 $0xFFFFFEF7, lr;
	s5 =	simm.s32 $0xFFFFFFFF;
	p2 =	slt.u32 s8, $0xFFFFF086  }
0x1c: {  	p1 =	slt.u32 s9, $0xF7A;
	s5 =	simm.s32 @!p2 $0x0  }
0x1d: {  	s5 =	simm.s32 @p1 $0x1;
	p0 =	seq.s32 s7, s2  }
0x1e: {  	s7 =	smul.u32 @!p0 $0xF7A, s2;
	p2 =	seq.s32 @!p0 s5, $0x0  }
0x1f: {  	s9 =	smul.u32 $0xF7A, s1;
	s8 =	simm.s32 @!p0 $0x1BF5;
	p2 =	por !p2, p0  }
0x20: {  	[sflag:s8] =	ssyncset.s32 @!p0 $0xFFFFF086;
	s6 =	sadd.s32 @!p0 s3, s7;
	s7 =	simm.s32 @!p0 $0x108  }
0x21: {  	s3 =	sadd.s32 s3, s9;
	s6 =	sadd.s32 @!p0 $0x88, s6;
	s7 =	simm.s32 @p2 $0x1082  }
0x22: {  	[simem:s7], [sflag:s8] =	dma.local @!p0 [hbm:s6], $0xF7A  }
0x23: {  	s9 =	sor.u32 $0xD0000000, s2;
	s6 =	simm.s32 $0x108;
	_ =	swait.ge @!p0 [sflag:s8], $0x0  }
0x24: {  	s3 =	sadd.s32 $0x88, s3;
	s6 =	simm.s32 @!p1 $0x1082;
	[sflag:s4] =	ssyncset.s32 $0xFFFFF086  }
0x25: {  	[simem:s6], [sflag:s4] =	dma.local [hbm:s3], $0xF7A  }
0x26: {  	[smem:$0x3F99] =	sst s1;
	(tag) =	ssettag s2;
	_ =	strace s9  }
0x27: {  	s1 =	sld [smem:$0x3FA9]  }
0x28: {  	s2 =	sld [smem:$0x3FAA]  }
0x29: {  	s4 =	sld [smem:$0x3FAC]  }
0x2a: {  	p0 =	seq.s32 s5, $0x0;
	s5 =	sld [smem:$0x3FAD]  }
0x2b: {  	s6 =	sld [smem:$0x3FAE]  }
0x2c: {  	s7 =	sld [smem:$0x3FAF]  }
0x2d: {  	s3 =	simm.s32 $0x108;
	s8 =	sld [smem:$0x3FB0]  }
0x2e: {  	s3 =	simm.s32 @!p0 $0x1082;
	s9 =	sld [smem:$0x3FB1]  }
0x2f: {  	lr =	sadd.s32 s0, s3;
	s0 =	sld [smem:$0x3FA8]  }
0x30: {  	s3 =	sld [smem:$0x3FAB]  }
0x31: {  	[smem:$0x3FB4] =	sst s10  }
0x32: {  	s10 =	sld [smem:$0x3FB2];
	_ =	sdelay $0x3  }
0x33: {  	p0 =	seq.s32 s10, $0x1;
	s10 =	sld [smem:$0x3FB4];
	_ =	sdelay $0x3  }
0x34: {  	[smem:$0x3FB4] =	sst s10  }
0x35: {  	s10 =	sld [smem:$0x3FB3];
	_ =	sdelay $0x3  }
0x36: {  	p1 =	seq.s32 s10, $0x1;
	s10 =	sld [smem:$0x3FB4];
	_ =	sdelay $0x3  }
0x37: {  	[smem:$0x3FB4] =	sst s10  }
0x38: {  	s10 =	sld [smem:$0x3FB5]  }
0x39: {  	_ = 	snop;
	(pc) =	sbr.ind lr, $3  }
0x3a: {  	_ = 	snop  }
0x3b: {  	_ = 	snop  }
0x3c: {  	p2 =	seq.s32 s10, $0x1;
	s10 =	sld [smem:$0x3FB4]  }
0x3d: {  	_ =	shalt  }
0x3e: {  	_ =	shalt  }
0x3f: {  	_ =	shalt  }
0x40: {  	_ =	shalt  }
0x41: {  	_ =	shalt  }
0x42: {  	_ =	shalt  }
0x43: {  	_ =	shalt  }
0x44: {  	_ =	shalt  }
0x45: {  	_ =	shalt  }
0x46: {  	_ =	shalt  }
0x47: {  	_ =	shalt  }
0x48: {  	_ =	shalt  }
0x49: {  	_ =	shalt  }
0x4a: {  	_ =	shalt  }
0x4b: {  	_ =	shalt  }
0x4c: {  	_ =	shalt  }
0x4d: {  	_ =	shalt  }
0x4e: {  	_ =	shalt  }
0x4f: {  	_ =	shalt  }
0x50: {  	_ =	shalt  }
0x51: {  	_ =	shalt  }
0x52: {  	_ =	shalt  }
0x53: {  	_ =	shalt  }
0x54: {  	_ =	shalt  }
0x55: {  	_ =	shalt  }
0x56: {  	_ =	shalt  }
0x57: {  	_ =	shalt  }
0x58: {  	_ =	shalt  }
0x59: {  	_ =	shalt  }
0x5a: {  	_ =	shalt  }
0x5b: {  	_ =	shalt  }
0x5c: {  	_ =	shalt  }
0x5d: {  	_ =	shalt  }
0x5e: {  	_ =	shalt  }
0x5f: {  	_ =	shalt  }
0x60: {  	_ =	shalt  }
0x61: {  	_ =	shalt  }
0x62: {  	_ =	shalt  }
0x63: {  	_ =	shalt  }
0x64: {  	_ =	shalt  }
0x65: {  	_ =	shalt  }
0x66: {  	_ =	shalt  }
0x67: {  	_ =	shalt  }
0x68: {  	_ =	shalt  }
0x69: {  	_ =	shalt  }
0x6a: {  	_ =	shalt  }
0x6b: {  	_ =	shalt  }
0x6c: {  	_ =	shalt  }
0x6d: {  	_ =	shalt  }
0x6e: {  	_ =	shalt  }
0x6f: {  	_ =	shalt  }
0x70: {  	_ =	shalt  }
0x71: {  	_ =	shalt  }
0x72: {  	_ =	shalt  }
0x73: {  	_ =	shalt  }
0x74: {  	_ =	shalt  }
0x75: {  	_ =	shalt  }
0x76: {  	_ =	shalt  }
0x77: {  	_ =	shalt  }
0x78: {  	_ =	shalt  }
0x79: {  	_ =	shalt  }
0x7a: {  	_ =	shalt  }
0x7b: {  	_ =	shalt  }
0x7c: {  	_ =	shalt  }
0x7d: {  	_ =	shalt  }
0x7e: {  	_ =	shalt  }
0x7f: {  	_ =	shalt  }
0x80: {  	_ =	shalt  }
0x81: {  	_ =	shalt  }
0x82: {  	_ =	shalt  }
0x83: {  	_ =	shalt  }
0x84: {  	_ =	shalt  }
0x85: {  	_ =	shalt  }
0x86: {  	_ =	shalt  }
0x87: {  	_ =	shalt  }
.Lfunc_end0:
.L_simem_size_0:
called_computation.3_lowered:
.L_overlay_start_0:
0x88: {  	s2 =	sld [smem:$0x3FD9]  }
0x89: {  	s3 =	sld [smem:$0x3FFE];
	_ =	sdelay $0x1  }
0x8a: {  	s1 =	srdreg.scid  }
0x8b: {  	s0 =	sand.u32 $0x1, s1  }
0x8c: {  	s17 =	sshll.u32 s0, $0xA;
	s2 =	sadd.s32 s3, s2  }
0x8d: {  	s2 =	sadd.s32 s2, s17  }
0x8e: {  	[smem:$0x3FC0] =	sst s2  }
0x8f: {  	_ = 	snop  }
0x90: {  	s18 =	sld [smem:$0x3FC7];
	(tm) =	ssettm $0x1  }
0x91: {  	s19 =	sld [smem:$0x3FFB];
	_ =	sdelay $0x3  }
0x92: {  	_ =	strace s19  }
0x93: {  	s2 =	sld [smem:$0x3FFC];
	_ =	sdelay $0x3  }
0x94: {  	_ =	strace s2  }
0x95: {  	s2 =	sld [smem:$0x3FFD];
	_ =	sdelay $0x3  }
0x96: {  	_ =	strace s2  }
0x97: {  	_ =	strace $0x8FFFFFFF  }
0x98: {  	s20 =	sld [smem:$0x3FDB];
	_ =	sdelay $0x1  }
0x99: {  	s4 =	simm.s32 $_scs_section_size  }
0x9a: {  	s5 =	simm.s32 $_size__tile_overlayer_lowered;
	s6 =	simm.s32 $_tile_overlayer_lowered  }
0x9b: {  	s7 =	simm.s32 $0x1BFF;
	s21 =	sshll.u32 s6, $0x1;
	s4 =	sadd.s32 s4, s20  }
0x9c: {  	s22 =	simm.s32 $0x0;
	s5 =	sshll.u32 s5, $0x1;
	s6 =	sadd.s32 s21, s4  }
0x9d: {  	[timem:s22], [sflag:s7] =	dma.local [hbm:s6], s5  }
0x9e: {  	_ =	swait.ge [sflag:s7], s5  }
0x9f: {  	s5 =	ssub.s32 $0x0, s5;
	[sflag:s7] =	ssyncset.done $0x0  }
0xa0: {  	[sflag:s7] =	ssyncadd.s32 s5;
	_ =	sdelay $0x1  }
0xa1: {  	s23 =	simm.s32 $0x1B8B  }
0xa2: {  	_ =	swait.ge [sflag:s23], $0x1  }
0xa3: {  	[sflag:s23] =	ssyncset.done $0x0  }
0xa4: {  	[sflag:s23] =	ssyncadd.s32 $0xFFFFFFFF  }
0xa5: {  	s5 =	sld [smem:$0x0]  }
0xa6: {  	s6 =	sand.u32 $0xFFFFFFFE, s1  }
0xa7: {  	p0 =	sne.s32 s1, s6  }
0xa8: {  	s6 =	sshll.u32 @p0 s6, $0xE  }
0xa9: {  	s6 =	sadd.s32 @p0 $0x11B8D, s6;
	s7 =	sshll.u32 @p0 s5, $0x11  }
0xaa: {  	s6 =	sor.u32 @p0 s7, s6  }
0xab: {  	[sflag:s6] =	ssyncadd.remote.s32 @p0 $0x1;
	_ =	sdelay $0x1  }
0xac: {  	s6 =	simm.s32 @p0 $0x1B8D  }
0xad: {  	_ =	swait.eq @p0 [sflag:s6], $0x1  }
0xae: {  	[sflag:s6] =	ssyncadd.s32 @p0 $0xFFFFFFFF  }
0xaf: {  	s7 =	sshll.u32 @!p0 s1, $0xE  }
0xb0: {  	s7 =	sor.u32 @!p0 $0x4000, s7;
	s6 =	simm.s32 @!p0 $0x1B8D  }
0xb1: {  	s5 =	sshll.u32 @!p0 s5, $0x11;
	s7 =	sadd.s32 @!p0 $0x11B8D, s7;
	_ =	swait.eq @!p0 [sflag:s6], $0x1  }
0xb2: {  	s5 =	sor.u32 @!p0 s5, s7;
	[sflag:s6] =	ssyncadd.s32 @!p0 $0xFFFFFFFF  }
0xb3: {  	s25 =	simm.s32 $0x1B8E;
	s24 =	sld [smem:$0x3FFE];
	[sflag:s5] =	ssyncadd.remote.s32 @!p0 $0x1  }
0xb4: {  	s26 =	simm.s32 $execute0_lowered;
	[smem:$0x3FD2] =	sst s25  }
0xb5: {  	s6 =	sshll.u32 s26, $0x1;
	_ =	strace $0x8000004F;
	[dreg:$0x1] =	wrdreg $0xFFFFFFFF  }
0xb6: {  	s28 =	simm.s32 $_size_execute0_lowered;
	s4 =	sadd.s32 s4, s6;
	[dreg:$0x0] =	wrdreg $0x0  }
0xb7: {  	s6 =	sshll.u32 s28, $0x1;
	[dreg:$0x2] =	wrdreg s4  }
0xb8: {  	[dreg:$0x3] =	wrdreg s6  }
0xb9: {  	[dreg:$0x4] =	wrdreg $0xC0  }
0xba: {  	_ =	task [dreg:s22], $0x5FFFF  }
0xbb: {  	[dreg:$0x1] =	wrdreg $0xFFFFFFFF  }
0xbc: {  	[dreg:$0x0] =	wrdreg $0x60  }
0xbd: {  	[dreg:$0x2] =	wrdreg s18  }
0xbe: {  	[dreg:$0x3] =	wrdreg s24  }
0xbf: {  	[dreg:$0x4] =	wrdreg $0xC  }
0xc0: {  	_ =	task.clear_ibuf [dreg:s22], $0x5FFFF;
	_ =	strace $0x9000004F  }
0xc1: {  	s29 =	simm.s32 $0xC;
	_ =	strace $0x80000051  }
0xc2: {  	_ =	swait.ge [sflag:s29], $0x1  }
0xc3: {  	[sflag:s29] =	ssyncadd.s32 $0xFFFFFFFF  }
0xc4: {  	_ =	strace $0x90000051  }
0xc5: {  	_ =	sfence  }
0xc6: {  	s30 =	sld [smem:$0x0];
	_ =	sdelay $0x2  }
0xc7: {  	s31 =	sshll.u32 s1, $0xD;
	s1 =	sshrl.u32 s1, $0x2  }
0xc8: {  	s4 =	sand.u32 $0x4000, s31;
	s1 =	sadd.s32 s1, s30  }
0xc9: {  	s0 =	sor.u32 s4, s0;
	s1 =	sshll.u32 s1, $0x11  }
0xca: {  	s0 =	sor.u32 s1, s0  }
0xcb: {  	s0 =	sadd.s32 $0x8F2B, s0  }
0xcc: {  	[sflag:s0] =	ssyncadd.remote.s32 $0x1  }
0xcd: {  	_ =	sfence.sel $0xFFFF  }
0xce: {  	[dreg:$0x0] =	wrdreg $0xFFFFFFFF;
	(pc) =	sbr.abs _section_cstart, $3  }
0xcf: {  	[dreg:$0x1] =	wrdreg $0xFFFFFFFF  }
0xd0: {  	_ =	task.clear_ibuf [dreg:s22], $0x2FFFF;
	_ =	strace $0x9FFFFFFF  }
0xd1: {  	(tm) =	ssettm $0x7FFFFFFF  }
tec
execute0_lowered:
.L_overlay_start_1:
0x0: {  	(tag) =	ssettag $0x1  }
0x1: {  	s0 =	srdreg.scid;
	s2 =	rddreg [dreg:$0x0]  }
0x2: {  	s8 =	stileid.u32;
	s4 =	rddreg [dreg:$0x1]  }
0x3: {  	s3 =	simm.s32 $0x0;
	s15 =	simm.s32 $0x3;
	s16 =	simm.s32 $0x80  }
0x4: {  	s17 =	simm.s32 $0xC00;
	s18 =	simm.s32 $0x4C00;
	s20 =	simm.s32 $0x8C00  }
0x5: {  	s21 =	simm.s32 $0x1;
	s23 =	simm.s32 $0xCC00;
	s24 =	simm.s32 $0x2  }
0x6: {  	s0 =	sand.u32 $0x1, s0;
	s1 =	sshll.u32 s8, $0x1;
	s8 =	smul.u32 $0xA0000, s8  }
0x7: {  	s1 =	sor.u32 s0, s1;
	s6 =	ssub.s32 $0x2, s0;
	s0 =	smul.u32 $0x50000, s0  }
0x8: {  	s29 =	simm.s32 $0x0;
	[smem:$0x7FF] =	sst s3;
	s5 =	smul.u32 $0x180, s1  }
0x9: {  	_ =	strace $0x80000050;
	s7 =	sshrl.u32 s6, $0x1;
	s1 =	smul.u32 $0x50000, s1  }
0xa: {  	s6 =	ssub.s32 s6, s7;
	s11 =	sadd.s32 s0, s8;
	s5 =	sadd.s32 s5, s4  }
0xb: {  	s4 =	sadd.s32 $0x3CE000, s4;
	s9 =	sor.u32 $0x4000, s1;
	s28 =	sshrl.u32 s1, $0x3  }
0xc: {  	s1 =	sor.u32 $0x8000, s1;
	s6 =	smax.u32 s6, $0x1;
	s0 =	sadd.s32 $0x18000, s11  }
0xd: {  	s30 =	sadd.s32 $0x14000, s11;
	s12 =	sadd.s32 $0x1C000, s11;
	s13 =	sadd.s32 $0x10000, s11  }
.Ltmp0:
0xe: {  	s5 =	sadd.s32 $0x3CB000, s5;
	s7 =	sadd.s32 s4, s28;
	(pc) =	sbr.rel .LBB2_1-.Ltmp0, $4  }
0xf: {  	s9 =	sshrl.u32 s9, $0x3;
	s1 =	sshrl.u32 s1, $0x3;
	s0 =	sshrl.u32 s0, $0x3  }
0x10: {  	s31 =	sshrl.u32 s12, $0x3;
	[dreg:$0x3] =	wrdreg s5;
	s8 =	sadd.s32 s4, s9  }
0x11: {  	s9 =	sadd.s32 s4, s1;
	s10 =	sadd.s32 $0x1800, s7;
	s1 =	sshrl.u32 s30, $0x3  }
0x12: {  	s0 =	sadd.s32 s0, s4;
	s14 =	sadd.s32 s31, s4;
	s1 =	sadd.s32 s1, s4  }
.LBB2_4:
0x13: {  	s29 =	sadd.s32 $0x1, s29  }
0x14: {  	p0 =	sne.s32 s29, s6  }
.Ltmp1:
0x15: {  	_ = 	snop;
	(pc) =	sbr.rel @!p0 .LBB2_5-.Ltmp1, $4  }
0x16: {  	_ = 	snop  }
0x17: {  	_ =	swait.ge [sflag:s24], $0x4000  }
0x18: {  	[sflag:s24] =	ssyncset.done $0x0  }
0x19: {  	[sflag:s24] =	ssyncadd.s32 $0xFFFFC000  }
.LBB2_1:
0x1a: {  	s5 =	rddreg [dreg:$0x3]  }
0x1b: {  	[tilespmem:s3], [sflag:$0x3] =	stream.linear.gather [hbm4b:s5+s3], $0xA00, $0x38;
	[tilespmem:$0x10C00] =	vst v63  }
0x1c: {  	_ =	swait.ge [sflag:s15], $0xA00  }
0x1d: {  	[sflag:s15] =	ssyncset.done $0x0  }
0x1e: {  	[sflag:s15] =	ssyncadd.s32 $0xFFFFF600  }
0x1f: {  	[tilespmem:s17], [sflag:$0x1] =	stream.indirect.gather [hbm4b:s2+s16], $0x80, s3, s16, $0xb8;
	[tilespmem:$0x10C00] =	vst v63  }
0x20: {  	_ = 	snop  }
0x21: {  	[tilespmem:s18], [sflag:$0x1] =	stream.indirect.gather [hbm4b:s2+s16], $0x80, s16, s16, $0xb8;
	[tilespmem:$0x10C00] =	vst v63  }
0x22: {  	s19 =	simm.s32 $0x100  }
0x23: {  	[tilespmem:s20], [sflag:$0x1] =	stream.indirect.gather [hbm4b:s2+s16], $0x80, s19, s16, $0xb8;
	[tilespmem:$0x10C00] =	vst v63  }
0x24: {  	_ =	swait.ge [sflag:s21], $0x4000  }
0x25: {  	[sflag:s21] =	ssyncset.done $0x0  }
0x26: {  	[sflag:s21] =	ssyncadd.s32 $0xFFFFC000  }
0x27: {  	[hbm4b:s7+s3] =	stream.linear.scatter [tilespmem:s17], [sflag:$0x2], $0x4000, $0x38;
	[tilespmem:$0x10C00] =	vst v63  }
0x28: {  	s22 =	simm.s32 $0x180  }
0x29: {  	[tilespmem:s23], [sflag:$0x1] =	stream.indirect.gather [hbm4b:s2+s16], $0x80, s22, s16, $0xb8;
	[tilespmem:$0x10C00] =	vst v63  }
0x2a: {  	_ =	swait.ge [sflag:s21], $0x4000  }
0x2b: {  	[sflag:s21] =	ssyncset.done $0x0  }
0x2c: {  	[sflag:s21] =	ssyncadd.s32 $0xFFFFC000  }
0x2d: {  	[hbm4b:s8+s3] =	stream.linear.scatter [tilespmem:s18], [sflag:$0x2], $0x4000, $0x38;
	[tilespmem:$0x10C00] =	vst v63  }
0x2e: {  	_ =	swait.ge [sflag:s24], $0x4000  }
0x2f: {  	[sflag:s24] =	ssyncset.done $0x0  }
0x30: {  	s25 =	simm.s32 $0x200;
	[sflag:s24] =	ssyncadd.s32 $0xFFFFC000  }
0x31: {  	[tilespmem:s17], [sflag:$0x1] =	stream.indirect.gather [hbm4b:s2+s16], $0x80, s25, s16, $0xb8;
	[tilespmem:$0x10C00] =	vst v63  }
0x32: {  	_ =	swait.ge [sflag:s21], $0x4000  }
0x33: {  	[sflag:s21] =	ssyncset.done $0x0  }
0x34: {  	[sflag:s21] =	ssyncadd.s32 $0xFFFFC000  }
0x35: {  	[hbm4b:s9+s3] =	stream.linear.scatter [tilespmem:s20], [sflag:$0x2], $0x4000, $0x38;
	[tilespmem:$0x10C00] =	vst v63  }
0x36: {  	_ =	swait.ge [sflag:s24], $0x4000  }
0x37: {  	[sflag:s24] =	ssyncset.done $0x0  }
0x38: {  	s26 =	simm.s32 $0x280;
	[sflag:s24] =	ssyncadd.s32 $0xFFFFC000  }
0x39: {  	[tilespmem:s18], [sflag:$0x1] =	stream.indirect.gather [hbm4b:s2+s16], $0x80, s26, s16, $0xb8;
	[tilespmem:$0x10C00] =	vst v63  }
0x3a: {  	_ =	swait.ge [sflag:s21], $0x4000  }
0x3b: {  	[sflag:s21] =	ssyncset.done $0x0  }
0x3c: {  	[sflag:s21] =	ssyncadd.s32 $0xFFFFC000  }
0x3d: {  	[hbm4b:s10+s3] =	stream.linear.scatter [tilespmem:s23], [sflag:$0x2], $0x4000, $0x38;
	[tilespmem:$0x10C00] =	vst v63  }
0x3e: {  	s28 =	simm.s32 $0x300;
	s30 =	smov.u32 s14;
	_ =	swait.ge [sflag:s24], $0x4000  }
0x3f: {  	s31 =	smov.u32 s13;
	s12 =	smov.u32 s1;
	[sflag:s24] =	ssyncset.done $0x0  }
0x40: {  	s11 =	smov.u32 s0;
	s19 =	simm.s32 $0x0;
	[sflag:s24] =	ssyncadd.s32 $0xFFFFC000  }
0x41: {  	[tilespmem:s20], [sflag:$0x1] =	stream.indirect.gather [hbm4b:s2+s16], $0x80, s28, s16, $0xb8;
	[tilespmem:$0x10C00] =	vst v63  }
.LBB2_2:
0x42: {  	_ =	swait.ge [sflag:s21], $0x4000  }
0x43: {  	s22 =	sshrl.u32 s31, $0x3;
	[sflag:s21] =	ssyncset.done $0x0  }
0x44: {  	s22 =	sadd.s32 s4, s22;
	[sflag:s21] =	ssyncadd.s32 $0xFFFFC000  }
0x45: {  	[hbm4b:s22+s3] =	stream.linear.scatter [tilespmem:s17], [sflag:$0x2], $0x4000, $0x38;
	[tilespmem:$0x10C00] =	vst v63  }
0x46: {  	_ =	swait.ge [sflag:s24], $0x4000  }
0x47: {  	s22 =	sshra.s32 s19, $0x2;
	[sflag:s24] =	ssyncset.done $0x0  }
0x48: {  	s25 =	sadd.s32 $0x380, s22;
	[sflag:s24] =	ssyncadd.s32 $0xFFFFC000  }
0x49: {  	[tilespmem:s23], [sflag:$0x1] =	stream.indirect.gather [hbm4b:s2+s16], $0x80, s25, s16, $0xb8;
	[tilespmem:$0x10C00] =	vst v63  }
0x4a: {  	_ =	swait.ge [sflag:s21], $0x4000  }
0x4b: {  	[sflag:s21] =	ssyncset.done $0x0  }
0x4c: {  	[sflag:s21] =	ssyncadd.s32 $0xFFFFC000  }
0x4d: {  	[hbm4b:s12+s3] =	stream.linear.scatter [tilespmem:s18], [sflag:$0x2], $0x4000, $0x38;
	[tilespmem:$0x10C00] =	vst v63  }
0x4e: {  	p0 =	seq.s32 s19, $0x1800;
	_ =	swait.ge [sflag:s24], $0x4000  }
0x4f: {  	s28 =	simm.s32 @!p0 $0x80;
	s25 =	sshra.s32 @!p0 s19, $0x2;
	[sflag:s24] =	ssyncset.done $0x0  }
0x50: {  	s5 =	simm.s32 @!p0 $0xC00;
	s26 =	sadd.s32 @!p0 $0x400, s25;
	[sflag:s24] =	ssyncadd.s32 $0xFFFFC000  }
0x51: {  	[tilespmem:s5], [sflag:$0x1] =	stream.indirect.gather @!p0 [hbm4b:s2+s28], $0x80, s26, s28, $0xb8;
	[tilespmem:$0x10C00] =	vst v63  }
0x52: {  	_ =	swait.ge [sflag:s21], $0x4000  }
0x53: {  	[sflag:s21] =	ssyncset.done $0x0  }
0x54: {  	[sflag:s21] =	ssyncadd.s32 $0xFFFFC000  }
0x55: {  	[hbm4b:s11+s3] =	stream.linear.scatter [tilespmem:s20], [sflag:$0x2], $0x4000, $0x38;
	[tilespmem:$0x10C00] =	vst v63  }
0x56: {  	_ =	swait.ge [sflag:s24], $0x4000  }
0x57: {  	[sflag:s24] =	ssyncset.done $0x0  }
0x58: {  	s5 =	sadd.s32 @!p0 $0x480, s25;
	s25 =	simm.s32 @!p0 $0x4C00;
	[sflag:s24] =	ssyncadd.s32 $0xFFFFC000  }
0x59: {  	[tilespmem:s25], [sflag:$0x1] =	stream.indirect.gather @!p0 [hbm4b:s2+s28], $0x80, s5, s28, $0xb8;
	[tilespmem:$0x10C00] =	vst v63  }
0x5a: {  	_ =	swait.ge [sflag:s21], $0x4000  }
0x5b: {  	[sflag:s21] =	ssyncset.done $0x0  }
.Ltmp2:
0x5c: {  	[sflag:s21] =	ssyncadd.s32 $0xFFFFC000;
	(pc) =	sbr.rel @p0 .LBB2_4-.Ltmp2, $4  }
0x5d: {  	[hbm4b:s30+s3] =	stream.linear.scatter [tilespmem:s23], [sflag:$0x2], $0x4000, $0x38;
	[tilespmem:$0x10C00] =	vst v63  }
0x5e: {  	_ =	swait.ge [sflag:s24], $0x4000  }
0x5f: {  	[sflag:s24] =	ssyncset.done $0x0  }
0x60: {  	[sflag:s24] =	ssyncadd.s32 $0xFFFFC000  }
.Ltmp3:
0x61: {  	(pc) =	sbr.rel .LBB2_2-.Ltmp3, $4  }
0x62: {  	_ = 	snop  }
0x63: {  	s5 =	sadd.s32 $0x500, s22;
	s19 =	sadd.s32 $0x800, s19;
	s11 =	sadd.s32 $0x2000, s11  }
0x64: {  	s12 =	sadd.s32 $0x2000, s12;
	s31 =	sadd.s32 $0x10000, s31;
	s30 =	sadd.s32 $0x2000, s30  }
0x65: {  	[tilespmem:s20], [sflag:$0x1] =	stream.indirect.gather [hbm4b:s2+s16], $0x80, s5, s16, $0xb8;
	[tilespmem:$0x10C00] =	vst v63  }
.LBB2_5:
0x66: {  	_ =	sfence.sel $0x180000  }
0x67: {  	[bflag:$0x0] =	sbarrier.arrive $0xFFFF  }
0x68: {  	_ =	strace $0x90000050  }
0x69: {  	s0 =	stileid.u32;
	[bflag:$0x2] =	sbarrier.arrive $0xFFFF  }
0x6a: {  	p0 =	sne.s32 s0, $0x0;
	s0 =	rddreg [dreg:$0x2]  }
0x6b: {  	s0 =	sadd.s32 @!p0 $0x100000, s0  }
0x6c: {  	[sflag:s0] =	ssyncadd.tile.s32 @!p0 $0x1;
	_ =	shalt  }
.Lfunc_end2:
_tile_overlayer_lowered:
.L_overlay_start_2:
0x6d: {  	(tag) =	ssettag $0x2  }
0x6e: {  	s0 =	rddreg [dreg:$0x0];
	s2 =	stileid.u32  }
0x6f: {  	s1 =	rddreg [dreg:$0x1];
	p0 =	sne.s32 s2, $0x0  }
0x70: {  	s3 =	rddreg [dreg:$0x2];
	[bflag:$0x3] =	sbarrier.arrive $0xFFFF;
	s2 =	simm.s32 @!p0 $0x1C03  }
0x71: {  	[timem:s3], [sflag:s2] =	dma.local @!p0 [hbm:s0], s1  }
0x72: {  	s0 =	simm.s32 @!p0 $0x3  }
0x73: {  	_ =	swait.ge @!p0 [sflag:s0], s1  }
0x74: {  	s1 =	ssub.s32 @!p0 $0x0, s1;
	[sflag:s0] =	ssyncset.done @!p0 $0x0  }
0x75: {  	[sflag:s0] =	ssyncadd.s32 @!p0 s1  }
0x76: {  	[bflag:$0x3] =	sbarrier.arrive $0xFFFF  }
0x77: {  	_ =	shalt  }

</sc_bundles>
